<compile_context>
chip_gen: v7x
topology: tpu7x:2x2x1
jax: 0.10.2.dev20260603
libtpu: 0.0.44.dev20260713+nightly
codegen_flags: <defaults>
</compile_context>

<pallas_src>
import functools

import jax
import jax.numpy as jnp
from jax import lax
from jax.experimental import pallas as pl
from jax.experimental.pallas import tpu as pltpu
from jax.experimental.pallas import tpu_sc as plsc

NC = 2
NS = 16
NW = NC * NS
LANES = 16
CHUNK = 128
SPLIT = 4
SUB = CHUNK // SPLIT
BLKC = 40


@functools.lru_cache(maxsize=None)
def _edge_agg(n_nodes, d, n_chunks, want_deg):
    npad = ((n_nodes + 1 + 127) // 128) * 128
    zrows = npad // NS
    assert n_chunks % BLKC == 0
    zsegs = []
    r0 = 0
    while r0 < zrows:
        zsegs.append((r0, min(CHUNK, zrows - r0)))
        r0 += CHUNK

    out_type = [jax.ShapeDtypeStruct((NC, npad, d), jnp.float32)]
    scratch = [
        pltpu.VMEM((BLKC, CHUNK), jnp.int32),
        pltpu.VMEM((BLKC, CHUNK), jnp.int32),
        pltpu.VMEM((CHUNK, d), jnp.float32),
        pltpu.VMEM((CHUNK, d), jnp.float32),
        pltpu.VMEM_SHARED((npad, d), jnp.float32),
        pltpu.SemaphoreType.DMA,
        pltpu.SemaphoreType.DMA,
        pltpu.SemaphoreType.DMA,
        pltpu.SemaphoreType.DMA,
    ]
    if want_deg:
        out_type.append(jax.ShapeDtypeStruct((NC, npad), jnp.float32))
        scratch += [
            pltpu.VMEM((CHUNK,), jnp.float32),
            pltpu.VMEM_SHARED((npad,), jnp.float32),
            pltpu.SemaphoreType.DMA,
        ]

    mesh = plsc.VectorSubcoreMesh(
        core_axis_name="c", subcore_axis_name="s", num_cores=NC,
        num_subcores=NS)

    def body(y_hbm, srcr_hbm, dstr_hbm, out_hbm, *rest):
        if want_deg:
            (deg_hbm, src_v, dst_v, rows_a, rows_b, acc, sga, sgb, ssa, ssb,
             ones1, deg1, sdg) = rest
        else:
            src_v, dst_v, rows_a, rows_b, acc, sga, sgb, ssa, ssb = rest
        c = lax.axis_index("c")
        s = lax.axis_index("s")
        w = c * NS + s

        def fill_a(val):
            vv = jnp.full((LANES,), val, jnp.float32)

            def _row(i, _):
                for j in range(d // LANES):
                    rows_a[i, pl.ds(j * LANES, LANES)] = vv
                return 0

            lax.fori_loop(0, CHUNK, _row, 0)

        def zero_acc():
            for (off, nr) in zsegs:
                pltpu.sync_copy(rows_a.at[pl.ds(0, nr)],
                                acc.at[pl.ds(s * zrows + off, nr)])

        def copy_out(dst_hbm):
            pltpu.sync_copy(acc.at[pl.ds(s * zrows, zrows)],
                            dst_hbm.at[c, pl.ds(s * zrows, zrows)])

        def gather_chunk(j, buf, sem):
            for k in range(SPLIT):
                pltpu.async_copy(
                    y_hbm.at[src_v.at[j, pl.ds(k * SUB, SUB)]],
                    buf.at[pl.ds(k * SUB, SUB)], sem)

        def wait_gather(buf, sem):
            for _ in range(SPLIT):
                pltpu.make_async_copy(
                    y_hbm.at[src_v.at[0, pl.ds(0, SUB)]],
                    buf.at[pl.ds(0, SUB)], sem).wait()

        def wait_scatter(buf, sem):
            pltpu.make_async_copy(buf, acc.at[dst_v.at[0]], sem).wait()

        fill_a(0.0)
        zero_acc()

        if want_deg:
            zv = jnp.zeros((LANES,), jnp.float32)
            for k in range(CHUNK // LANES):
                ones1[pl.ds(k * LANES, LANES)] = zv
            r0 = 0
            while r0 < zrows:
                nr = min(CHUNK, zrows - r0)
                pltpu.sync_copy(ones1.at[pl.ds(0, nr)],
                                deg1.at[pl.ds(s * zrows + r0, nr)])
                r0 += nr
            ov = jnp.ones((LANES,), jnp.float32)
            for k in range(CHUNK // LANES):
                ones1[pl.ds(k * LANES, LANES)] = ov

        plsc.subcore_barrier()

        def stage(b, _):
            pltpu.sync_copy(srcr_hbm.at[w, pl.ds(b * BLKC, BLKC)], src_v)
            pltpu.sync_copy(dstr_hbm.at[w, pl.ds(b * BLKC, BLKC)], dst_v)
            gather_chunk(0, rows_a, sga)
            gather_chunk(1, rows_b, sgb)

            def pair(i, _):
                j = 2 * i
                wait_gather(rows_a, sga)
                pltpu.async_copy(rows_a, acc.at[dst_v.at[j]], ssa, add=True)
                if want_deg:
                    pltpu.async_copy(ones1, deg1.at[dst_v.at[j]], sdg,
                                     add=True)
                wait_gather(rows_b, sgb)
                pltpu.async_copy(rows_b, acc.at[dst_v.at[j + 1]], ssb, add=True)
                if want_deg:
                    pltpu.async_copy(ones1, deg1.at[dst_v.at[j + 1]], sdg,
                                     add=True)
                wait_scatter(rows_a, ssa)
                gather_chunk(j + 2, rows_a, sga)
                wait_scatter(rows_b, ssb)
                gather_chunk(j + 3, rows_b, sgb)
                if want_deg:
                    for _k in range(2):
                        pltpu.make_async_copy(
                            ones1, deg1.at[dst_v.at[0]], sdg).wait()
                return 0

            lax.fori_loop(0, BLKC // 2 - 1, pair, 0)
            wait_gather(rows_a, sga)
            pltpu.sync_copy(rows_a, acc.at[dst_v.at[BLKC - 2]], add=True)
            wait_gather(rows_b, sgb)
            pltpu.sync_copy(rows_b, acc.at[dst_v.at[BLKC - 1]], add=True)
            if want_deg:
                pltpu.sync_copy(ones1, deg1.at[dst_v.at[BLKC - 2]], add=True)
                pltpu.sync_copy(ones1, deg1.at[dst_v.at[BLKC - 1]], add=True)
            return 0

        lax.fori_loop(0, n_chunks // BLKC, stage, 0)
        plsc.subcore_barrier()
        copy_out(out_hbm)
        if want_deg:
            @pl.when(s == 0)
            def _():
                pltpu.sync_copy(deg1, deg_hbm.at[c])

    return pl.kernel(body, out_type=out_type, mesh=mesh, scratch_types=scratch)




def _proj2_body(x_ref, wa_ref, wb_ref, oa_ref, ob_ref):
    x = x_ref[...]
    oa_ref[...] = jnp.dot(x, wa_ref[...], preferred_element_type=jnp.float32)
    ob_ref[...] = jnp.dot(x, wb_ref[...], preferred_element_type=jnp.float32)


def _proj2(x, wa, wb, blk):
    n, d = x.shape
    h = wa.shape[1]
    grid = -(-n // blk)
    return pl.pallas_call(
        _proj2_body,
        grid=(grid,),
        in_specs=[
            pl.BlockSpec((blk, d), lambda i: (i, 0)),
            pl.BlockSpec((d, h), lambda i: (0, 0)),
            pl.BlockSpec((d, h), lambda i: (0, 0)),
        ],
        out_specs=[
            pl.BlockSpec((blk, h), lambda i: (i, 0)),
            pl.BlockSpec((blk, h), lambda i: (i, 0)),
        ],
        out_shape=[jax.ShapeDtypeStruct((n, h), jnp.float32)] * 2,
    )(x, wa, wb)


def _mid_body(s1_ref, p_ref, degp_ref, b1_ref, wa_ref, wb_ref, s2_ref, y2_ref):
    deg = degp_ref[0, 0, 0, :] + degp_ref[1, 0, 0, :]
    inv = 1.0 / jnp.maximum(deg, 1.0)
    agg = (p_ref[0] + p_ref[1]) * inv[:, None]
    h1 = jnp.maximum(s1_ref[...] + agg + b1_ref[...], 0.0)
    s2_ref[...] = jnp.dot(h1, wa_ref[...], preferred_element_type=jnp.float32)
    y2_ref[...] = jnp.dot(h1, wb_ref[...], preferred_element_type=jnp.float32)


def _mid(s1, p, degp, b1, wa, wb):
    n, h = s1.shape
    blk = degp.shape[3]
    grid = degp.shape[1]
    return pl.pallas_call(
        _mid_body,
        grid=(grid,),
        in_specs=[
            pl.BlockSpec((blk, h), lambda i: (i, 0)),
            pl.BlockSpec((NC, blk, h), lambda i: (0, i, 0)),
            pl.BlockSpec((NC, 1, 1, blk), lambda i: (0, i, 0, 0)),
            pl.BlockSpec((1, h), lambda i: (0, 0)),
            pl.BlockSpec((h, h), lambda i: (0, 0)),
            pl.BlockSpec((h, h), lambda i: (0, 0)),
        ],
        out_specs=[
            pl.BlockSpec((blk, h), lambda i: (i, 0)),
            pl.BlockSpec((blk, h), lambda i: (i, 0)),
        ],
        out_shape=[jax.ShapeDtypeStruct((n, h), jnp.float32)] * 2,
    )(s1, p, degp, b1[None, :], wa, wb)


def _fin_body(s2_ref, q_ref, degp_ref, b2_ref, out_ref):
    deg = degp_ref[0, 0, 0, :] + degp_ref[1, 0, 0, :]
    inv = 1.0 / jnp.maximum(deg, 1.0)
    out_ref[...] = s2_ref[...] + (q_ref[0] + q_ref[1]) * inv[:, None] + b2_ref[...]


def _fin(s2, q, degp, b2):
    n, h = s2.shape
    blk = degp.shape[3]
    grid = degp.shape[1]
    return pl.pallas_call(
        _fin_body,
        grid=(grid,),
        in_specs=[
            pl.BlockSpec((blk, h), lambda i: (i, 0)),
            pl.BlockSpec((NC, blk, h), lambda i: (0, i, 0)),
            pl.BlockSpec((NC, 1, 1, blk), lambda i: (0, i, 0, 0)),
            pl.BlockSpec((1, h), lambda i: (0, 0)),
        ],
        out_specs=pl.BlockSpec((blk, h), lambda i: (i, 0)),
        out_shape=jax.ShapeDtypeStruct((n, h), jnp.float32),
    )(s2, q, degp, b2[None, :])


def kernel(in_feat, edge_index, W_self1, W_neigh1, b1, W_self2, W_neigh2, b2):
    n, d = in_feat.shape
    e = edge_index.shape[1]
    ept = NW * CHUNK
    n_chunks = -(-e // ept)
    n_chunks = -(-n_chunks // BLKC) * BLKC
    e_pad = n_chunks * ept
    blk = (((n + 1 + 127) // 128) * 128) // NS

    src = jnp.pad(edge_index[0], (0, e_pad - e))
    dst = jnp.pad(edge_index[1], (0, e_pad - e), constant_values=n)
    srcr = src.reshape(NW, n_chunks, CHUNK)
    dstr = dst.reshape(NW, n_chunks, CHUNK)

    s1, y1 = _proj2(in_feat, W_self1, W_neigh1, blk)
    p, degp = _edge_agg(n, d, n_chunks, True)(y1, srcr, dstr)
    degp = degp.reshape(NC, NS, 1, blk)
    s2, y2 = _mid(s1, p, degp, b1, W_self2, W_neigh2)
    (q,) = _edge_agg(n, d, n_chunks, False)(y2, srcr, dstr)
    return _fin(s2, q, degp, b2)

# --- scband reference (transcript-rebuilt; emitter-appended) ---
"""Pipeline reference for scband-graph-sage-86354612453978 (READ-ONLY COPY).

The authoritative reference and input builder live on the scoring server;
editing this copy changes nothing except your own understanding.
"""

import jax, jax.numpy as jnp
import numpy as np

N = 10000
E = 320000
D = 128
H = 128


def setup_inputs(seed: int = 0) -> dict:
    key = jax.random.key(seed)
    k1, k2, k3, k4, k5, k6, k7, k8 = jax.random.split(key, 8)
    x = jax.random.normal(k1, (N, D), dtype=jnp.float32)
    edge_index = jax.random.randint(k2, (2, E), 0, N, dtype=jnp.int32)
    s1 = 1.0 / np.sqrt(D)
    s2 = 1.0 / np.sqrt(H)
    W_self1 = jax.random.normal(k3, (D, H), dtype=jnp.float32) * s1
    W_neigh1 = jax.random.normal(k4, (D, H), dtype=jnp.float32) * s1
    b1 = jnp.zeros((H,), dtype=jnp.float32)
    W_self2 = jax.random.normal(k5, (H, H), dtype=jnp.float32) * s2
    W_neigh2 = jax.random.normal(k6, (H, H), dtype=jnp.float32) * s2
    b2 = jnp.zeros((H,), dtype=jnp.float32)
    return {
        "in_feat": x,
        "edge_index": edge_index,
        "W_self1": W_self1,
        "W_neigh1": W_neigh1,
        "b1": b1,
        "W_self2": W_self2,
        "W_neigh2": W_neigh2,
        "b2": b2,
    }


def _sage_conv(h, src, dst, W_self, W_neigh, b):
    # mean aggregation over incoming edges (DGL SAGEConv 'mean')
    msgs = jnp.take(h, src, axis=0)                                   # [E, d] gather
    agg = jax.ops.segment_sum(msgs, dst, num_segments=N)              # [N, d] scatter-add
    deg = jax.ops.segment_sum(jnp.ones((src.shape[0],), h.dtype), dst, num_segments=N)
    h_neigh = agg / jnp.maximum(deg, 1.0)[:, None]
    return h @ W_self + h_neigh @ W_neigh + b


def reference(in_feat, edge_index, W_self1, W_neigh1, b1, W_self2, W_neigh2, b2):
    src = edge_index[0]
    dst = edge_index[1]
    h = _sage_conv(in_feat, src, dst, W_self1, W_neigh1, b1)
    h = jax.nn.relu(h)
    h = _sage_conv(h, src, dst, W_self2, W_neigh2, b2)
    return h

if __name__ == "__main__":
    import jax
    _d = setup_inputs()
    print(jax.jit(kernel)(*tuple(_d.values())))

</pallas_src>

<mosaic_0001>
#map = affine_map<(d0, d1) -> (0, 0)>
#map1 = affine_map<(d0, d1) -> (0, 0, 0)>
module attributes {stable_mosaic.version = 14 : i64} {
  func.func @body(%arg0: i32, %arg1: i32, %arg2: memref<10000x128xf32, #tpu.memory_space<hbm>>, %arg3: memref<32x80x128xi32, #tpu.memory_space<hbm>>, %arg4: memref<32x80x128xi32, #tpu.memory_space<hbm>>, %arg5: memref<2x10112x128xf32, #tpu.memory_space<hbm>>, %arg6: memref<2x10112xf32, #tpu.memory_space<hbm>>, %arg7: memref<40x128xi32, #tpu.memory_space<vmem>>, %arg8: memref<40x128xi32, #tpu.memory_space<vmem>>, %arg9: memref<128x128xf32, #tpu.memory_space<vmem>>, %arg10: memref<128x128xf32, #tpu.memory_space<vmem>>, %arg11: memref<10112x128xf32, #tpu.memory_space<vmem_shared>>, %arg12: memref<!tpu.dma_semaphore, #tpu.memory_space<semaphore_mem>>, %arg13: memref<!tpu.dma_semaphore, #tpu.memory_space<semaphore_mem>>, %arg14: memref<!tpu.dma_semaphore, #tpu.memory_space<semaphore_mem>>, %arg15: memref<!tpu.dma_semaphore, #tpu.memory_space<semaphore_mem>>, %arg16: memref<128xf32, #tpu.memory_space<vmem>>, %arg17: memref<10112xf32, #tpu.memory_space<vmem_shared>>, %arg18: memref<!tpu.dma_semaphore, #tpu.memory_space<semaphore_mem>>) attributes {dimension_semantics = [#tpu.dimension_semantics<core_parallel>, #tpu.dimension_semantics<subcore_parallel>], iteration_bounds = array<i64: 2, 16>, scalar_prefetch = 0 : i64, scratch_operands = 12 : i64, tpu.core_type = #tpu.core_type<sc_vector_subcore>, window_params = [{transform_indices = #map}, {transform_indices = #map1}, {transform_indices = #map1}, {transform_indices = #map1}, {transform_indices = #map}]} {
    %mul3A = arith.constant 16 : i32
    %mul3A_0 = arith.muli %arg0, %mul3A : i32
    %add3A = arith.addi %mul3A_0, %arg1 : i32
    %broadcast_in_dim3A = arith.constant 0.000000e+00 : f32
    %broadcast_in_dim3A_1 = vector.broadcast %broadcast_in_dim3A : f32 to vector<16xf32>
    %scan3A = arith.constant 0 : i32
    %scan3A_2 = arith.constant 0 : i32
    %scan3A_3 = arith.constant 128 : i32
    %scan3A_4 = arith.addi %scan3A_2, %scan3A_3 : i32
    %scan3A_5 = arith.constant 1 : i32
    %scan3A_6 = scf.for %scan3A_129 = %scan3A_2 to %scan3A_4 step %scan3A_5 iter_args(%scan3A_130 = %scan3A) -> (i32)  : i32 {
      %swap3A_131 = arith.index_cast %scan3A_129 : i32 to index
      %swap3A_132 = arith.constant 0 : index
      %swap3A_133 = tpu.vector_load %arg9[%swap3A_131, %swap3A_132] {strides = array<i32>} : memref<128x128xf32, #tpu.memory_space<vmem>>, vector<1x16xf32>,
      %swap3A_134 = vector.shape_cast %swap3A_133 : vector<1x16xf32> to vector<16xf32>
      %swap3A_135 = vector.shape_cast %broadcast_in_dim3A_1 : vector<16xf32> to vector<1x16xf32>
      tpu.vector_store %arg9[%swap3A_131, %swap3A_132], %swap3A_135 {strides = array<i32>} : memref<128x128xf32, #tpu.memory_space<vmem>>, vector<1x16xf32>,
      %swap3A_136 = arith.index_cast %scan3A_129 : i32 to index
      %swap3A_137 = arith.constant 16 : index
      %swap3A_138 = tpu.vector_load %arg9[%swap3A_136, %swap3A_137] {strides = array<i32>} : memref<128x128xf32, #tpu.memory_space<vmem>>, vector<1x16xf32>,
      %swap3A_139 = vector.shape_cast %swap3A_138 : vector<1x16xf32> to vector<16xf32>
      %swap3A_140 = vector.shape_cast %broadcast_in_dim3A_1 : vector<16xf32> to vector<1x16xf32>
      tpu.vector_store %arg9[%swap3A_136, %swap3A_137], %swap3A_140 {strides = array<i32>} : memref<128x128xf32, #tpu.memory_space<vmem>>, vector<1x16xf32>,
      %swap3A_141 = arith.index_cast %scan3A_129 : i32 to index
      %swap3A_142 = arith.constant 32 : index
      %swap3A_143 = tpu.vector_load %arg9[%swap3A_141, %swap3A_142] {strides = array<i32>} : memref<128x128xf32, #tpu.memory_space<vmem>>, vector<1x16xf32>,
      %swap3A_144 = vector.shape_cast %swap3A_143 : vector<1x16xf32> to vector<16xf32>
      %swap3A_145 = vector.shape_cast %broadcast_in_dim3A_1 : vector<16xf32> to vector<1x16xf32>
      tpu.vector_store %arg9[%swap3A_141, %swap3A_142], %swap3A_145 {strides = array<i32>} : memref<128x128xf32, #tpu.memory_space<vmem>>, vector<1x16xf32>,
      %swap3A_146 = arith.index_cast %scan3A_129 : i32 to index
      %swap3A_147 = arith.constant 48 : index
      %swap3A_148 = tpu.vector_load %arg9[%swap3A_146, %swap3A_147] {strides = array<i32>} : memref<128x128xf32, #tpu.memory_space<vmem>>, vector<1x16xf32>,
      %swap3A_149 = vector.shape_cast %swap3A_148 : vector<1x16xf32> to vector<16xf32>
      %swap3A_150 = vector.shape_cast %broadcast_in_dim3A_1 : vector<16xf32> to vector<1x16xf32>
      tpu.vector_store %arg9[%swap3A_146, %swap3A_147], %swap3A_150 {strides = array<i32>} : memref<128x128xf32, #tpu.memory_space<vmem>>, vector<1x16xf32>,
      %swap3A_151 = arith.index_cast %scan3A_129 : i32 to index
      %swap3A_152 = arith.constant 64 : index
      %swap3A_153 = tpu.vector_load %arg9[%swap3A_151, %swap3A_152] {strides = array<i32>} : memref<128x128xf32, #tpu.memory_space<vmem>>, vector<1x16xf32>,
      %swap3A_154 = vector.shape_cast %swap3A_153 : vector<1x16xf32> to vector<16xf32>
      %swap3A_155 = vector.shape_cast %broadcast_in_dim3A_1 : vector<16xf32> to vector<1x16xf32>
      tpu.vector_store %arg9[%swap3A_151, %swap3A_152], %swap3A_155 {strides = array<i32>} : memref<128x128xf32, #tpu.memory_space<vmem>>, vector<1x16xf32>,
      %swap3A_156 = arith.index_cast %scan3A_129 : i32 to index
      %swap3A_157 = arith.constant 80 : index
      %swap3A_158 = tpu.vector_load %arg9[%swap3A_156, %swap3A_157] {strides = array<i32>} : memref<128x128xf32, #tpu.memory_space<vmem>>, vector<1x16xf32>,
      %swap3A_159 = vector.shape_cast %swap3A_158 : vector<1x16xf32> to vector<16xf32>
      %swap3A_160 = vector.shape_cast %broadcast_in_dim3A_1 : vector<16xf32> to vector<1x16xf32>
      tpu.vector_store %arg9[%swap3A_156, %swap3A_157], %swap3A_160 {strides = array<i32>} : memref<128x128xf32, #tpu.memory_space<vmem>>, vector<1x16xf32>,
      %swap3A_161 = arith.index_cast %scan3A_129 : i32 to index
      %swap3A_162 = arith.constant 96 : index
      %swap3A_163 = tpu.vector_load %arg9[%swap3A_161, %swap3A_162] {strides = array<i32>} : memref<128x128xf32, #tpu.memory_space<vmem>>, vector<1x16xf32>,
      %swap3A_164 = vector.shape_cast %swap3A_163 : vector<1x16xf32> to vector<16xf32>
      %swap3A_165 = vector.shape_cast %broadcast_in_dim3A_1 : vector<16xf32> to vector<1x16xf32>
      tpu.vector_store %arg9[%swap3A_161, %swap3A_162], %swap3A_165 {strides = array<i32>} : memref<128x128xf32, #tpu.memory_space<vmem>>, vector<1x16xf32>,
      %swap3A_166 = arith.index_cast %scan3A_129 : i32 to index
      %swap3A_167 = arith.constant 112 : index
      %swap3A_168 = tpu.vector_load %arg9[%swap3A_166, %swap3A_167] {strides = array<i32>} : memref<128x128xf32, #tpu.memory_space<vmem>>, vector<1x16xf32>,
      %swap3A_169 = vector.shape_cast %swap3A_168 : vector<1x16xf32> to vector<16xf32>
      %swap3A_170 = vector.shape_cast %broadcast_in_dim3A_1 : vector<16xf32> to vector<1x16xf32>
      tpu.vector_store %arg9[%swap3A_166, %swap3A_167], %swap3A_170 {strides = array<i32>} : memref<128x128xf32, #tpu.memory_space<vmem>>, vector<1x16xf32>,
      %scan3A_171 = arith.constant 0 : i32
      scf.yield %scan3A_171 : i32
    }
    %scan3A_7 = arith.constant 128 : i32
    %mul3A_8 = arith.constant 632 : i32
    %mul3A_9 = arith.muli %arg1, %mul3A_8 : i32
    %add3A_10 = arith.constant 0 : i32
    %add3A_11 = arith.addi %mul3A_9, %add3A_10 : i32
    "tpu.region"() ({
      %run_scoped3A = tpu.sem_alloc : memref<!tpu.dma_semaphore, #tpu.memory_space<semaphore_mem>>
      %dma_start3A = arith.constant 0 : i32
      %dma_start3A_129 = arith.constant 0 : i32
      %dma_start3A_130 = tpu.memref_slice %arg9[%dma_start3A, %dma_start3A_129] : memref<128x128xf32, #tpu.memory_space<vmem>> -> memref<128x128xf32, #tpu.memory_space<vmem>>
      %dma_start3A_131 = arith.constant 0 : i32
      %dma_start3A_132 = tpu.memref_slice %arg11[%add3A_11, %dma_start3A_131] : memref<10112x128xf32, #tpu.memory_space<vmem_shared>> -> memref<128x128xf32, #tpu.memory_space<vmem_shared>>
      %dma_start3A_133 = arith.constant 0 : i32
      %dma_start3A_134 = tpu.memref_slice %arg11[%add3A_11, %dma_start3A_133] : memref<10112x128xf32, #tpu.memory_space<vmem_shared>> -> memref<128x128xf32, #tpu.memory_space<vmem_shared>>
      %dma_start3A_135 = arith.constant 0 : i32
      %dma_start3A_136 = arith.constant 0 : i32
      %dma_start3A_137 = tpu.memref_slice %arg9[%dma_start3A_135, %dma_start3A_136] : memref<128x128xf32, #tpu.memory_space<vmem>> -> memref<128x128xf32, #tpu.memory_space<vmem>>
      tpu.enqueue_dma source(%dma_start3A_137 : memref<128x128xf32, #tpu.memory_space<vmem>>) target(%dma_start3A_134 : memref<128x128xf32, #tpu.memory_space<vmem_shared>>) target_semaphore(%run_scoped3A : memref<!tpu.dma_semaphore, #tpu.memory_space<semaphore_mem>>)
      %dma_wait3A = arith.constant 0 : i32
      %dma_wait3A_138 = arith.constant 0 : i32
      %dma_wait3A_139 = tpu.memref_slice %arg9[%dma_wait3A, %dma_wait3A_138] : memref<128x128xf32, #tpu.memory_space<vmem>> -> memref<128x128xf32, #tpu.memory_space<vmem>>
      %dma_wait3A_140 = arith.constant 0 : i32
      %dma_wait3A_141 = tpu.memref_slice %arg11[%add3A_11, %dma_wait3A_140] : memref<10112x128xf32, #tpu.memory_space<vmem_shared>> -> memref<128x128xf32, #tpu.memory_space<vmem_shared>>
      %dma_wait3A_142 = arith.constant 0 : i32
      %dma_wait3A_143 = tpu.memref_slice %arg11[%add3A_11, %dma_wait3A_142] : memref<10112x128xf32, #tpu.memory_space<vmem_shared>> -> memref<128x128xf32, #tpu.memory_space<vmem_shared>>
      %dma_wait3A_144 = arith.constant 0 : i32
      %dma_wait3A_145 = arith.constant 0 : i32
      %dma_wait3A_146 = tpu.memref_slice %arg9[%dma_wait3A_144, %dma_wait3A_145] : memref<128x128xf32, #tpu.memory_space<vmem>> -> memref<128x128xf32, #tpu.memory_space<vmem>>
      tpu.wait_dma2 semaphore(%run_scoped3A : memref<!tpu.dma_semaphore, #tpu.memory_space<semaphore_mem>>) src(%dma_wait3A_146 : memref<128x128xf32, #tpu.memory_space<vmem>>) dst(%dma_wait3A_143 : memref<128x128xf32, #tpu.memory_space<vmem_shared>>)
      tpu.yield
    }) : () -> ()
    %mul3A_12 = arith.constant 632 : i32
    %mul3A_13 = arith.muli %arg1, %mul3A_12 : i32
    %add3A_14 = arith.constant 128 : i32
    %add3A_15 = arith.addi %mul3A_13, %add3A_14 : i32
    "tpu.region"() ({
      %run_scoped3A = tpu.sem_alloc : memref<!tpu.dma_semaphore, #tpu.memory_space<semaphore_mem>>
      %dma_start3A = arith.constant 0 : i32
      %dma_start3A_129 = arith.constant 0 : i32
      %dma_start3A_130 = tpu.memref_slice %arg9[%dma_start3A, %dma_start3A_129] : memref<128x128xf32, #tpu.memory_space<vmem>> -> memref<128x128xf32, #tpu.memory_space<vmem>>
      %dma_start3A_131 = arith.constant 0 : i32
      %dma_start3A_132 = tpu.memref_slice %arg11[%add3A_15, %dma_start3A_131] : memref<10112x128xf32, #tpu.memory_space<vmem_shared>> -> memref<128x128xf32, #tpu.memory_space<vmem_shared>>
      %dma_start3A_133 = arith.constant 0 : i32
      %dma_start3A_134 = tpu.memref_slice %arg11[%add3A_15, %dma_start3A_133] : memref<10112x128xf32, #tpu.memory_space<vmem_shared>> -> memref<128x128xf32, #tpu.memory_space<vmem_shared>>
      %dma_start3A_135 = arith.constant 0 : i32
      %dma_start3A_136 = arith.constant 0 : i32
      %dma_start3A_137 = tpu.memref_slice %arg9[%dma_start3A_135, %dma_start3A_136] : memref<128x128xf32, #tpu.memory_space<vmem>> -> memref<128x128xf32, #tpu.memory_space<vmem>>
      tpu.enqueue_dma source(%dma_start3A_137 : memref<128x128xf32, #tpu.memory_space<vmem>>) target(%dma_start3A_134 : memref<128x128xf32, #tpu.memory_space<vmem_shared>>) target_semaphore(%run_scoped3A : memref<!tpu.dma_semaphore, #tpu.memory_space<semaphore_mem>>)
      %dma_wait3A = arith.constant 0 : i32
      %dma_wait3A_138 = arith.constant 0 : i32
      %dma_wait3A_139 = tpu.memref_slice %arg9[%dma_wait3A, %dma_wait3A_138] : memref<128x128xf32, #tpu.memory_space<vmem>> -> memref<128x128xf32, #tpu.memory_space<vmem>>
      %dma_wait3A_140 = arith.constant 0 : i32
      %dma_wait3A_141 = tpu.memref_slice %arg11[%add3A_15, %dma_wait3A_140] : memref<10112x128xf32, #tpu.memory_space<vmem_shared>> -> memref<128x128xf32, #tpu.memory_space<vmem_shared>>
      %dma_wait3A_142 = arith.constant 0 : i32
      %dma_wait3A_143 = tpu.memref_slice %arg11[%add3A_15, %dma_wait3A_142] : memref<10112x128xf32, #tpu.memory_space<vmem_shared>> -> memref<128x128xf32, #tpu.memory_space<vmem_shared>>
      %dma_wait3A_144 = arith.constant 0 : i32
      %dma_wait3A_145 = arith.constant 0 : i32
      %dma_wait3A_146 = tpu.memref_slice %arg9[%dma_wait3A_144, %dma_wait3A_145] : memref<128x128xf32, #tpu.memory_space<vmem>> -> memref<128x128xf32, #tpu.memory_space<vmem>>
      tpu.wait_dma2 semaphore(%run_scoped3A : memref<!tpu.dma_semaphore, #tpu.memory_space<semaphore_mem>>) src(%dma_wait3A_146 : memref<128x128xf32, #tpu.memory_space<vmem>>) dst(%dma_wait3A_143 : memref<128x128xf32, #tpu.memory_space<vmem_shared>>)
      tpu.yield
    }) : () -> ()
    %mul3A_16 = arith.constant 632 : i32
    %mul3A_17 = arith.muli %arg1, %mul3A_16 : i32
    %add3A_18 = arith.constant 256 : i32
    %add3A_19 = arith.addi %mul3A_17, %add3A_18 : i32
    "tpu.region"() ({
      %run_scoped3A = tpu.sem_alloc : memref<!tpu.dma_semaphore, #tpu.memory_space<semaphore_mem>>
      %dma_start3A = arith.constant 0 : i32
      %dma_start3A_129 = arith.constant 0 : i32
      %dma_start3A_130 = tpu.memref_slice %arg9[%dma_start3A, %dma_start3A_129] : memref<128x128xf32, #tpu.memory_space<vmem>> -> memref<128x128xf32, #tpu.memory_space<vmem>>
      %dma_start3A_131 = arith.constant 0 : i32
      %dma_start3A_132 = tpu.memref_slice %arg11[%add3A_19, %dma_start3A_131] : memref<10112x128xf32, #tpu.memory_space<vmem_shared>> -> memref<128x128xf32, #tpu.memory_space<vmem_shared>>
      %dma_start3A_133 = arith.constant 0 : i32
      %dma_start3A_134 = tpu.memref_slice %arg11[%add3A_19, %dma_start3A_133] : memref<10112x128xf32, #tpu.memory_space<vmem_shared>> -> memref<128x128xf32, #tpu.memory_space<vmem_shared>>
      %dma_start3A_135 = arith.constant 0 : i32
      %dma_start3A_136 = arith.constant 0 : i32
      %dma_start3A_137 = tpu.memref_slice %arg9[%dma_start3A_135, %dma_start3A_136] : memref<128x128xf32, #tpu.memory_space<vmem>> -> memref<128x128xf32, #tpu.memory_space<vmem>>
      tpu.enqueue_dma source(%dma_start3A_137 : memref<128x128xf32, #tpu.memory_space<vmem>>) target(%dma_start3A_134 : memref<128x128xf32, #tpu.memory_space<vmem_shared>>) target_semaphore(%run_scoped3A : memref<!tpu.dma_semaphore, #tpu.memory_space<semaphore_mem>>)
      %dma_wait3A = arith.constant 0 : i32
      %dma_wait3A_138 = arith.constant 0 : i32
      %dma_wait3A_139 = tpu.memref_slice %arg9[%dma_wait3A, %dma_wait3A_138] : memref<128x128xf32, #tpu.memory_space<vmem>> -> memref<128x128xf32, #tpu.memory_space<vmem>>
      %dma_wait3A_140 = arith.constant 0 : i32
      %dma_wait3A_141 = tpu.memref_slice %arg11[%add3A_19, %dma_wait3A_140] : memref<10112x128xf32, #tpu.memory_space<vmem_shared>> -> memref<128x128xf32, #tpu.memory_space<vmem_shared>>
      %dma_wait3A_142 = arith.constant 0 : i32
      %dma_wait3A_143 = tpu.memref_slice %arg11[%add3A_19, %dma_wait3A_142] : memref<10112x128xf32, #tpu.memory_space<vmem_shared>> -> memref<128x128xf32, #tpu.memory_space<vmem_shared>>
      %dma_wait3A_144 = arith.constant 0 : i32
      %dma_wait3A_145 = arith.constant 0 : i32
      %dma_wait3A_146 = tpu.memref_slice %arg9[%dma_wait3A_144, %dma_wait3A_145] : memref<128x128xf32, #tpu.memory_space<vmem>> -> memref<128x128xf32, #tpu.memory_space<vmem>>
      tpu.wait_dma2 semaphore(%run_scoped3A : memref<!tpu.dma_semaphore, #tpu.memory_space<semaphore_mem>>) src(%dma_wait3A_146 : memref<128x128xf32, #tpu.memory_space<vmem>>) dst(%dma_wait3A_143 : memref<128x128xf32, #tpu.memory_space<vmem_shared>>)
      tpu.yield
    }) : () -> ()
    %mul3A_20 = arith.constant 632 : i32
    %mul3A_21 = arith.muli %arg1, %mul3A_20 : i32
    %add3A_22 = arith.constant 384 : i32
    %add3A_23 = arith.addi %mul3A_21, %add3A_22 : i32
    "tpu.region"() ({
      %run_scoped3A = tpu.sem_alloc : memref<!tpu.dma_semaphore, #tpu.memory_space<semaphore_mem>>
      %dma_start3A = arith.constant 0 : i32
      %dma_start3A_129 = arith.constant 0 : i32
      %dma_start3A_130 = tpu.memref_slice %arg9[%dma_start3A, %dma_start3A_129] : memref<128x128xf32, #tpu.memory_space<vmem>> -> memref<128x128xf32, #tpu.memory_space<vmem>>
      %dma_start3A_131 = arith.constant 0 : i32
      %dma_start3A_132 = tpu.memref_slice %arg11[%add3A_23, %dma_start3A_131] : memref<10112x128xf32, #tpu.memory_space<vmem_shared>> -> memref<128x128xf32, #tpu.memory_space<vmem_shared>>
      %dma_start3A_133 = arith.constant 0 : i32
      %dma_start3A_134 = tpu.memref_slice %arg11[%add3A_23, %dma_start3A_133] : memref<10112x128xf32, #tpu.memory_space<vmem_shared>> -> memref<128x128xf32, #tpu.memory_space<vmem_shared>>
      %dma_start3A_135 = arith.constant 0 : i32
      %dma_start3A_136 = arith.constant 0 : i32
      %dma_start3A_137 = tpu.memref_slice %arg9[%dma_start3A_135, %dma_start3A_136] : memref<128x128xf32, #tpu.memory_space<vmem>> -> memref<128x128xf32, #tpu.memory_space<vmem>>
      tpu.enqueue_dma source(%dma_start3A_137 : memref<128x128xf32, #tpu.memory_space<vmem>>) target(%dma_start3A_134 : memref<128x128xf32, #tpu.memory_space<vmem_shared>>) target_semaphore(%run_scoped3A : memref<!tpu.dma_semaphore, #tpu.memory_space<semaphore_mem>>)
      %dma_wait3A = arith.constant 0 : i32
      %dma_wait3A_138 = arith.constant 0 : i32
      %dma_wait3A_139 = tpu.memref_slice %arg9[%dma_wait3A, %dma_wait3A_138] : memref<128x128xf32, #tpu.memory_space<vmem>> -> memref<128x128xf32, #tpu.memory_space<vmem>>
      %dma_wait3A_140 = arith.constant 0 : i32
      %dma_wait3A_141 = tpu.memref_slice %arg11[%add3A_23, %dma_wait3A_140] : memref<10112x128xf32, #tpu.memory_space<vmem_shared>> -> memref<128x128xf32, #tpu.memory_space<vmem_shared>>
      %dma_wait3A_142 = arith.constant 0 : i32
      %dma_wait3A_143 = tpu.memref_slice %arg11[%add3A_23, %dma_wait3A_142] : memref<10112x128xf32, #tpu.memory_space<vmem_shared>> -> memref<128x128xf32, #tpu.memory_space<vmem_shared>>
      %dma_wait3A_144 = arith.constant 0 : i32
      %dma_wait3A_145 = arith.constant 0 : i32
      %dma_wait3A_146 = tpu.memref_slice %arg9[%dma_wait3A_144, %dma_wait3A_145] : memref<128x128xf32, #tpu.memory_space<vmem>> -> memref<128x128xf32, #tpu.memory_space<vmem>>
      tpu.wait_dma2 semaphore(%run_scoped3A : memref<!tpu.dma_semaphore, #tpu.memory_space<semaphore_mem>>) src(%dma_wait3A_146 : memref<128x128xf32, #tpu.memory_space<vmem>>) dst(%dma_wait3A_143 : memref<128x128xf32, #tpu.memory_space<vmem_shared>>)
      tpu.yield
    }) : () -> ()
    %mul3A_24 = arith.constant 632 : i32
    %mul3A_25 = arith.muli %arg1, %mul3A_24 : i32
    %add3A_26 = arith.constant 512 : i32
    %add3A_27 = arith.addi %mul3A_25, %add3A_26 : i32
    "tpu.region"() ({
      %run_scoped3A = tpu.sem_alloc : memref<!tpu.dma_semaphore, #tpu.memory_space<semaphore_mem>>
      %dma_start3A = arith.constant 0 : i32
      %dma_start3A_129 = arith.constant 0 : i32
      %dma_start3A_130 = tpu.memref_slice %arg9[%dma_start3A, %dma_start3A_129] : memref<128x128xf32, #tpu.memory_space<vmem>> -> memref<120x128xf32, #tpu.memory_space<vmem>>
      %dma_start3A_131 = arith.constant 0 : i32
      %dma_start3A_132 = tpu.memref_slice %arg11[%add3A_27, %dma_start3A_131] : memref<10112x128xf32, #tpu.memory_space<vmem_shared>> -> memref<120x128xf32, #tpu.memory_space<vmem_shared>>
      %dma_start3A_133 = arith.constant 0 : i32
      %dma_start3A_134 = tpu.memref_slice %arg11[%add3A_27, %dma_start3A_133] : memref<10112x128xf32, #tpu.memory_space<vmem_shared>> -> memref<120x128xf32, #tpu.memory_space<vmem_shared>>
      %dma_start3A_135 = arith.constant 0 : i32
      %dma_start3A_136 = arith.constant 0 : i32
      %dma_start3A_137 = tpu.memref_slice %arg9[%dma_start3A_135, %dma_start3A_136] : memref<128x128xf32, #tpu.memory_space<vmem>> -> memref<120x128xf32, #tpu.memory_space<vmem>>
      tpu.enqueue_dma source(%dma_start3A_137 : memref<120x128xf32, #tpu.memory_space<vmem>>) target(%dma_start3A_134 : memref<120x128xf32, #tpu.memory_space<vmem_shared>>) target_semaphore(%run_scoped3A : memref<!tpu.dma_semaphore, #tpu.memory_space<semaphore_mem>>)
      %dma_wait3A = arith.constant 0 : i32
      %dma_wait3A_138 = arith.constant 0 : i32
      %dma_wait3A_139 = tpu.memref_slice %arg9[%dma_wait3A, %dma_wait3A_138] : memref<128x128xf32, #tpu.memory_space<vmem>> -> memref<120x128xf32, #tpu.memory_space<vmem>>
      %dma_wait3A_140 = arith.constant 0 : i32
      %dma_wait3A_141 = tpu.memref_slice %arg11[%add3A_27, %dma_wait3A_140] : memref<10112x128xf32, #tpu.memory_space<vmem_shared>> -> memref<120x128xf32, #tpu.memory_space<vmem_shared>>
      %dma_wait3A_142 = arith.constant 0 : i32
      %dma_wait3A_143 = tpu.memref_slice %arg11[%add3A_27, %dma_wait3A_142] : memref<10112x128xf32, #tpu.memory_space<vmem_shared>> -> memref<120x128xf32, #tpu.memory_space<vmem_shared>>
      %dma_wait3A_144 = arith.constant 0 : i32
      %dma_wait3A_145 = arith.constant 0 : i32
      %dma_wait3A_146 = tpu.memref_slice %arg9[%dma_wait3A_144, %dma_wait3A_145] : memref<128x128xf32, #tpu.memory_space<vmem>> -> memref<120x128xf32, #tpu.memory_space<vmem>>
      tpu.wait_dma2 semaphore(%run_scoped3A : memref<!tpu.dma_semaphore, #tpu.memory_space<semaphore_mem>>) src(%dma_wait3A_146 : memref<120x128xf32, #tpu.memory_space<vmem>>) dst(%dma_wait3A_143 : memref<120x128xf32, #tpu.memory_space<vmem_shared>>)
      tpu.yield
    }) : () -> ()
    %broadcast_in_dim3A_28 = arith.constant 0.000000e+00 : f32
    %broadcast_in_dim3A_29 = vector.broadcast %broadcast_in_dim3A_28 : f32 to vector<16xf32>
    %swap3A = arith.constant 0 : index
    %swap3A_30 = tpu.vector_load %arg16[%swap3A] {strides = array<i32>} : memref<128xf32, #tpu.memory_space<vmem>>, vector<16xf32>,
    %swap3A_31 = vector.shape_cast %swap3A_30 : vector<16xf32> to vector<16xf32>
    %swap3A_32 = vector.shape_cast %broadcast_in_dim3A_29 : vector<16xf32> to vector<16xf32>
    tpu.vector_store %arg16[%swap3A], %swap3A_32 {strides = array<i32>} : memref<128xf32, #tpu.memory_space<vmem>>, vector<16xf32>,
    %swap3A_33 = arith.constant 16 : index
    %swap3A_34 = tpu.vector_load %arg16[%swap3A_33] {strides = array<i32>} : memref<128xf32, #tpu.memory_space<vmem>>, vector<16xf32>,
    %swap3A_35 = vector.shape_cast %swap3A_34 : vector<16xf32> to vector<16xf32>
    %swap3A_36 = vector.shape_cast %broadcast_in_dim3A_29 : vector<16xf32> to vector<16xf32>
    tpu.vector_store %arg16[%swap3A_33], %swap3A_36 {strides = array<i32>} : memref<128xf32, #tpu.memory_space<vmem>>, vector<16xf32>,
    %swap3A_37 = arith.constant 32 : index
    %swap3A_38 = tpu.vector_load %arg16[%swap3A_37] {strides = array<i32>} : memref<128xf32, #tpu.memory_space<vmem>>, vector<16xf32>,
    %swap3A_39 = vector.shape_cast %swap3A_38 : vector<16xf32> to vector<16xf32>
    %swap3A_40 = vector.shape_cast %broadcast_in_dim3A_29 : vector<16xf32> to vector<16xf32>
    tpu.vector_store %arg16[%swap3A_37], %swap3A_40 {strides = array<i32>} : memref<128xf32, #tpu.memory_space<vmem>>, vector<16xf32>,
    %swap3A_41 = arith.constant 48 : index
    %swap3A_42 = tpu.vector_load %arg16[%swap3A_41] {strides = array<i32>} : memref<128xf32, #tpu.memory_space<vmem>>, vector<16xf32>,
    %swap3A_43 = vector.shape_cast %swap3A_42 : vector<16xf32> to vector<16xf32>
    %swap3A_44 = vector.shape_cast %broadcast_in_dim3A_29 : vector<16xf32> to vector<16xf32>
    tpu.vector_store %arg16[%swap3A_41], %swap3A_44 {strides = array<i32>} : memref<128xf32, #tpu.memory_space<vmem>>, vector<16xf32>,
    %swap3A_45 = arith.constant 64 : index
    %swap3A_46 = tpu.vector_load %arg16[%swap3A_45] {strides = array<i32>} : memref<128xf32, #tpu.memory_space<vmem>>, vector<16xf32>,
    %swap3A_47 = vector.shape_cast %swap3A_46 : vector<16xf32> to vector<16xf32>
    %swap3A_48 = vector.shape_cast %broadcast_in_dim3A_29 : vector<16xf32> to vector<16xf32>
    tpu.vector_store %arg16[%swap3A_45], %swap3A_48 {strides = array<i32>} : memref<128xf32, #tpu.memory_space<vmem>>, vector<16xf32>,
    %swap3A_49 = arith.constant 80 : index
    %swap3A_50 = tpu.vector_load %arg16[%swap3A_49] {strides = array<i32>} : memref<128xf32, #tpu.memory_space<vmem>>, vector<16xf32>,
    %swap3A_51 = vector.shape_cast %swap3A_50 : vector<16xf32> to vector<16xf32>
    %swap3A_52 = vector.shape_cast %broadcast_in_dim3A_29 : vector<16xf32> to vector<16xf32>
    tpu.vector_store %arg16[%swap3A_49], %swap3A_52 {strides = array<i32>} : memref<128xf32, #tpu.memory_space<vmem>>, vector<16xf32>,
    %swap3A_53 = arith.constant 96 : index
    %swap3A_54 = tpu.vector_load %arg16[%swap3A_53] {strides = array<i32>} : memref<128xf32, #tpu.memory_space<vmem>>, vector<16xf32>,
    %swap3A_55 = vector.shape_cast %swap3A_54 : vector<16xf32> to vector<16xf32>
    %swap3A_56 = vector.shape_cast %broadcast_in_dim3A_29 : vector<16xf32> to vector<16xf32>
    tpu.vector_store %arg16[%swap3A_53], %swap3A_56 {strides = array<i32>} : memref<128xf32, #tpu.memory_space<vmem>>, vector<16xf32>,
    %swap3A_57 = arith.constant 112 : index
    %swap3A_58 = tpu.vector_load %arg16[%swap3A_57] {strides = array<i32>} : memref<128xf32, #tpu.memory_space<vmem>>, vector<16xf32>,
    %swap3A_59 = vector.shape_cast %swap3A_58 : vector<16xf32> to vector<16xf32>
    %swap3A_60 = vector.shape_cast %broadcast_in_dim3A_29 : vector<16xf32> to vector<16xf32>
    tpu.vector_store %arg16[%swap3A_57], %swap3A_60 {strides = array<i32>} : memref<128xf32, #tpu.memory_space<vmem>>, vector<16xf32>,
    %mul3A_61 = arith.constant 632 : i32
    %mul3A_62 = arith.muli %arg1, %mul3A_61 : i32
    %add3A_63 = arith.constant 0 : i32
    %add3A_64 = arith.addi %mul3A_62, %add3A_63 : i32
    "tpu.region"() ({
      %run_scoped3A = tpu.sem_alloc : memref<!tpu.dma_semaphore, #tpu.memory_space<semaphore_mem>>
      %dma_start3A = arith.constant 0 : i32
      %dma_start3A_129 = tpu.memref_slice %arg16[%dma_start3A] : memref<128xf32, #tpu.memory_space<vmem>> -> memref<128xf32, #tpu.memory_space<vmem>>
      %dma_start3A_130 = tpu.memref_slice %arg17[%add3A_64] : memref<10112xf32, #tpu.memory_space<vmem_shared>> -> memref<128xf32, #tpu.memory_space<vmem_shared>>
      %dma_start3A_131 = tpu.memref_slice %arg17[%add3A_64] : memref<10112xf32, #tpu.memory_space<vmem_shared>> -> memref<128xf32, #tpu.memory_space<vmem_shared>>
      %dma_start3A_132 = arith.constant 0 : i32
      %dma_start3A_133 = tpu.memref_slice %arg16[%dma_start3A_132] : memref<128xf32, #tpu.memory_space<vmem>> -> memref<128xf32, #tpu.memory_space<vmem>>
      tpu.enqueue_dma source(%dma_start3A_133 : memref<128xf32, #tpu.memory_space<vmem>>) target(%dma_start3A_131 : memref<128xf32, #tpu.memory_space<vmem_shared>>) target_semaphore(%run_scoped3A : memref<!tpu.dma_semaphore, #tpu.memory_space<semaphore_mem>>)
      %dma_wait3A = arith.constant 0 : i32
      %dma_wait3A_134 = tpu.memref_slice %arg16[%dma_wait3A] : memref<128xf32, #tpu.memory_space<vmem>> -> memref<128xf32, #tpu.memory_space<vmem>>
      %dma_wait3A_135 = tpu.memref_slice %arg17[%add3A_64] : memref<10112xf32, #tpu.memory_space<vmem_shared>> -> memref<128xf32, #tpu.memory_space<vmem_shared>>
      %dma_wait3A_136 = tpu.memref_slice %arg17[%add3A_64] : memref<10112xf32, #tpu.memory_space<vmem_shared>> -> memref<128xf32, #tpu.memory_space<vmem_shared>>
      %dma_wait3A_137 = arith.constant 0 : i32
      %dma_wait3A_138 = tpu.memref_slice %arg16[%dma_wait3A_137] : memref<128xf32, #tpu.memory_space<vmem>> -> memref<128xf32, #tpu.memory_space<vmem>>
      tpu.wait_dma2 semaphore(%run_scoped3A : memref<!tpu.dma_semaphore, #tpu.memory_space<semaphore_mem>>) src(%dma_wait3A_138 : memref<128xf32, #tpu.memory_space<vmem>>) dst(%dma_wait3A_136 : memref<128xf32, #tpu.memory_space<vmem_shared>>)
      tpu.yield
    }) : () -> ()
    %mul3A_65 = arith.constant 632 : i32
    %mul3A_66 = arith.muli %arg1, %mul3A_65 : i32
    %add3A_67 = arith.constant 128 : i32
    %add3A_68 = arith.addi %mul3A_66, %add3A_67 : i32
    "tpu.region"() ({
      %run_scoped3A = tpu.sem_alloc : memref<!tpu.dma_semaphore, #tpu.memory_space<semaphore_mem>>
      %dma_start3A = arith.constant 0 : i32
      %dma_start3A_129 = tpu.memref_slice %arg16[%dma_start3A] : memref<128xf32, #tpu.memory_space<vmem>> -> memref<128xf32, #tpu.memory_space<vmem>>
      %dma_start3A_130 = tpu.memref_slice %arg17[%add3A_68] : memref<10112xf32, #tpu.memory_space<vmem_shared>> -> memref<128xf32, #tpu.memory_space<vmem_shared>>
      %dma_start3A_131 = tpu.memref_slice %arg17[%add3A_68] : memref<10112xf32, #tpu.memory_space<vmem_shared>> -> memref<128xf32, #tpu.memory_space<vmem_shared>>
      %dma_start3A_132 = arith.constant 0 : i32
      %dma_start3A_133 = tpu.memref_slice %arg16[%dma_start3A_132] : memref<128xf32, #tpu.memory_space<vmem>> -> memref<128xf32, #tpu.memory_space<vmem>>
      tpu.enqueue_dma source(%dma_start3A_133 : memref<128xf32, #tpu.memory_space<vmem>>) target(%dma_start3A_131 : memref<128xf32, #tpu.memory_space<vmem_shared>>) target_semaphore(%run_scoped3A : memref<!tpu.dma_semaphore, #tpu.memory_space<semaphore_mem>>)
      %dma_wait3A = arith.constant 0 : i32
      %dma_wait3A_134 = tpu.memref_slice %arg16[%dma_wait3A] : memref<128xf32, #tpu.memory_space<vmem>> -> memref<128xf32, #tpu.memory_space<vmem>>
      %dma_wait3A_135 = tpu.memref_slice %arg17[%add3A_68] : memref<10112xf32, #tpu.memory_space<vmem_shared>> -> memref<128xf32, #tpu.memory_space<vmem_shared>>
      %dma_wait3A_136 = tpu.memref_slice %arg17[%add3A_68] : memref<10112xf32, #tpu.memory_space<vmem_shared>> -> memref<128xf32, #tpu.memory_space<vmem_shared>>
      %dma_wait3A_137 = arith.constant 0 : i32
      %dma_wait3A_138 = tpu.memref_slice %arg16[%dma_wait3A_137] : memref<128xf32, #tpu.memory_space<vmem>> -> memref<128xf32, #tpu.memory_space<vmem>>
      tpu.wait_dma2 semaphore(%run_scoped3A : memref<!tpu.dma_semaphore, #tpu.memory_space<semaphore_mem>>) src(%dma_wait3A_138 : memref<128xf32, #tpu.memory_space<vmem>>) dst(%dma_wait3A_136 : memref<128xf32, #tpu.memory_space<vmem_shared>>)
      tpu.yield
    }) : () -> ()
    %mul3A_69 = arith.constant 632 : i32
    %mul3A_70 = arith.muli %arg1, %mul3A_69 : i32
    %add3A_71 = arith.constant 256 : i32
    %add3A_72 = arith.addi %mul3A_70, %add3A_71 : i32
    "tpu.region"() ({
      %run_scoped3A = tpu.sem_alloc : memref<!tpu.dma_semaphore, #tpu.memory_space<semaphore_mem>>
      %dma_start3A = arith.constant 0 : i32
      %dma_start3A_129 = tpu.memref_slice %arg16[%dma_start3A] : memref<128xf32, #tpu.memory_space<vmem>> -> memref<128xf32, #tpu.memory_space<vmem>>
      %dma_start3A_130 = tpu.memref_slice %arg17[%add3A_72] : memref<10112xf32, #tpu.memory_space<vmem_shared>> -> memref<128xf32, #tpu.memory_space<vmem_shared>>
      %dma_start3A_131 = tpu.memref_slice %arg17[%add3A_72] : memref<10112xf32, #tpu.memory_space<vmem_shared>> -> memref<128xf32, #tpu.memory_space<vmem_shared>>
      %dma_start3A_132 = arith.constant 0 : i32
      %dma_start3A_133 = tpu.memref_slice %arg16[%dma_start3A_132] : memref<128xf32, #tpu.memory_space<vmem>> -> memref<128xf32, #tpu.memory_space<vmem>>
      tpu.enqueue_dma source(%dma_start3A_133 : memref<128xf32, #tpu.memory_space<vmem>>) target(%dma_start3A_131 : memref<128xf32, #tpu.memory_space<vmem_shared>>) target_semaphore(%run_scoped3A : memref<!tpu.dma_semaphore, #tpu.memory_space<semaphore_mem>>)
      %dma_wait3A = arith.constant 0 : i32
      %dma_wait3A_134 = tpu.memref_slice %arg16[%dma_wait3A] : memref<128xf32, #tpu.memory_space<vmem>> -> memref<128xf32, #tpu.memory_space<vmem>>
      %dma_wait3A_135 = tpu.memref_slice %arg17[%add3A_72] : memref<10112xf32, #tpu.memory_space<vmem_shared>> -> memref<128xf32, #tpu.memory_space<vmem_shared>>
      %dma_wait3A_136 = tpu.memref_slice %arg17[%add3A_72] : memref<10112xf32, #tpu.memory_space<vmem_shared>> -> memref<128xf32, #tpu.memory_space<vmem_shared>>
      %dma_wait3A_137 = arith.constant 0 : i32
      %dma_wait3A_138 = tpu.memref_slice %arg16[%dma_wait3A_137] : memref<128xf32, #tpu.memory_space<vmem>> -> memref<128xf32, #tpu.memory_space<vmem>>
      tpu.wait_dma2 semaphore(%run_scoped3A : memref<!tpu.dma_semaphore, #tpu.memory_space<semaphore_mem>>) src(%dma_wait3A_138 : memref<128xf32, #tpu.memory_space<vmem>>) dst(%dma_wait3A_136 : memref<128xf32, #tpu.memory_space<vmem_shared>>)
      tpu.yield
    }) : () -> ()
    %mul3A_73 = arith.constant 632 : i32
    %mul3A_74 = arith.muli %arg1, %mul3A_73 : i32
    %add3A_75 = arith.constant 384 : i32
    %add3A_76 = arith.addi %mul3A_74, %add3A_75 : i32
    "tpu.region"() ({
      %run_scoped3A = tpu.sem_alloc : memref<!tpu.dma_semaphore, #tpu.memory_space<semaphore_mem>>
      %dma_start3A = arith.constant 0 : i32
      %dma_start3A_129 = tpu.memref_slice %arg16[%dma_start3A] : memref<128xf32, #tpu.memory_space<vmem>> -> memref<128xf32, #tpu.memory_space<vmem>>
      %dma_start3A_130 = tpu.memref_slice %arg17[%add3A_76] : memref<10112xf32, #tpu.memory_space<vmem_shared>> -> memref<128xf32, #tpu.memory_space<vmem_shared>>
      %dma_start3A_131 = tpu.memref_slice %arg17[%add3A_76] : memref<10112xf32, #tpu.memory_space<vmem_shared>> -> memref<128xf32, #tpu.memory_space<vmem_shared>>
      %dma_start3A_132 = arith.constant 0 : i32
      %dma_start3A_133 = tpu.memref_slice %arg16[%dma_start3A_132] : memref<128xf32, #tpu.memory_space<vmem>> -> memref<128xf32, #tpu.memory_space<vmem>>
      tpu.enqueue_dma source(%dma_start3A_133 : memref<128xf32, #tpu.memory_space<vmem>>) target(%dma_start3A_131 : memref<128xf32, #tpu.memory_space<vmem_shared>>) target_semaphore(%run_scoped3A : memref<!tpu.dma_semaphore, #tpu.memory_space<semaphore_mem>>)
      %dma_wait3A = arith.constant 0 : i32
      %dma_wait3A_134 = tpu.memref_slice %arg16[%dma_wait3A] : memref<128xf32, #tpu.memory_space<vmem>> -> memref<128xf32, #tpu.memory_space<vmem>>
      %dma_wait3A_135 = tpu.memref_slice %arg17[%add3A_76] : memref<10112xf32, #tpu.memory_space<vmem_shared>> -> memref<128xf32, #tpu.memory_space<vmem_shared>>
      %dma_wait3A_136 = tpu.memref_slice %arg17[%add3A_76] : memref<10112xf32, #tpu.memory_space<vmem_shared>> -> memref<128xf32, #tpu.memory_space<vmem_shared>>
      %dma_wait3A_137 = arith.constant 0 : i32
      %dma_wait3A_138 = tpu.memref_slice %arg16[%dma_wait3A_137] : memref<128xf32, #tpu.memory_space<vmem>> -> memref<128xf32, #tpu.memory_space<vmem>>
      tpu.wait_dma2 semaphore(%run_scoped3A : memref<!tpu.dma_semaphore, #tpu.memory_space<semaphore_mem>>) src(%dma_wait3A_138 : memref<128xf32, #tpu.memory_space<vmem>>) dst(%dma_wait3A_136 : memref<128xf32, #tpu.memory_space<vmem_shared>>)
      tpu.yield
    }) : () -> ()
    %mul3A_77 = arith.constant 632 : i32
    %mul3A_78 = arith.muli %arg1, %mul3A_77 : i32
    %add3A_79 = arith.constant 512 : i32
    %add3A_80 = arith.addi %mul3A_78, %add3A_79 : i32
    "tpu.region"() ({
      %run_scoped3A = tpu.sem_alloc : memref<!tpu.dma_semaphore, #tpu.memory_space<semaphore_mem>>
      %dma_start3A = arith.constant 0 : i32
      %dma_start3A_129 = tpu.memref_slice %arg16[%dma_start3A] : memref<128xf32, #tpu.memory_space<vmem>> -> memref<120xf32, #tpu.memory_space<vmem>>
      %dma_start3A_130 = tpu.memref_slice %arg17[%add3A_80] : memref<10112xf32, #tpu.memory_space<vmem_shared>> -> memref<120xf32, #tpu.memory_space<vmem_shared>>
      %dma_start3A_131 = tpu.memref_slice %arg17[%add3A_80] : memref<10112xf32, #tpu.memory_space<vmem_shared>> -> memref<120xf32, #tpu.memory_space<vmem_shared>>
      %dma_start3A_132 = arith.constant 0 : i32
      %dma_start3A_133 = tpu.memref_slice %arg16[%dma_start3A_132] : memref<128xf32, #tpu.memory_space<vmem>> -> memref<120xf32, #tpu.memory_space<vmem>>
      tpu.enqueue_dma source(%dma_start3A_133 : memref<120xf32, #tpu.memory_space<vmem>>) target(%dma_start3A_131 : memref<120xf32, #tpu.memory_space<vmem_shared>>) target_semaphore(%run_scoped3A : memref<!tpu.dma_semaphore, #tpu.memory_space<semaphore_mem>>)
      %dma_wait3A = arith.constant 0 : i32
      %dma_wait3A_134 = tpu.memref_slice %arg16[%dma_wait3A] : memref<128xf32, #tpu.memory_space<vmem>> -> memref<120xf32, #tpu.memory_space<vmem>>
      %dma_wait3A_135 = tpu.memref_slice %arg17[%add3A_80] : memref<10112xf32, #tpu.memory_space<vmem_shared>> -> memref<120xf32, #tpu.memory_space<vmem_shared>>
      %dma_wait3A_136 = tpu.memref_slice %arg17[%add3A_80] : memref<10112xf32, #tpu.memory_space<vmem_shared>> -> memref<120xf32, #tpu.memory_space<vmem_shared>>
      %dma_wait3A_137 = arith.constant 0 : i32
      %dma_wait3A_138 = tpu.memref_slice %arg16[%dma_wait3A_137] : memref<128xf32, #tpu.memory_space<vmem>> -> memref<120xf32, #tpu.memory_space<vmem>>
      tpu.wait_dma2 semaphore(%run_scoped3A : memref<!tpu.dma_semaphore, #tpu.memory_space<semaphore_mem>>) src(%dma_wait3A_138 : memref<120xf32, #tpu.memory_space<vmem>>) dst(%dma_wait3A_136 : memref<120xf32, #tpu.memory_space<vmem_shared>>)
      tpu.yield
    }) : () -> ()
    %broadcast_in_dim3A_81 = arith.constant 1.000000e+00 : f32
    %broadcast_in_dim3A_82 = vector.broadcast %broadcast_in_dim3A_81 : f32 to vector<16xf32>
    %swap3A_83 = arith.constant 0 : index
    %swap3A_84 = tpu.vector_load %arg16[%swap3A_83] {strides = array<i32>} : memref<128xf32, #tpu.memory_space<vmem>>, vector<16xf32>,
    %swap3A_85 = vector.shape_cast %swap3A_84 : vector<16xf32> to vector<16xf32>
    %swap3A_86 = vector.shape_cast %broadcast_in_dim3A_82 : vector<16xf32> to vector<16xf32>
    tpu.vector_store %arg16[%swap3A_83], %swap3A_86 {strides = array<i32>} : memref<128xf32, #tpu.memory_space<vmem>>, vector<16xf32>,
    %swap3A_87 = arith.constant 16 : index
    %swap3A_88 = tpu.vector_load %arg16[%swap3A_87] {strides = array<i32>} : memref<128xf32, #tpu.memory_space<vmem>>, vector<16xf32>,
    %swap3A_89 = vector.shape_cast %swap3A_88 : vector<16xf32> to vector<16xf32>
    %swap3A_90 = vector.shape_cast %broadcast_in_dim3A_82 : vector<16xf32> to vector<16xf32>
    tpu.vector_store %arg16[%swap3A_87], %swap3A_90 {strides = array<i32>} : memref<128xf32, #tpu.memory_space<vmem>>, vector<16xf32>,
    %swap3A_91 = arith.constant 32 : index
    %swap3A_92 = tpu.vector_load %arg16[%swap3A_91] {strides = array<i32>} : memref<128xf32, #tpu.memory_space<vmem>>, vector<16xf32>,
    %swap3A_93 = vector.shape_cast %swap3A_92 : vector<16xf32> to vector<16xf32>
    %swap3A_94 = vector.shape_cast %broadcast_in_dim3A_82 : vector<16xf32> to vector<16xf32>
    tpu.vector_store %arg16[%swap3A_91], %swap3A_94 {strides = array<i32>} : memref<128xf32, #tpu.memory_space<vmem>>, vector<16xf32>,
    %swap3A_95 = arith.constant 48 : index
    %swap3A_96 = tpu.vector_load %arg16[%swap3A_95] {strides = array<i32>} : memref<128xf32, #tpu.memory_space<vmem>>, vector<16xf32>,
    %swap3A_97 = vector.shape_cast %swap3A_96 : vector<16xf32> to vector<16xf32>
    %swap3A_98 = vector.shape_cast %broadcast_in_dim3A_82 : vector<16xf32> to vector<16xf32>
    tpu.vector_store %arg16[%swap3A_95], %swap3A_98 {strides = array<i32>} : memref<128xf32, #tpu.memory_space<vmem>>, vector<16xf32>,
    %swap3A_99 = arith.constant 64 : index
    %swap3A_100 = tpu.vector_load %arg16[%swap3A_99] {strides = array<i32>} : memref<128xf32, #tpu.memory_space<vmem>>, vector<16xf32>,
    %swap3A_101 = vector.shape_cast %swap3A_100 : vector<16xf32> to vector<16xf32>
    %swap3A_102 = vector.shape_cast %broadcast_in_dim3A_82 : vector<16xf32> to vector<16xf32>
    tpu.vector_store %arg16[%swap3A_99], %swap3A_102 {strides = array<i32>} : memref<128xf32, #tpu.memory_space<vmem>>, vector<16xf32>,
    %swap3A_103 = arith.constant 80 : index
    %swap3A_104 = tpu.vector_load %arg16[%swap3A_103] {strides = array<i32>} : memref<128xf32, #tpu.memory_space<vmem>>, vector<16xf32>,
    %swap3A_105 = vector.shape_cast %swap3A_104 : vector<16xf32> to vector<16xf32>
    %swap3A_106 = vector.shape_cast %broadcast_in_dim3A_82 : vector<16xf32> to vector<16xf32>
    tpu.vector_store %arg16[%swap3A_103], %swap3A_106 {strides = array<i32>} : memref<128xf32, #tpu.memory_space<vmem>>, vector<16xf32>,
    %swap3A_107 = arith.constant 96 : index
    %swap3A_108 = tpu.vector_load %arg16[%swap3A_107] {strides = array<i32>} : memref<128xf32, #tpu.memory_space<vmem>>, vector<16xf32>,
    %swap3A_109 = vector.shape_cast %swap3A_108 : vector<16xf32> to vector<16xf32>
    %swap3A_110 = vector.shape_cast %broadcast_in_dim3A_82 : vector<16xf32> to vector<16xf32>
    tpu.vector_store %arg16[%swap3A_107], %swap3A_110 {strides = array<i32>} : memref<128xf32, #tpu.memory_space<vmem>>, vector<16xf32>,
    %swap3A_111 = arith.constant 112 : index
    %swap3A_112 = tpu.vector_load %arg16[%swap3A_111] {strides = array<i32>} : memref<128xf32, #tpu.memory_space<vmem>>, vector<16xf32>,
    %swap3A_113 = vector.shape_cast %swap3A_112 : vector<16xf32> to vector<16xf32>
    %swap3A_114 = vector.shape_cast %broadcast_in_dim3A_82 : vector<16xf32> to vector<16xf32>
    tpu.vector_store %arg16[%swap3A_111], %swap3A_114 {strides = array<i32>} : memref<128xf32, #tpu.memory_space<vmem>>, vector<16xf32>,
    %barrier3A = arith.constant 0 : index
    tpu.barrier barrier_id(%barrier3A)
    %scan3A_115 = arith.constant 0 : i32
    %scan3A_116 = arith.constant 0 : i32
    %scan3A_117 = arith.constant 2 : i32
    %scan3A_118 = arith.addi %scan3A_116, %scan3A_117 : i32
    %scan3A_119 = arith.constant 1 : i32
    %scan3A_120 = scf.for %scan3A_129 = %scan3A_116 to %scan3A_118 step %scan3A_119 iter_args(%scan3A_130 = %scan3A_115) -> (i32)  : i32 {
      %mul3A_131 = arith.constant 40 : i32
      %mul3A_132 = arith.muli %scan3A_129, %mul3A_131 : i32
      "tpu.region"() ({
        %run_scoped3A_304 = tpu.sem_alloc : memref<!tpu.dma_semaphore, #tpu.memory_space<semaphore_mem>>
        %dma_start3A_305 = arith.constant 0 : i32
        %dma_start3A_306 = tpu.memref_slice %arg3[%add3A, %mul3A_132, %dma_start3A_305] : memref<32x80x128xi32, #tpu.memory_space<hbm>> -> memref<1x40x128xi32, #tpu.memory_space<hbm>>
        %dma_start3A_307 = tpu.memref_squeeze %dma_start3A_306 : memref<1x40x128xi32, #tpu.memory_space<hbm>> -> memref<40x128xi32, #tpu.memory_space<hbm>>
        %dma_start3A_308 = arith.constant 0 : i32
        %dma_start3A_309 = tpu.memref_slice %arg3[%add3A, %mul3A_132, %dma_start3A_308] : memref<32x80x128xi32, #tpu.memory_space<hbm>> -> memref<1x40x128xi32, #tpu.memory_space<hbm>>
        %dma_start3A_310 = tpu.memref_squeeze %dma_start3A_309 : memref<1x40x128xi32, #tpu.memory_space<hbm>> -> memref<40x128xi32, #tpu.memory_space<hbm>>
        tpu.enqueue_dma source(%dma_start3A_310 : memref<40x128xi32, #tpu.memory_space<hbm>>) target(%arg7 : memref<40x128xi32, #tpu.memory_space<vmem>>) target_semaphore(%run_scoped3A_304 : memref<!tpu.dma_semaphore, #tpu.memory_space<semaphore_mem>>)
        %dma_wait3A_311 = arith.constant 0 : i32
        %dma_wait3A_312 = tpu.memref_slice %arg3[%add3A, %mul3A_132, %dma_wait3A_311] : memref<32x80x128xi32, #tpu.memory_space<hbm>> -> memref<1x40x128xi32, #tpu.memory_space<hbm>>
        %dma_wait3A_313 = tpu.memref_squeeze %dma_wait3A_312 : memref<1x40x128xi32, #tpu.memory_space<hbm>> -> memref<40x128xi32, #tpu.memory_space<hbm>>
        %dma_wait3A_314 = arith.constant 0 : i32
        %dma_wait3A_315 = tpu.memref_slice %arg3[%add3A, %mul3A_132, %dma_wait3A_314] : memref<32x80x128xi32, #tpu.memory_space<hbm>> -> memref<1x40x128xi32, #tpu.memory_space<hbm>>
        %dma_wait3A_316 = tpu.memref_squeeze %dma_wait3A_315 : memref<1x40x128xi32, #tpu.memory_space<hbm>> -> memref<40x128xi32, #tpu.memory_space<hbm>>
        tpu.wait_dma2 semaphore(%run_scoped3A_304 : memref<!tpu.dma_semaphore, #tpu.memory_space<semaphore_mem>>) src(%dma_wait3A_316 : memref<40x128xi32, #tpu.memory_space<hbm>>) dst(%arg7 : memref<40x128xi32, #tpu.memory_space<vmem>>)
        tpu.yield
      }) : () -> ()
      %mul3A_133 = arith.constant 40 : i32
      %mul3A_134 = arith.muli %scan3A_129, %mul3A_133 : i32
      "tpu.region"() ({
        %run_scoped3A_304 = tpu.sem_alloc : memref<!tpu.dma_semaphore, #tpu.memory_space<semaphore_mem>>
        %dma_start3A_305 = arith.constant 0 : i32
        %dma_start3A_306 = tpu.memref_slice %arg4[%add3A, %mul3A_134, %dma_start3A_305] : memref<32x80x128xi32, #tpu.memory_space<hbm>> -> memref<1x40x128xi32, #tpu.memory_space<hbm>>
        %dma_start3A_307 = tpu.memref_squeeze %dma_start3A_306 : memref<1x40x128xi32, #tpu.memory_space<hbm>> -> memref<40x128xi32, #tpu.memory_space<hbm>>
        %dma_start3A_308 = arith.constant 0 : i32
        %dma_start3A_309 = tpu.memref_slice %arg4[%add3A, %mul3A_134, %dma_start3A_308] : memref<32x80x128xi32, #tpu.memory_space<hbm>> -> memref<1x40x128xi32, #tpu.memory_space<hbm>>
        %dma_start3A_310 = tpu.memref_squeeze %dma_start3A_309 : memref<1x40x128xi32, #tpu.memory_space<hbm>> -> memref<40x128xi32, #tpu.memory_space<hbm>>
        tpu.enqueue_dma source(%dma_start3A_310 : memref<40x128xi32, #tpu.memory_space<hbm>>) target(%arg8 : memref<40x128xi32, #tpu.memory_space<vmem>>) target_semaphore(%run_scoped3A_304 : memref<!tpu.dma_semaphore, #tpu.memory_space<semaphore_mem>>)
        %dma_wait3A_311 = arith.constant 0 : i32
        %dma_wait3A_312 = tpu.memref_slice %arg4[%add3A, %mul3A_134, %dma_wait3A_311] : memref<32x80x128xi32, #tpu.memory_space<hbm>> -> memref<1x40x128xi32, #tpu.memory_space<hbm>>
        %dma_wait3A_313 = tpu.memref_squeeze %dma_wait3A_312 : memref<1x40x128xi32, #tpu.memory_space<hbm>> -> memref<40x128xi32, #tpu.memory_space<hbm>>
        %dma_wait3A_314 = arith.constant 0 : i32
        %dma_wait3A_315 = tpu.memref_slice %arg4[%add3A, %mul3A_134, %dma_wait3A_314] : memref<32x80x128xi32, #tpu.memory_space<hbm>> -> memref<1x40x128xi32, #tpu.memory_space<hbm>>
        %dma_wait3A_316 = tpu.memref_squeeze %dma_wait3A_315 : memref<1x40x128xi32, #tpu.memory_space<hbm>> -> memref<40x128xi32, #tpu.memory_space<hbm>>
        tpu.wait_dma2 semaphore(%run_scoped3A_304 : memref<!tpu.dma_semaphore, #tpu.memory_space<semaphore_mem>>) src(%dma_wait3A_316 : memref<40x128xi32, #tpu.memory_space<hbm>>) dst(%arg8 : memref<40x128xi32, #tpu.memory_space<vmem>>)
        tpu.yield
      }) : () -> ()
      %dma_start3A = arith.constant 0 : i32
      %dma_start3A_135 = arith.constant 0 : i32
      %dma_start3A_136 = arith.constant 0 : i32
      %dma_start3A_137 = tpu.memref_slice %arg9[%dma_start3A_135, %dma_start3A_136] : memref<128x128xf32, #tpu.memory_space<vmem>> -> memref<32x128xf32, #tpu.memory_space<vmem>>
      %dma_start3A_138 = arith.constant 0 : i32
      %dma_start3A_139 = tpu.memref_slice %arg7[%dma_start3A, %dma_start3A_138] : memref<40x128xi32, #tpu.memory_space<vmem>> -> memref<1x32xi32, #tpu.memory_space<vmem>>
      %dma_start3A_140 = tpu.memref_squeeze %dma_start3A_139 : memref<1x32xi32, #tpu.memory_space<vmem>> -> memref<32xi32, #tpu.memory_space<vmem>>
      %dma_start3A_141 = arith.constant 0 : i32
      %dma_start3A_142 = arith.constant 0 : i32
      %dma_start3A_143 = tpu.memref_slice %arg2[%dma_start3A_141, %dma_start3A_142] : memref<10000x128xf32, #tpu.memory_space<hbm>> -> memref<10000x128xf32, #tpu.memory_space<hbm>>
      tpu.enqueue_indirect_dma source(%dma_start3A_143 : memref<10000x128xf32, #tpu.memory_space<hbm>>) target(%dma_start3A_137 : memref<32x128xf32, #tpu.memory_space<vmem>>) offsets(%dma_start3A_140 : memref<32xi32, #tpu.memory_space<vmem>>) semaphore(%arg12 : memref<!tpu.dma_semaphore, #tpu.memory_space<semaphore_mem>>)
      %dma_start3A_144 = arith.constant 0 : i32
      %dma_start3A_145 = arith.constant 32 : i32
      %dma_start3A_146 = arith.constant 0 : i32
      %dma_start3A_147 = tpu.memref_slice %arg9[%dma_start3A_145, %dma_start3A_146] : memref<128x128xf32, #tpu.memory_space<vmem>> -> memref<32x128xf32, #tpu.memory_space<vmem>>
      %dma_start3A_148 = arith.constant 32 : i32
      %dma_start3A_149 = tpu.memref_slice %arg7[%dma_start3A_144, %dma_start3A_148] : memref<40x128xi32, #tpu.memory_space<vmem>> -> memref<1x32xi32, #tpu.memory_space<vmem>>
      %dma_start3A_150 = tpu.memref_squeeze %dma_start3A_149 : memref<1x32xi32, #tpu.memory_space<vmem>> -> memref<32xi32, #tpu.memory_space<vmem>>
      %dma_start3A_151 = arith.constant 0 : i32
      %dma_start3A_152 = arith.constant 0 : i32
      %dma_start3A_153 = tpu.memref_slice %arg2[%dma_start3A_151, %dma_start3A_152] : memref<10000x128xf32, #tpu.memory_space<hbm>> -> memref<10000x128xf32, #tpu.memory_space<hbm>>
      tpu.enqueue_indirect_dma source(%dma_start3A_153 : memref<10000x128xf32, #tpu.memory_space<hbm>>) target(%dma_start3A_147 : memref<32x128xf32, #tpu.memory_space<vmem>>) offsets(%dma_start3A_150 : memref<32xi32, #tpu.memory_space<vmem>>) semaphore(%arg12 : memref<!tpu.dma_semaphore, #tpu.memory_space<semaphore_mem>>)
      %dma_start3A_154 = arith.constant 0 : i32
      %dma_start3A_155 = arith.constant 64 : i32
      %dma_start3A_156 = arith.constant 0 : i32
      %dma_start3A_157 = tpu.memref_slice %arg9[%dma_start3A_155, %dma_start3A_156] : memref<128x128xf32, #tpu.memory_space<vmem>> -> memref<32x128xf32, #tpu.memory_space<vmem>>
      %dma_start3A_158 = arith.constant 64 : i32
      %dma_start3A_159 = tpu.memref_slice %arg7[%dma_start3A_154, %dma_start3A_158] : memref<40x128xi32, #tpu.memory_space<vmem>> -> memref<1x32xi32, #tpu.memory_space<vmem>>
      %dma_start3A_160 = tpu.memref_squeeze %dma_start3A_159 : memref<1x32xi32, #tpu.memory_space<vmem>> -> memref<32xi32, #tpu.memory_space<vmem>>
      %dma_start3A_161 = arith.constant 0 : i32
      %dma_start3A_162 = arith.constant 0 : i32
      %dma_start3A_163 = tpu.memref_slice %arg2[%dma_start3A_161, %dma_start3A_162] : memref<10000x128xf32, #tpu.memory_space<hbm>> -> memref<10000x128xf32, #tpu.memory_space<hbm>>
      tpu.enqueue_indirect_dma source(%dma_start3A_163 : memref<10000x128xf32, #tpu.memory_space<hbm>>) target(%dma_start3A_157 : memref<32x128xf32, #tpu.memory_space<vmem>>) offsets(%dma_start3A_160 : memref<32xi32, #tpu.memory_space<vmem>>) semaphore(%arg12 : memref<!tpu.dma_semaphore, #tpu.memory_space<semaphore_mem>>)
      %dma_start3A_164 = arith.constant 0 : i32
      %dma_start3A_165 = arith.constant 96 : i32
      %dma_start3A_166 = arith.constant 0 : i32
      %dma_start3A_167 = tpu.memref_slice %arg9[%dma_start3A_165, %dma_start3A_166] : memref<128x128xf32, #tpu.memory_space<vmem>> -> memref<32x128xf32, #tpu.memory_space<vmem>>
      %dma_start3A_168 = arith.constant 96 : i32
      %dma_start3A_169 = tpu.memref_slice %arg7[%dma_start3A_164, %dma_start3A_168] : memref<40x128xi32, #tpu.memory_space<vmem>> -> memref<1x32xi32, #tpu.memory_space<vmem>>
      %dma_start3A_170 = tpu.memref_squeeze %dma_start3A_169 : memref<1x32xi32, #tpu.memory_space<vmem>> -> memref<32xi32, #tpu.memory_space<vmem>>
      %dma_start3A_171 = arith.constant 0 : i32
      %dma_start3A_172 = arith.constant 0 : i32
      %dma_start3A_173 = tpu.memref_slice %arg2[%dma_start3A_171, %dma_start3A_172] : memref<10000x128xf32, #tpu.memory_space<hbm>> -> memref<10000x128xf32, #tpu.memory_space<hbm>>
      tpu.enqueue_indirect_dma source(%dma_start3A_173 : memref<10000x128xf32, #tpu.memory_space<hbm>>) target(%dma_start3A_167 : memref<32x128xf32, #tpu.memory_space<vmem>>) offsets(%dma_start3A_170 : memref<32xi32, #tpu.memory_space<vmem>>) semaphore(%arg12 : memref<!tpu.dma_semaphore, #tpu.memory_space<semaphore_mem>>)
      %dma_start3A_174 = arith.constant 1 : i32
      %dma_start3A_175 = arith.constant 0 : i32
      %dma_start3A_176 = arith.constant 0 : i32
      %dma_start3A_177 = tpu.memref_slice %arg10[%dma_start3A_175, %dma_start3A_176] : memref<128x128xf32, #tpu.memory_space<vmem>> -> memref<32x128xf32, #tpu.memory_space<vmem>>
      %dma_start3A_178 = arith.constant 0 : i32
      %dma_start3A_179 = tpu.memref_slice %arg7[%dma_start3A_174, %dma_start3A_178] : memref<40x128xi32, #tpu.memory_space<vmem>> -> memref<1x32xi32, #tpu.memory_space<vmem>>
      %dma_start3A_180 = tpu.memref_squeeze %dma_start3A_179 : memref<1x32xi32, #tpu.memory_space<vmem>> -> memref<32xi32, #tpu.memory_space<vmem>>
      %dma_start3A_181 = arith.constant 0 : i32
      %dma_start3A_182 = arith.constant 0 : i32
      %dma_start3A_183 = tpu.memref_slice %arg2[%dma_start3A_181, %dma_start3A_182] : memref<10000x128xf32, #tpu.memory_space<hbm>> -> memref<10000x128xf32, #tpu.memory_space<hbm>>
      tpu.enqueue_indirect_dma source(%dma_start3A_183 : memref<10000x128xf32, #tpu.memory_space<hbm>>) target(%dma_start3A_177 : memref<32x128xf32, #tpu.memory_space<vmem>>) offsets(%dma_start3A_180 : memref<32xi32, #tpu.memory_space<vmem>>) semaphore(%arg13 : memref<!tpu.dma_semaphore, #tpu.memory_space<semaphore_mem>>)
      %dma_start3A_184 = arith.constant 1 : i32
      %dma_start3A_185 = arith.constant 32 : i32
      %dma_start3A_186 = arith.constant 0 : i32
      %dma_start3A_187 = tpu.memref_slice %arg10[%dma_start3A_185, %dma_start3A_186] : memref<128x128xf32, #tpu.memory_space<vmem>> -> memref<32x128xf32, #tpu.memory_space<vmem>>
      %dma_start3A_188 = arith.constant 32 : i32
      %dma_start3A_189 = tpu.memref_slice %arg7[%dma_start3A_184, %dma_start3A_188] : memref<40x128xi32, #tpu.memory_space<vmem>> -> memref<1x32xi32, #tpu.memory_space<vmem>>
      %dma_start3A_190 = tpu.memref_squeeze %dma_start3A_189 : memref<1x32xi32, #tpu.memory_space<vmem>> -> memref<32xi32, #tpu.memory_space<vmem>>
      %dma_start3A_191 = arith.constant 0 : i32
      %dma_start3A_192 = arith.constant 0 : i32
      %dma_start3A_193 = tpu.memref_slice %arg2[%dma_start3A_191, %dma_start3A_192] : memref<10000x128xf32, #tpu.memory_space<hbm>> -> memref<10000x128xf32, #tpu.memory_space<hbm>>
      tpu.enqueue_indirect_dma source(%dma_start3A_193 : memref<10000x128xf32, #tpu.memory_space<hbm>>) target(%dma_start3A_187 : memref<32x128xf32, #tpu.memory_space<vmem>>) offsets(%dma_start3A_190 : memref<32xi32, #tpu.memory_space<vmem>>) semaphore(%arg13 : memref<!tpu.dma_semaphore, #tpu.memory_space<semaphore_mem>>)
      %dma_start3A_194 = arith.constant 1 : i32
      %dma_start3A_195 = arith.constant 64 : i32
      %dma_start3A_196 = arith.constant 0 : i32
      %dma_start3A_197 = tpu.memref_slice %arg10[%dma_start3A_195, %dma_start3A_196] : memref<128x128xf32, #tpu.memory_space<vmem>> -> memref<32x128xf32, #tpu.memory_space<vmem>>
      %dma_start3A_198 = arith.constant 64 : i32
      %dma_start3A_199 = tpu.memref_slice %arg7[%dma_start3A_194, %dma_start3A_198] : memref<40x128xi32, #tpu.memory_space<vmem>> -> memref<1x32xi32, #tpu.memory_space<vmem>>
      %dma_start3A_200 = tpu.memref_squeeze %dma_start3A_199 : memref<1x32xi32, #tpu.memory_space<vmem>> -> memref<32xi32, #tpu.memory_space<vmem>>
      %dma_start3A_201 = arith.constant 0 : i32
      %dma_start3A_202 = arith.constant 0 : i32
      %dma_start3A_203 = tpu.memref_slice %arg2[%dma_start3A_201, %dma_start3A_202] : memref<10000x128xf32, #tpu.memory_space<hbm>> -> memref<10000x128xf32, #tpu.memory_space<hbm>>
      tpu.enqueue_indirect_dma source(%dma_start3A_203 : memref<10000x128xf32, #tpu.memory_space<hbm>>) target(%dma_start3A_197 : memref<32x128xf32, #tpu.memory_space<vmem>>) offsets(%dma_start3A_200 : memref<32xi32, #tpu.memory_space<vmem>>) semaphore(%arg13 : memref<!tpu.dma_semaphore, #tpu.memory_space<semaphore_mem>>)
      %dma_start3A_204 = arith.constant 1 : i32
      %dma_start3A_205 = arith.constant 96 : i32
      %dma_start3A_206 = arith.constant 0 : i32
      %dma_start3A_207 = tpu.memref_slice %arg10[%dma_start3A_205, %dma_start3A_206] : memref<128x128xf32, #tpu.memory_space<vmem>> -> memref<32x128xf32, #tpu.memory_space<vmem>>
      %dma_start3A_208 = arith.constant 96 : i32
      %dma_start3A_209 = tpu.memref_slice %arg7[%dma_start3A_204, %dma_start3A_208] : memref<40x128xi32, #tpu.memory_space<vmem>> -> memref<1x32xi32, #tpu.memory_space<vmem>>
      %dma_start3A_210 = tpu.memref_squeeze %dma_start3A_209 : memref<1x32xi32, #tpu.memory_space<vmem>> -> memref<32xi32, #tpu.memory_space<vmem>>
      %dma_start3A_211 = arith.constant 0 : i32
      %dma_start3A_212 = arith.constant 0 : i32
      %dma_start3A_213 = tpu.memref_slice %arg2[%dma_start3A_211, %dma_start3A_212] : memref<10000x128xf32, #tpu.memory_space<hbm>> -> memref<10000x128xf32, #tpu.memory_space<hbm>>
      tpu.enqueue_indirect_dma source(%dma_start3A_213 : memref<10000x128xf32, #tpu.memory_space<hbm>>) target(%dma_start3A_207 : memref<32x128xf32, #tpu.memory_space<vmem>>) offsets(%dma_start3A_210 : memref<32xi32, #tpu.memory_space<vmem>>) semaphore(%arg13 : memref<!tpu.dma_semaphore, #tpu.memory_space<semaphore_mem>>)
      %scan3A_214 = arith.constant 0 : i32
      %scan3A_215 = arith.constant 0 : i32
      %scan3A_216 = arith.constant 19 : i32
      %scan3A_217 = arith.addi %scan3A_215, %scan3A_216 : i32
      %scan3A_218 = arith.constant 1 : i32
      %scan3A_219 = scf.for %scan3A_304 = %scan3A_215 to %scan3A_217 step %scan3A_218 iter_args(%scan3A_305 = %scan3A_214) -> (i32)  : i32 {
        %mul3A_306 = arith.constant 2 : i32
        %mul3A_307 = arith.muli %mul3A_306, %scan3A_304 : i32
        %dma_wait3A_308 = arith.constant 0 : i32
        %dma_wait3A_309 = arith.constant 0 : i32
        %dma_wait3A_310 = arith.constant 0 : i32
        %dma_wait3A_311 = tpu.memref_slice %arg9[%dma_wait3A_309, %dma_wait3A_310] : memref<128x128xf32, #tpu.memory_space<vmem>> -> memref<32x128xf32, #tpu.memory_space<vmem>>
        %dma_wait3A_312 = arith.constant 0 : i32
        %dma_wait3A_313 = tpu.memref_slice %arg7[%dma_wait3A_308, %dma_wait3A_312] : memref<40x128xi32, #tpu.memory_space<vmem>> -> memref<1x32xi32, #tpu.memory_space<vmem>>
        %dma_wait3A_314 = tpu.memref_squeeze %dma_wait3A_313 : memref<1x32xi32, #tpu.memory_space<vmem>> -> memref<32xi32, #tpu.memory_space<vmem>>
        %dma_wait3A_315 = arith.constant 0 : i32
        %dma_wait3A_316 = arith.constant 0 : i32
        %dma_wait3A_317 = tpu.memref_slice %arg2[%dma_wait3A_315, %dma_wait3A_316] : memref<10000x128xf32, #tpu.memory_space<hbm>> -> memref<10000x128xf32, #tpu.memory_space<hbm>>
        tpu.wait_indirect_dma semaphore(%arg12 : memref<!tpu.dma_semaphore, #tpu.memory_space<semaphore_mem>>) src(%dma_wait3A_317 : memref<10000x128xf32, #tpu.memory_space<hbm>>) dst(%dma_wait3A_311 : memref<32x128xf32, #tpu.memory_space<vmem>>)
        %dma_wait3A_318 = arith.constant 0 : i32
        %dma_wait3A_319 = arith.constant 0 : i32
        %dma_wait3A_320 = arith.constant 0 : i32
        %dma_wait3A_321 = tpu.memref_slice %arg9[%dma_wait3A_319, %dma_wait3A_320] : memref<128x128xf32, #tpu.memory_space<vmem>> -> memref<32x128xf32, #tpu.memory_space<vmem>>
        %dma_wait3A_322 = arith.constant 0 : i32
        %dma_wait3A_323 = tpu.memref_slice %arg7[%dma_wait3A_318, %dma_wait3A_322] : memref<40x128xi32, #tpu.memory_space<vmem>> -> memref<1x32xi32, #tpu.memory_space<vmem>>
        %dma_wait3A_324 = tpu.memref_squeeze %dma_wait3A_323 : memref<1x32xi32, #tpu.memory_space<vmem>> -> memref<32xi32, #tpu.memory_space<vmem>>
        %dma_wait3A_325 = arith.constant 0 : i32
        %dma_wait3A_326 = arith.constant 0 : i32
        %dma_wait3A_327 = tpu.memref_slice %arg2[%dma_wait3A_325, %dma_wait3A_326] : memref<10000x128xf32, #tpu.memory_space<hbm>> -> memref<10000x128xf32, #tpu.memory_space<hbm>>
        tpu.wait_indirect_dma semaphore(%arg12 : memref<!tpu.dma_semaphore, #tpu.memory_space<semaphore_mem>>) src(%dma_wait3A_327 : memref<10000x128xf32, #tpu.memory_space<hbm>>) dst(%dma_wait3A_321 : memref<32x128xf32, #tpu.memory_space<vmem>>)
        %dma_wait3A_328 = arith.constant 0 : i32
        %dma_wait3A_329 = arith.constant 0 : i32
        %dma_wait3A_330 = arith.constant 0 : i32
        %dma_wait3A_331 = tpu.memref_slice %arg9[%dma_wait3A_329, %dma_wait3A_330] : memref<128x128xf32, #tpu.memory_space<vmem>> -> memref<32x128xf32, #tpu.memory_space<vmem>>
        %dma_wait3A_332 = arith.constant 0 : i32
        %dma_wait3A_333 = tpu.memref_slice %arg7[%dma_wait3A_328, %dma_wait3A_332] : memref<40x128xi32, #tpu.memory_space<vmem>> -> memref<1x32xi32, #tpu.memory_space<vmem>>
        %dma_wait3A_334 = tpu.memref_squeeze %dma_wait3A_333 : memref<1x32xi32, #tpu.memory_space<vmem>> -> memref<32xi32, #tpu.memory_space<vmem>>
        %dma_wait3A_335 = arith.constant 0 : i32
        %dma_wait3A_336 = arith.constant 0 : i32
        %dma_wait3A_337 = tpu.memref_slice %arg2[%dma_wait3A_335, %dma_wait3A_336] : memref<10000x128xf32, #tpu.memory_space<hbm>> -> memref<10000x128xf32, #tpu.memory_space<hbm>>
        tpu.wait_indirect_dma semaphore(%arg12 : memref<!tpu.dma_semaphore, #tpu.memory_space<semaphore_mem>>) src(%dma_wait3A_337 : memref<10000x128xf32, #tpu.memory_space<hbm>>) dst(%dma_wait3A_331 : memref<32x128xf32, #tpu.memory_space<vmem>>)
        %dma_wait3A_338 = arith.constant 0 : i32
        %dma_wait3A_339 = arith.constant 0 : i32
        %dma_wait3A_340 = arith.constant 0 : i32
        %dma_wait3A_341 = tpu.memref_slice %arg9[%dma_wait3A_339, %dma_wait3A_340] : memref<128x128xf32, #tpu.memory_space<vmem>> -> memref<32x128xf32, #tpu.memory_space<vmem>>
        %dma_wait3A_342 = arith.constant 0 : i32
        %dma_wait3A_343 = tpu.memref_slice %arg7[%dma_wait3A_338, %dma_wait3A_342] : memref<40x128xi32, #tpu.memory_space<vmem>> -> memref<1x32xi32, #tpu.memory_space<vmem>>
        %dma_wait3A_344 = tpu.memref_squeeze %dma_wait3A_343 : memref<1x32xi32, #tpu.memory_space<vmem>> -> memref<32xi32, #tpu.memory_space<vmem>>
        %dma_wait3A_345 = arith.constant 0 : i32
        %dma_wait3A_346 = arith.constant 0 : i32
        %dma_wait3A_347 = tpu.memref_slice %arg2[%dma_wait3A_345, %dma_wait3A_346] : memref<10000x128xf32, #tpu.memory_space<hbm>> -> memref<10000x128xf32, #tpu.memory_space<hbm>>
        tpu.wait_indirect_dma semaphore(%arg12 : memref<!tpu.dma_semaphore, #tpu.memory_space<semaphore_mem>>) src(%dma_wait3A_347 : memref<10000x128xf32, #tpu.memory_space<hbm>>) dst(%dma_wait3A_341 : memref<32x128xf32, #tpu.memory_space<vmem>>)
        %dma_start3A_348 = arith.constant 0 : i32
        %dma_start3A_349 = tpu.memref_slice %arg8[%mul3A_307, %dma_start3A_348] : memref<40x128xi32, #tpu.memory_space<vmem>> -> memref<1x128xi32, #tpu.memory_space<vmem>>
        %dma_start3A_350 = tpu.memref_squeeze %dma_start3A_349 : memref<1x128xi32, #tpu.memory_space<vmem>> -> memref<128xi32, #tpu.memory_space<vmem>>
        %dma_start3A_351 = arith.constant 0 : i32
        %dma_start3A_352 = arith.constant 0 : i32
        %dma_start3A_353 = tpu.memref_slice %arg11[%dma_start3A_351, %dma_start3A_352] : memref<10112x128xf32, #tpu.memory_space<vmem_shared>> -> memref<10112x128xf32, #tpu.memory_space<vmem_shared>>
        tpu.enqueue_indirect_dma source(%arg9 : memref<128x128xf32, #tpu.memory_space<vmem>>) target(%dma_start3A_353 : memref<10112x128xf32, #tpu.memory_space<vmem_shared>>) offsets(%dma_start3A_350 : memref<128xi32, #tpu.memory_space<vmem>>) semaphore(%arg14 : memref<!tpu.dma_semaphore, #tpu.memory_space<semaphore_mem>>) {add = true}
        %dma_start3A_354 = arith.constant 0 : i32
        %dma_start3A_355 = tpu.memref_slice %arg8[%mul3A_307, %dma_start3A_354] : memref<40x128xi32, #tpu.memory_space<vmem>> -> memref<1x128xi32, #tpu.memory_space<vmem>>
        %dma_start3A_356 = tpu.memref_squeeze %dma_start3A_355 : memref<1x128xi32, #tpu.memory_space<vmem>> -> memref<128xi32, #tpu.memory_space<vmem>>
        %dma_start3A_357 = arith.constant 0 : i32
        %dma_start3A_358 = tpu.memref_slice %arg17[%dma_start3A_357] : memref<10112xf32, #tpu.memory_space<vmem_shared>> -> memref<10112xf32, #tpu.memory_space<vmem_shared>>
        tpu.enqueue_indirect_dma source(%arg16 : memref<128xf32, #tpu.memory_space<vmem>>) target(%dma_start3A_358 : memref<10112xf32, #tpu.memory_space<vmem_shared>>) offsets(%dma_start3A_356 : memref<128xi32, #tpu.memory_space<vmem>>) semaphore(%arg18 : memref<!tpu.dma_semaphore, #tpu.memory_space<semaphore_mem>>) {add = true}
        %dma_wait3A_359 = arith.constant 0 : i32
        %dma_wait3A_360 = arith.constant 0 : i32
        %dma_wait3A_361 = arith.constant 0 : i32
        %dma_wait3A_362 = tpu.memref_slice %arg10[%dma_wait3A_360, %dma_wait3A_361] : memref<128x128xf32, #tpu.memory_space<vmem>> -> memref<32x128xf32, #tpu.memory_space<vmem>>
        %dma_wait3A_363 = arith.constant 0 : i32
        %dma_wait3A_364 = tpu.memref_slice %arg7[%dma_wait3A_359, %dma_wait3A_363] : memref<40x128xi32, #tpu.memory_space<vmem>> -> memref<1x32xi32, #tpu.memory_space<vmem>>
        %dma_wait3A_365 = tpu.memref_squeeze %dma_wait3A_364 : memref<1x32xi32, #tpu.memory_space<vmem>> -> memref<32xi32, #tpu.memory_space<vmem>>
        %dma_wait3A_366 = arith.constant 0 : i32
        %dma_wait3A_367 = arith.constant 0 : i32
        %dma_wait3A_368 = tpu.memref_slice %arg2[%dma_wait3A_366, %dma_wait3A_367] : memref<10000x128xf32, #tpu.memory_space<hbm>> -> memref<10000x128xf32, #tpu.memory_space<hbm>>
        tpu.wait_indirect_dma semaphore(%arg13 : memref<!tpu.dma_semaphore, #tpu.memory_space<semaphore_mem>>) src(%dma_wait3A_368 : memref<10000x128xf32, #tpu.memory_space<hbm>>) dst(%dma_wait3A_362 : memref<32x128xf32, #tpu.memory_space<vmem>>)
        %dma_wait3A_369 = arith.constant 0 : i32
        %dma_wait3A_370 = arith.constant 0 : i32
        %dma_wait3A_371 = arith.constant 0 : i32
        %dma_wait3A_372 = tpu.memref_slice %arg10[%dma_wait3A_370, %dma_wait3A_371] : memref<128x128xf32, #tpu.memory_space<vmem>> -> memref<32x128xf32, #tpu.memory_space<vmem>>
        %dma_wait3A_373 = arith.constant 0 : i32
        %dma_wait3A_374 = tpu.memref_slice %arg7[%dma_wait3A_369, %dma_wait3A_373] : memref<40x128xi32, #tpu.memory_space<vmem>> -> memref<1x32xi32, #tpu.memory_space<vmem>>
        %dma_wait3A_375 = tpu.memref_squeeze %dma_wait3A_374 : memref<1x32xi32, #tpu.memory_space<vmem>> -> memref<32xi32, #tpu.memory_space<vmem>>
        %dma_wait3A_376 = arith.constant 0 : i32
        %dma_wait3A_377 = arith.constant 0 : i32
        %dma_wait3A_378 = tpu.memref_slice %arg2[%dma_wait3A_376, %dma_wait3A_377] : memref<10000x128xf32, #tpu.memory_space<hbm>> -> memref<10000x128xf32, #tpu.memory_space<hbm>>
        tpu.wait_indirect_dma semaphore(%arg13 : memref<!tpu.dma_semaphore, #tpu.memory_space<semaphore_mem>>) src(%dma_wait3A_378 : memref<10000x128xf32, #tpu.memory_space<hbm>>) dst(%dma_wait3A_372 : memref<32x128xf32, #tpu.memory_space<vmem>>)
        %dma_wait3A_379 = arith.constant 0 : i32
        %dma_wait3A_380 = arith.constant 0 : i32
        %dma_wait3A_381 = arith.constant 0 : i32
        %dma_wait3A_382 = tpu.memref_slice %arg10[%dma_wait3A_380, %dma_wait3A_381] : memref<128x128xf32, #tpu.memory_space<vmem>> -> memref<32x128xf32, #tpu.memory_space<vmem>>
        %dma_wait3A_383 = arith.constant 0 : i32
        %dma_wait3A_384 = tpu.memref_slice %arg7[%dma_wait3A_379, %dma_wait3A_383] : memref<40x128xi32, #tpu.memory_space<vmem>> -> memref<1x32xi32, #tpu.memory_space<vmem>>
        %dma_wait3A_385 = tpu.memref_squeeze %dma_wait3A_384 : memref<1x32xi32, #tpu.memory_space<vmem>> -> memref<32xi32, #tpu.memory_space<vmem>>
        %dma_wait3A_386 = arith.constant 0 : i32
        %dma_wait3A_387 = arith.constant 0 : i32
        %dma_wait3A_388 = tpu.memref_slice %arg2[%dma_wait3A_386, %dma_wait3A_387] : memref<10000x128xf32, #tpu.memory_space<hbm>> -> memref<10000x128xf32, #tpu.memory_space<hbm>>
        tpu.wait_indirect_dma semaphore(%arg13 : memref<!tpu.dma_semaphore, #tpu.memory_space<semaphore_mem>>) src(%dma_wait3A_388 : memref<10000x128xf32, #tpu.memory_space<hbm>>) dst(%dma_wait3A_382 : memref<32x128xf32, #tpu.memory_space<vmem>>)
        %dma_wait3A_389 = arith.constant 0 : i32
        %dma_wait3A_390 = arith.constant 0 : i32
        %dma_wait3A_391 = arith.constant 0 : i32
        %dma_wait3A_392 = tpu.memref_slice %arg10[%dma_wait3A_390, %dma_wait3A_391] : memref<128x128xf32, #tpu.memory_space<vmem>> -> memref<32x128xf32, #tpu.memory_space<vmem>>
        %dma_wait3A_393 = arith.constant 0 : i32
        %dma_wait3A_394 = tpu.memref_slice %arg7[%dma_wait3A_389, %dma_wait3A_393] : memref<40x128xi32, #tpu.memory_space<vmem>> -> memref<1x32xi32, #tpu.memory_space<vmem>>
        %dma_wait3A_395 = tpu.memref_squeeze %dma_wait3A_394 : memref<1x32xi32, #tpu.memory_space<vmem>> -> memref<32xi32, #tpu.memory_space<vmem>>
        %dma_wait3A_396 = arith.constant 0 : i32
        %dma_wait3A_397 = arith.constant 0 : i32
        %dma_wait3A_398 = tpu.memref_slice %arg2[%dma_wait3A_396, %dma_wait3A_397] : memref<10000x128xf32, #tpu.memory_space<hbm>> -> memref<10000x128xf32, #tpu.memory_space<hbm>>
        tpu.wait_indirect_dma semaphore(%arg13 : memref<!tpu.dma_semaphore, #tpu.memory_space<semaphore_mem>>) src(%dma_wait3A_398 : memref<10000x128xf32, #tpu.memory_space<hbm>>) dst(%dma_wait3A_392 : memref<32x128xf32, #tpu.memory_space<vmem>>)
        %add3A_399 = arith.constant 1 : i32
        %add3A_400 = arith.addi %mul3A_307, %add3A_399 : i32
        %dma_start3A_401 = arith.constant 0 : i32
        %dma_start3A_402 = tpu.memref_slice %arg8[%add3A_400, %dma_start3A_401] : memref<40x128xi32, #tpu.memory_space<vmem>> -> memref<1x128xi32, #tpu.memory_space<vmem>>
        %dma_start3A_403 = tpu.memref_squeeze %dma_start3A_402 : memref<1x128xi32, #tpu.memory_space<vmem>> -> memref<128xi32, #tpu.memory_space<vmem>>
        %dma_start3A_404 = arith.constant 0 : i32
        %dma_start3A_405 = arith.constant 0 : i32
        %dma_start3A_406 = tpu.memref_slice %arg11[%dma_start3A_404, %dma_start3A_405] : memref<10112x128xf32, #tpu.memory_space<vmem_shared>> -> memref<10112x128xf32, #tpu.memory_space<vmem_shared>>
        tpu.enqueue_indirect_dma source(%arg10 : memref<128x128xf32, #tpu.memory_space<vmem>>) target(%dma_start3A_406 : memref<10112x128xf32, #tpu.memory_space<vmem_shared>>) offsets(%dma_start3A_403 : memref<128xi32, #tpu.memory_space<vmem>>) semaphore(%arg15 : memref<!tpu.dma_semaphore, #tpu.memory_space<semaphore_mem>>) {add = true}
        %add3A_407 = arith.constant 1 : i32
        %add3A_408 = arith.addi %mul3A_307, %add3A_407 : i32
        %dma_start3A_409 = arith.constant 0 : i32
        %dma_start3A_410 = tpu.memref_slice %arg8[%add3A_408, %dma_start3A_409] : memref<40x128xi32, #tpu.memory_space<vmem>> -> memref<1x128xi32, #tpu.memory_space<vmem>>
        %dma_start3A_411 = tpu.memref_squeeze %dma_start3A_410 : memref<1x128xi32, #tpu.memory_space<vmem>> -> memref<128xi32, #tpu.memory_space<vmem>>
        %dma_start3A_412 = arith.constant 0 : i32
        %dma_start3A_413 = tpu.memref_slice %arg17[%dma_start3A_412] : memref<10112xf32, #tpu.memory_space<vmem_shared>> -> memref<10112xf32, #tpu.memory_space<vmem_shared>>
        tpu.enqueue_indirect_dma source(%arg16 : memref<128xf32, #tpu.memory_space<vmem>>) target(%dma_start3A_413 : memref<10112xf32, #tpu.memory_space<vmem_shared>>) offsets(%dma_start3A_411 : memref<128xi32, #tpu.memory_space<vmem>>) semaphore(%arg18 : memref<!tpu.dma_semaphore, #tpu.memory_space<semaphore_mem>>) {add = true}
        %dma_wait3A_414 = arith.constant 0 : i32
        %dma_wait3A_415 = arith.constant 0 : i32
        %dma_wait3A_416 = tpu.memref_slice %arg8[%dma_wait3A_414, %dma_wait3A_415] : memref<40x128xi32, #tpu.memory_space<vmem>> -> memref<1x128xi32, #tpu.memory_space<vmem>>
        %dma_wait3A_417 = tpu.memref_squeeze %dma_wait3A_416 : memref<1x128xi32, #tpu.memory_space<vmem>> -> memref<128xi32, #tpu.memory_space<vmem>>
        %dma_wait3A_418 = arith.constant 0 : i32
        %dma_wait3A_419 = arith.constant 0 : i32
        %dma_wait3A_420 = tpu.memref_slice %arg11[%dma_wait3A_418, %dma_wait3A_419] : memref<10112x128xf32, #tpu.memory_space<vmem_shared>> -> memref<10112x128xf32, #tpu.memory_space<vmem_shared>>
        tpu.wait_indirect_dma semaphore(%arg14 : memref<!tpu.dma_semaphore, #tpu.memory_space<semaphore_mem>>) src(%arg9 : memref<128x128xf32, #tpu.memory_space<vmem>>) dst(%dma_wait3A_420 : memref<10112x128xf32, #tpu.memory_space<vmem_shared>>)
        %add3A_421 = arith.constant 2 : i32
        %add3A_422 = arith.addi %mul3A_307, %add3A_421 : i32
        %dma_start3A_423 = arith.constant 0 : i32
        %dma_start3A_424 = arith.constant 0 : i32
        %dma_start3A_425 = tpu.memref_slice %arg9[%dma_start3A_423, %dma_start3A_424] : memref<128x128xf32, #tpu.memory_space<vmem>> -> memref<32x128xf32, #tpu.memory_space<vmem>>
        %dma_start3A_426 = arith.constant 0 : i32
        %dma_start3A_427 = tpu.memref_slice %arg7[%add3A_422, %dma_start3A_426] : memref<40x128xi32, #tpu.memory_space<vmem>> -> memref<1x32xi32, #tpu.memory_space<vmem>>
        %dma_start3A_428 = tpu.memref_squeeze %dma_start3A_427 : memref<1x32xi32, #tpu.memory_space<vmem>> -> memref<32xi32, #tpu.memory_space<vmem>>
        %dma_start3A_429 = arith.constant 0 : i32
        %dma_start3A_430 = arith.constant 0 : i32
        %dma_start3A_431 = tpu.memref_slice %arg2[%dma_start3A_429, %dma_start3A_430] : memref<10000x128xf32, #tpu.memory_space<hbm>> -> memref<10000x128xf32, #tpu.memory_space<hbm>>
        tpu.enqueue_indirect_dma source(%dma_start3A_431 : memref<10000x128xf32, #tpu.memory_space<hbm>>) target(%dma_start3A_425 : memref<32x128xf32, #tpu.memory_space<vmem>>) offsets(%dma_start3A_428 : memref<32xi32, #tpu.memory_space<vmem>>) semaphore(%arg12 : memref<!tpu.dma_semaphore, #tpu.memory_space<semaphore_mem>>)
        %dma_start3A_432 = arith.constant 32 : i32
        %dma_start3A_433 = arith.constant 0 : i32
        %dma_start3A_434 = tpu.memref_slice %arg9[%dma_start3A_432, %dma_start3A_433] : memref<128x128xf32, #tpu.memory_space<vmem>> -> memref<32x128xf32, #tpu.memory_space<vmem>>
        %dma_start3A_435 = arith.constant 32 : i32
        %dma_start3A_436 = tpu.memref_slice %arg7[%add3A_422, %dma_start3A_435] : memref<40x128xi32, #tpu.memory_space<vmem>> -> memref<1x32xi32, #tpu.memory_space<vmem>>
        %dma_start3A_437 = tpu.memref_squeeze %dma_start3A_436 : memref<1x32xi32, #tpu.memory_space<vmem>> -> memref<32xi32, #tpu.memory_space<vmem>>
        %dma_start3A_438 = arith.constant 0 : i32
        %dma_start3A_439 = arith.constant 0 : i32
        %dma_start3A_440 = tpu.memref_slice %arg2[%dma_start3A_438, %dma_start3A_439] : memref<10000x128xf32, #tpu.memory_space<hbm>> -> memref<10000x128xf32, #tpu.memory_space<hbm>>
        tpu.enqueue_indirect_dma source(%dma_start3A_440 : memref<10000x128xf32, #tpu.memory_space<hbm>>) target(%dma_start3A_434 : memref<32x128xf32, #tpu.memory_space<vmem>>) offsets(%dma_start3A_437 : memref<32xi32, #tpu.memory_space<vmem>>) semaphore(%arg12 : memref<!tpu.dma_semaphore, #tpu.memory_space<semaphore_mem>>)
        %dma_start3A_441 = arith.constant 64 : i32
        %dma_start3A_442 = arith.constant 0 : i32
        %dma_start3A_443 = tpu.memref_slice %arg9[%dma_start3A_441, %dma_start3A_442] : memref<128x128xf32, #tpu.memory_space<vmem>> -> memref<32x128xf32, #tpu.memory_space<vmem>>
        %dma_start3A_444 = arith.constant 64 : i32
        %dma_start3A_445 = tpu.memref_slice %arg7[%add3A_422, %dma_start3A_444] : memref<40x128xi32, #tpu.memory_space<vmem>> -> memref<1x32xi32, #tpu.memory_space<vmem>>
        %dma_start3A_446 = tpu.memref_squeeze %dma_start3A_445 : memref<1x32xi32, #tpu.memory_space<vmem>> -> memref<32xi32, #tpu.memory_space<vmem>>
        %dma_start3A_447 = arith.constant 0 : i32
        %dma_start3A_448 = arith.constant 0 : i32
        %dma_start3A_449 = tpu.memref_slice %arg2[%dma_start3A_447, %dma_start3A_448] : memref<10000x128xf32, #tpu.memory_space<hbm>> -> memref<10000x128xf32, #tpu.memory_space<hbm>>
        tpu.enqueue_indirect_dma source(%dma_start3A_449 : memref<10000x128xf32, #tpu.memory_space<hbm>>) target(%dma_start3A_443 : memref<32x128xf32, #tpu.memory_space<vmem>>) offsets(%dma_start3A_446 : memref<32xi32, #tpu.memory_space<vmem>>) semaphore(%arg12 : memref<!tpu.dma_semaphore, #tpu.memory_space<semaphore_mem>>)
        %dma_start3A_450 = arith.constant 96 : i32
        %dma_start3A_451 = arith.constant 0 : i32
        %dma_start3A_452 = tpu.memref_slice %arg9[%dma_start3A_450, %dma_start3A_451] : memref<128x128xf32, #tpu.memory_space<vmem>> -> memref<32x128xf32, #tpu.memory_space<vmem>>
        %dma_start3A_453 = arith.constant 96 : i32
        %dma_start3A_454 = tpu.memref_slice %arg7[%add3A_422, %dma_start3A_453] : memref<40x128xi32, #tpu.memory_space<vmem>> -> memref<1x32xi32, #tpu.memory_space<vmem>>
        %dma_start3A_455 = tpu.memref_squeeze %dma_start3A_454 : memref<1x32xi32, #tpu.memory_space<vmem>> -> memref<32xi32, #tpu.memory_space<vmem>>
        %dma_start3A_456 = arith.constant 0 : i32
        %dma_start3A_457 = arith.constant 0 : i32
        %dma_start3A_458 = tpu.memref_slice %arg2[%dma_start3A_456, %dma_start3A_457] : memref<10000x128xf32, #tpu.memory_space<hbm>> -> memref<10000x128xf32, #tpu.memory_space<hbm>>
        tpu.enqueue_indirect_dma source(%dma_start3A_458 : memref<10000x128xf32, #tpu.memory_space<hbm>>) target(%dma_start3A_452 : memref<32x128xf32, #tpu.memory_space<vmem>>) offsets(%dma_start3A_455 : memref<32xi32, #tpu.memory_space<vmem>>) semaphore(%arg12 : memref<!tpu.dma_semaphore, #tpu.memory_space<semaphore_mem>>)
        %dma_wait3A_459 = arith.constant 0 : i32
        %dma_wait3A_460 = arith.constant 0 : i32
        %dma_wait3A_461 = tpu.memref_slice %arg8[%dma_wait3A_459, %dma_wait3A_460] : memref<40x128xi32, #tpu.memory_space<vmem>> -> memref<1x128xi32, #tpu.memory_space<vmem>>
        %dma_wait3A_462 = tpu.memref_squeeze %dma_wait3A_461 : memref<1x128xi32, #tpu.memory_space<vmem>> -> memref<128xi32, #tpu.memory_space<vmem>>
        %dma_wait3A_463 = arith.constant 0 : i32
        %dma_wait3A_464 = arith.constant 0 : i32
        %dma_wait3A_465 = tpu.memref_slice %arg11[%dma_wait3A_463, %dma_wait3A_464] : memref<10112x128xf32, #tpu.memory_space<vmem_shared>> -> memref<10112x128xf32, #tpu.memory_space<vmem_shared>>
        tpu.wait_indirect_dma semaphore(%arg15 : memref<!tpu.dma_semaphore, #tpu.memory_space<semaphore_mem>>) src(%arg10 : memref<128x128xf32, #tpu.memory_space<vmem>>) dst(%dma_wait3A_465 : memref<10112x128xf32, #tpu.memory_space<vmem_shared>>)
        %add3A_466 = arith.constant 3 : i32
        %add3A_467 = arith.addi %mul3A_307, %add3A_466 : i32
        %dma_start3A_468 = arith.constant 0 : i32
        %dma_start3A_469 = arith.constant 0 : i32
        %dma_start3A_470 = tpu.memref_slice %arg10[%dma_start3A_468, %dma_start3A_469] : memref<128x128xf32, #tpu.memory_space<vmem>> -> memref<32x128xf32, #tpu.memory_space<vmem>>
        %dma_start3A_471 = arith.constant 0 : i32
        %dma_start3A_472 = tpu.memref_slice %arg7[%add3A_467, %dma_start3A_471] : memref<40x128xi32, #tpu.memory_space<vmem>> -> memref<1x32xi32, #tpu.memory_space<vmem>>
        %dma_start3A_473 = tpu.memref_squeeze %dma_start3A_472 : memref<1x32xi32, #tpu.memory_space<vmem>> -> memref<32xi32, #tpu.memory_space<vmem>>
        %dma_start3A_474 = arith.constant 0 : i32
        %dma_start3A_475 = arith.constant 0 : i32
        %dma_start3A_476 = tpu.memref_slice %arg2[%dma_start3A_474, %dma_start3A_475] : memref<10000x128xf32, #tpu.memory_space<hbm>> -> memref<10000x128xf32, #tpu.memory_space<hbm>>
        tpu.enqueue_indirect_dma source(%dma_start3A_476 : memref<10000x128xf32, #tpu.memory_space<hbm>>) target(%dma_start3A_470 : memref<32x128xf32, #tpu.memory_space<vmem>>) offsets(%dma_start3A_473 : memref<32xi32, #tpu.memory_space<vmem>>) semaphore(%arg13 : memref<!tpu.dma_semaphore, #tpu.memory_space<semaphore_mem>>)
        %dma_start3A_477 = arith.constant 32 : i32
        %dma_start3A_478 = arith.constant 0 : i32
        %dma_start3A_479 = tpu.memref_slice %arg10[%dma_start3A_477, %dma_start3A_478] : memref<128x128xf32, #tpu.memory_space<vmem>> -> memref<32x128xf32, #tpu.memory_space<vmem>>
        %dma_start3A_480 = arith.constant 32 : i32
        %dma_start3A_481 = tpu.memref_slice %arg7[%add3A_467, %dma_start3A_480] : memref<40x128xi32, #tpu.memory_space<vmem>> -> memref<1x32xi32, #tpu.memory_space<vmem>>
        %dma_start3A_482 = tpu.memref_squeeze %dma_start3A_481 : memref<1x32xi32, #tpu.memory_space<vmem>> -> memref<32xi32, #tpu.memory_space<vmem>>
        %dma_start3A_483 = arith.constant 0 : i32
        %dma_start3A_484 = arith.constant 0 : i32
        %dma_start3A_485 = tpu.memref_slice %arg2[%dma_start3A_483, %dma_start3A_484] : memref<10000x128xf32, #tpu.memory_space<hbm>> -> memref<10000x128xf32, #tpu.memory_space<hbm>>
        tpu.enqueue_indirect_dma source(%dma_start3A_485 : memref<10000x128xf32, #tpu.memory_space<hbm>>) target(%dma_start3A_479 : memref<32x128xf32, #tpu.memory_space<vmem>>) offsets(%dma_start3A_482 : memref<32xi32, #tpu.memory_space<vmem>>) semaphore(%arg13 : memref<!tpu.dma_semaphore, #tpu.memory_space<semaphore_mem>>)
        %dma_start3A_486 = arith.constant 64 : i32
        %dma_start3A_487 = arith.constant 0 : i32
        %dma_start3A_488 = tpu.memref_slice %arg10[%dma_start3A_486, %dma_start3A_487] : memref<128x128xf32, #tpu.memory_space<vmem>> -> memref<32x128xf32, #tpu.memory_space<vmem>>
        %dma_start3A_489 = arith.constant 64 : i32
        %dma_start3A_490 = tpu.memref_slice %arg7[%add3A_467, %dma_start3A_489] : memref<40x128xi32, #tpu.memory_space<vmem>> -> memref<1x32xi32, #tpu.memory_space<vmem>>
        %dma_start3A_491 = tpu.memref_squeeze %dma_start3A_490 : memref<1x32xi32, #tpu.memory_space<vmem>> -> memref<32xi32, #tpu.memory_space<vmem>>
        %dma_start3A_492 = arith.constant 0 : i32
        %dma_start3A_493 = arith.constant 0 : i32
        %dma_start3A_494 = tpu.memref_slice %arg2[%dma_start3A_492, %dma_start3A_493] : memref<10000x128xf32, #tpu.memory_space<hbm>> -> memref<10000x128xf32, #tpu.memory_space<hbm>>
        tpu.enqueue_indirect_dma source(%dma_start3A_494 : memref<10000x128xf32, #tpu.memory_space<hbm>>) target(%dma_start3A_488 : memref<32x128xf32, #tpu.memory_space<vmem>>) offsets(%dma_start3A_491 : memref<32xi32, #tpu.memory_space<vmem>>) semaphore(%arg13 : memref<!tpu.dma_semaphore, #tpu.memory_space<semaphore_mem>>)
        %dma_start3A_495 = arith.constant 96 : i32
        %dma_start3A_496 = arith.constant 0 : i32
        %dma_start3A_497 = tpu.memref_slice %arg10[%dma_start3A_495, %dma_start3A_496] : memref<128x128xf32, #tpu.memory_space<vmem>> -> memref<32x128xf32, #tpu.memory_space<vmem>>
        %dma_start3A_498 = arith.constant 96 : i32
        %dma_start3A_499 = tpu.memref_slice %arg7[%add3A_467, %dma_start3A_498] : memref<40x128xi32, #tpu.memory_space<vmem>> -> memref<1x32xi32, #tpu.memory_space<vmem>>
        %dma_start3A_500 = tpu.memref_squeeze %dma_start3A_499 : memref<1x32xi32, #tpu.memory_space<vmem>> -> memref<32xi32, #tpu.memory_space<vmem>>
        %dma_start3A_501 = arith.constant 0 : i32
        %dma_start3A_502 = arith.constant 0 : i32
        %dma_start3A_503 = tpu.memref_slice %arg2[%dma_start3A_501, %dma_start3A_502] : memref<10000x128xf32, #tpu.memory_space<hbm>> -> memref<10000x128xf32, #tpu.memory_space<hbm>>
        tpu.enqueue_indirect_dma source(%dma_start3A_503 : memref<10000x128xf32, #tpu.memory_space<hbm>>) target(%dma_start3A_497 : memref<32x128xf32, #tpu.memory_space<vmem>>) offsets(%dma_start3A_500 : memref<32xi32, #tpu.memory_space<vmem>>) semaphore(%arg13 : memref<!tpu.dma_semaphore, #tpu.memory_space<semaphore_mem>>)
        %dma_wait3A_504 = arith.constant 0 : i32
        %dma_wait3A_505 = arith.constant 0 : i32
        %dma_wait3A_506 = tpu.memref_slice %arg8[%dma_wait3A_504, %dma_wait3A_505] : memref<40x128xi32, #tpu.memory_space<vmem>> -> memref<1x128xi32, #tpu.memory_space<vmem>>
        %dma_wait3A_507 = tpu.memref_squeeze %dma_wait3A_506 : memref<1x128xi32, #tpu.memory_space<vmem>> -> memref<128xi32, #tpu.memory_space<vmem>>
        %dma_wait3A_508 = arith.constant 0 : i32
        %dma_wait3A_509 = tpu.memref_slice %arg17[%dma_wait3A_508] : memref<10112xf32, #tpu.memory_space<vmem_shared>> -> memref<10112xf32, #tpu.memory_space<vmem_shared>>
        tpu.wait_indirect_dma semaphore(%arg18 : memref<!tpu.dma_semaphore, #tpu.memory_space<semaphore_mem>>) src(%arg16 : memref<128xf32, #tpu.memory_space<vmem>>) dst(%dma_wait3A_509 : memref<10112xf32, #tpu.memory_space<vmem_shared>>)
        %dma_wait3A_510 = arith.constant 0 : i32
        %dma_wait3A_511 = arith.constant 0 : i32
        %dma_wait3A_512 = tpu.memref_slice %arg8[%dma_wait3A_510, %dma_wait3A_511] : memref<40x128xi32, #tpu.memory_space<vmem>> -> memref<1x128xi32, #tpu.memory_space<vmem>>
        %dma_wait3A_513 = tpu.memref_squeeze %dma_wait3A_512 : memref<1x128xi32, #tpu.memory_space<vmem>> -> memref<128xi32, #tpu.memory_space<vmem>>
        %dma_wait3A_514 = arith.constant 0 : i32
        %dma_wait3A_515 = tpu.memref_slice %arg17[%dma_wait3A_514] : memref<10112xf32, #tpu.memory_space<vmem_shared>> -> memref<10112xf32, #tpu.memory_space<vmem_shared>>
        tpu.wait_indirect_dma semaphore(%arg18 : memref<!tpu.dma_semaphore, #tpu.memory_space<semaphore_mem>>) src(%arg16 : memref<128xf32, #tpu.memory_space<vmem>>) dst(%dma_wait3A_515 : memref<10112xf32, #tpu.memory_space<vmem_shared>>)
        %scan3A_516 = arith.constant 0 : i32
        scf.yield %scan3A_516 : i32
      }
      %scan3A_220 = arith.constant 19 : i32
      %dma_wait3A = arith.constant 0 : i32
      %dma_wait3A_221 = arith.constant 0 : i32
      %dma_wait3A_222 = arith.constant 0 : i32
      %dma_wait3A_223 = tpu.memref_slice %arg9[%dma_wait3A_221, %dma_wait3A_222] : memref<128x128xf32, #tpu.memory_space<vmem>> -> memref<32x128xf32, #tpu.memory_space<vmem>>
      %dma_wait3A_224 = arith.constant 0 : i32
      %dma_wait3A_225 = tpu.memref_slice %arg7[%dma_wait3A, %dma_wait3A_224] : memref<40x128xi32, #tpu.memory_space<vmem>> -> memref<1x32xi32, #tpu.memory_space<vmem>>
      %dma_wait3A_226 = tpu.memref_squeeze %dma_wait3A_225 : memref<1x32xi32, #tpu.memory_space<vmem>> -> memref<32xi32, #tpu.memory_space<vmem>>
      %dma_wait3A_227 = arith.constant 0 : i32
      %dma_wait3A_228 = arith.constant 0 : i32
      %dma_wait3A_229 = tpu.memref_slice %arg2[%dma_wait3A_227, %dma_wait3A_228] : memref<10000x128xf32, #tpu.memory_space<hbm>> -> memref<10000x128xf32, #tpu.memory_space<hbm>>
      tpu.wait_indirect_dma semaphore(%arg12 : memref<!tpu.dma_semaphore, #tpu.memory_space<semaphore_mem>>) src(%dma_wait3A_229 : memref<10000x128xf32, #tpu.memory_space<hbm>>) dst(%dma_wait3A_223 : memref<32x128xf32, #tpu.memory_space<vmem>>)
      %dma_wait3A_230 = arith.constant 0 : i32
      %dma_wait3A_231 = arith.constant 0 : i32
      %dma_wait3A_232 = arith.constant 0 : i32
      %dma_wait3A_233 = tpu.memref_slice %arg9[%dma_wait3A_231, %dma_wait3A_232] : memref<128x128xf32, #tpu.memory_space<vmem>> -> memref<32x128xf32, #tpu.memory_space<vmem>>
      %dma_wait3A_234 = arith.constant 0 : i32
      %dma_wait3A_235 = tpu.memref_slice %arg7[%dma_wait3A_230, %dma_wait3A_234] : memref<40x128xi32, #tpu.memory_space<vmem>> -> memref<1x32xi32, #tpu.memory_space<vmem>>
      %dma_wait3A_236 = tpu.memref_squeeze %dma_wait3A_235 : memref<1x32xi32, #tpu.memory_space<vmem>> -> memref<32xi32, #tpu.memory_space<vmem>>
      %dma_wait3A_237 = arith.constant 0 : i32
      %dma_wait3A_238 = arith.constant 0 : i32
      %dma_wait3A_239 = tpu.memref_slice %arg2[%dma_wait3A_237, %dma_wait3A_238] : memref<10000x128xf32, #tpu.memory_space<hbm>> -> memref<10000x128xf32, #tpu.memory_space<hbm>>
      tpu.wait_indirect_dma semaphore(%arg12 : memref<!tpu.dma_semaphore, #tpu.memory_space<semaphore_mem>>) src(%dma_wait3A_239 : memref<10000x128xf32, #tpu.memory_space<hbm>>) dst(%dma_wait3A_233 : memref<32x128xf32, #tpu.memory_space<vmem>>)
      %dma_wait3A_240 = arith.constant 0 : i32
      %dma_wait3A_241 = arith.constant 0 : i32
      %dma_wait3A_242 = arith.constant 0 : i32
      %dma_wait3A_243 = tpu.memref_slice %arg9[%dma_wait3A_241, %dma_wait3A_242] : memref<128x128xf32, #tpu.memory_space<vmem>> -> memref<32x128xf32, #tpu.memory_space<vmem>>
      %dma_wait3A_244 = arith.constant 0 : i32
      %dma_wait3A_245 = tpu.memref_slice %arg7[%dma_wait3A_240, %dma_wait3A_244] : memref<40x128xi32, #tpu.memory_space<vmem>> -> memref<1x32xi32, #tpu.memory_space<vmem>>
      %dma_wait3A_246 = tpu.memref_squeeze %dma_wait3A_245 : memref<1x32xi32, #tpu.memory_space<vmem>> -> memref<32xi32, #tpu.memory_space<vmem>>
      %dma_wait3A_247 = arith.constant 0 : i32
      %dma_wait3A_248 = arith.constant 0 : i32
      %dma_wait3A_249 = tpu.memref_slice %arg2[%dma_wait3A_247, %dma_wait3A_248] : memref<10000x128xf32, #tpu.memory_space<hbm>> -> memref<10000x128xf32, #tpu.memory_space<hbm>>
      tpu.wait_indirect_dma semaphore(%arg12 : memref<!tpu.dma_semaphore, #tpu.memory_space<semaphore_mem>>) src(%dma_wait3A_249 : memref<10000x128xf32, #tpu.memory_space<hbm>>) dst(%dma_wait3A_243 : memref<32x128xf32, #tpu.memory_space<vmem>>)
      %dma_wait3A_250 = arith.constant 0 : i32
      %dma_wait3A_251 = arith.constant 0 : i32
      %dma_wait3A_252 = arith.constant 0 : i32
      %dma_wait3A_253 = tpu.memref_slice %arg9[%dma_wait3A_251, %dma_wait3A_252] : memref<128x128xf32, #tpu.memory_space<vmem>> -> memref<32x128xf32, #tpu.memory_space<vmem>>
      %dma_wait3A_254 = arith.constant 0 : i32
      %dma_wait3A_255 = tpu.memref_slice %arg7[%dma_wait3A_250, %dma_wait3A_254] : memref<40x128xi32, #tpu.memory_space<vmem>> -> memref<1x32xi32, #tpu.memory_space<vmem>>
      %dma_wait3A_256 = tpu.memref_squeeze %dma_wait3A_255 : memref<1x32xi32, #tpu.memory_space<vmem>> -> memref<32xi32, #tpu.memory_space<vmem>>
      %dma_wait3A_257 = arith.constant 0 : i32
      %dma_wait3A_258 = arith.constant 0 : i32
      %dma_wait3A_259 = tpu.memref_slice %arg2[%dma_wait3A_257, %dma_wait3A_258] : memref<10000x128xf32, #tpu.memory_space<hbm>> -> memref<10000x128xf32, #tpu.memory_space<hbm>>
      tpu.wait_indirect_dma semaphore(%arg12 : memref<!tpu.dma_semaphore, #tpu.memory_space<semaphore_mem>>) src(%dma_wait3A_259 : memref<10000x128xf32, #tpu.memory_space<hbm>>) dst(%dma_wait3A_253 : memref<32x128xf32, #tpu.memory_space<vmem>>)
      %run_scoped3A = arith.constant 38 : i32
      "tpu.region"() ({
        %run_scoped3A_304 = tpu.sem_alloc : memref<!tpu.dma_semaphore, #tpu.memory_space<semaphore_mem>>
        %dma_start3A_305 = arith.constant 0 : i32
        %dma_start3A_306 = tpu.memref_slice %arg8[%run_scoped3A, %dma_start3A_305] : memref<40x128xi32, #tpu.memory_space<vmem>> -> memref<1x128xi32, #tpu.memory_space<vmem>>
        %dma_start3A_307 = tpu.memref_squeeze %dma_start3A_306 : memref<1x128xi32, #tpu.memory_space<vmem>> -> memref<128xi32, #tpu.memory_space<vmem>>
        %dma_start3A_308 = arith.constant 0 : i32
        %dma_start3A_309 = arith.constant 0 : i32
        %dma_start3A_310 = tpu.memref_slice %arg11[%dma_start3A_308, %dma_start3A_309] : memref<10112x128xf32, #tpu.memory_space<vmem_shared>> -> memref<10112x128xf32, #tpu.memory_space<vmem_shared>>
        tpu.enqueue_indirect_dma source(%arg9 : memref<128x128xf32, #tpu.memory_space<vmem>>) target(%dma_start3A_310 : memref<10112x128xf32, #tpu.memory_space<vmem_shared>>) offsets(%dma_start3A_307 : memref<128xi32, #tpu.memory_space<vmem>>) semaphore(%run_scoped3A_304 : memref<!tpu.dma_semaphore, #tpu.memory_space<semaphore_mem>>) {add = true}
        %dma_wait3A_311 = arith.constant 0 : i32
        %dma_wait3A_312 = tpu.memref_slice %arg8[%run_scoped3A, %dma_wait3A_311] : memref<40x128xi32, #tpu.memory_space<vmem>> -> memref<1x128xi32, #tpu.memory_space<vmem>>
        %dma_wait3A_313 = tpu.memref_squeeze %dma_wait3A_312 : memref<1x128xi32, #tpu.memory_space<vmem>> -> memref<128xi32, #tpu.memory_space<vmem>>
        %dma_wait3A_314 = arith.constant 0 : i32
        %dma_wait3A_315 = arith.constant 0 : i32
        %dma_wait3A_316 = tpu.memref_slice %arg11[%dma_wait3A_314, %dma_wait3A_315] : memref<10112x128xf32, #tpu.memory_space<vmem_shared>> -> memref<10112x128xf32, #tpu.memory_space<vmem_shared>>
        tpu.wait_indirect_dma semaphore(%run_scoped3A_304 : memref<!tpu.dma_semaphore, #tpu.memory_space<semaphore_mem>>) src(%arg9 : memref<128x128xf32, #tpu.memory_space<vmem>>) dst(%dma_wait3A_316 : memref<10112x128xf32, #tpu.memory_space<vmem_shared>>)
        tpu.yield
      }) : () -> ()
      %dma_wait3A_260 = arith.constant 0 : i32
      %dma_wait3A_261 = arith.constant 0 : i32
      %dma_wait3A_262 = arith.constant 0 : i32
      %dma_wait3A_263 = tpu.memref_slice %arg10[%dma_wait3A_261, %dma_wait3A_262] : memref<128x128xf32, #tpu.memory_space<vmem>> -> memref<32x128xf32, #tpu.memory_space<vmem>>
      %dma_wait3A_264 = arith.constant 0 : i32
      %dma_wait3A_265 = tpu.memref_slice %arg7[%dma_wait3A_260, %dma_wait3A_264] : memref<40x128xi32, #tpu.memory_space<vmem>> -> memref<1x32xi32, #tpu.memory_space<vmem>>
      %dma_wait3A_266 = tpu.memref_squeeze %dma_wait3A_265 : memref<1x32xi32, #tpu.memory_space<vmem>> -> memref<32xi32, #tpu.memory_space<vmem>>
      %dma_wait3A_267 = arith.constant 0 : i32
      %dma_wait3A_268 = arith.constant 0 : i32
      %dma_wait3A_269 = tpu.memref_slice %arg2[%dma_wait3A_267, %dma_wait3A_268] : memref<10000x128xf32, #tpu.memory_space<hbm>> -> memref<10000x128xf32, #tpu.memory_space<hbm>>
      tpu.wait_indirect_dma semaphore(%arg13 : memref<!tpu.dma_semaphore, #tpu.memory_space<semaphore_mem>>) src(%dma_wait3A_269 : memref<10000x128xf32, #tpu.memory_space<hbm>>) dst(%dma_wait3A_263 : memref<32x128xf32, #tpu.memory_space<vmem>>)
      %dma_wait3A_270 = arith.constant 0 : i32
      %dma_wait3A_271 = arith.constant 0 : i32
      %dma_wait3A_272 = arith.constant 0 : i32
      %dma_wait3A_273 = tpu.memref_slice %arg10[%dma_wait3A_271, %dma_wait3A_272] : memref<128x128xf32, #tpu.memory_space<vmem>> -> memref<32x128xf32, #tpu.memory_space<vmem>>
      %dma_wait3A_274 = arith.constant 0 : i32
      %dma_wait3A_275 = tpu.memref_slice %arg7[%dma_wait3A_270, %dma_wait3A_274] : memref<40x128xi32, #tpu.memory_space<vmem>> -> memref<1x32xi32, #tpu.memory_space<vmem>>
      %dma_wait3A_276 = tpu.memref_squeeze %dma_wait3A_275 : memref<1x32xi32, #tpu.memory_space<vmem>> -> memref<32xi32, #tpu.memory_space<vmem>>
      %dma_wait3A_277 = arith.constant 0 : i32
      %dma_wait3A_278 = arith.constant 0 : i32
      %dma_wait3A_279 = tpu.memref_slice %arg2[%dma_wait3A_277, %dma_wait3A_278] : memref<10000x128xf32, #tpu.memory_space<hbm>> -> memref<10000x128xf32, #tpu.memory_space<hbm>>
      tpu.wait_indirect_dma semaphore(%arg13 : memref<!tpu.dma_semaphore, #tpu.memory_space<semaphore_mem>>) src(%dma_wait3A_279 : memref<10000x128xf32, #tpu.memory_space<hbm>>) dst(%dma_wait3A_273 : memref<32x128xf32, #tpu.memory_space<vmem>>)
      %dma_wait3A_280 = arith.constant 0 : i32
      %dma_wait3A_281 = arith.constant 0 : i32
      %dma_wait3A_282 = arith.constant 0 : i32
      %dma_wait3A_283 = tpu.memref_slice %arg10[%dma_wait3A_281, %dma_wait3A_282] : memref<128x128xf32, #tpu.memory_space<vmem>> -> memref<32x128xf32, #tpu.memory_space<vmem>>
      %dma_wait3A_284 = arith.constant 0 : i32
      %dma_wait3A_285 = tpu.memref_slice %arg7[%dma_wait3A_280, %dma_wait3A_284] : memref<40x128xi32, #tpu.memory_space<vmem>> -> memref<1x32xi32, #tpu.memory_space<vmem>>
      %dma_wait3A_286 = tpu.memref_squeeze %dma_wait3A_285 : memref<1x32xi32, #tpu.memory_space<vmem>> -> memref<32xi32, #tpu.memory_space<vmem>>
      %dma_wait3A_287 = arith.constant 0 : i32
      %dma_wait3A_288 = arith.constant 0 : i32
      %dma_wait3A_289 = tpu.memref_slice %arg2[%dma_wait3A_287, %dma_wait3A_288] : memref<10000x128xf32, #tpu.memory_space<hbm>> -> memref<10000x128xf32, #tpu.memory_space<hbm>>
      tpu.wait_indirect_dma semaphore(%arg13 : memref<!tpu.dma_semaphore, #tpu.memory_space<semaphore_mem>>) src(%dma_wait3A_289 : memref<10000x128xf32, #tpu.memory_space<hbm>>) dst(%dma_wait3A_283 : memref<32x128xf32, #tpu.memory_space<vmem>>)
      %dma_wait3A_290 = arith.constant 0 : i32
      %dma_wait3A_291 = arith.constant 0 : i32
      %dma_wait3A_292 = arith.constant 0 : i32
      %dma_wait3A_293 = tpu.memref_slice %arg10[%dma_wait3A_291, %dma_wait3A_292] : memref<128x128xf32, #tpu.memory_space<vmem>> -> memref<32x128xf32, #tpu.memory_space<vmem>>
      %dma_wait3A_294 = arith.constant 0 : i32
      %dma_wait3A_295 = tpu.memref_slice %arg7[%dma_wait3A_290, %dma_wait3A_294] : memref<40x128xi32, #tpu.memory_space<vmem>> -> memref<1x32xi32, #tpu.memory_space<vmem>>
      %dma_wait3A_296 = tpu.memref_squeeze %dma_wait3A_295 : memref<1x32xi32, #tpu.memory_space<vmem>> -> memref<32xi32, #tpu.memory_space<vmem>>
      %dma_wait3A_297 = arith.constant 0 : i32
      %dma_wait3A_298 = arith.constant 0 : i32
      %dma_wait3A_299 = tpu.memref_slice %arg2[%dma_wait3A_297, %dma_wait3A_298] : memref<10000x128xf32, #tpu.memory_space<hbm>> -> memref<10000x128xf32, #tpu.memory_space<hbm>>
      tpu.wait_indirect_dma semaphore(%arg13 : memref<!tpu.dma_semaphore, #tpu.memory_space<semaphore_mem>>) src(%dma_wait3A_299 : memref<10000x128xf32, #tpu.memory_space<hbm>>) dst(%dma_wait3A_293 : memref<32x128xf32, #tpu.memory_space<vmem>>)
      %run_scoped3A_300 = arith.constant 39 : i32
      "tpu.region"() ({
        %run_scoped3A_304 = tpu.sem_alloc : memref<!tpu.dma_semaphore, #tpu.memory_space<semaphore_mem>>
        %dma_start3A_305 = arith.constant 0 : i32
        %dma_start3A_306 = tpu.memref_slice %arg8[%run_scoped3A_300, %dma_start3A_305] : memref<40x128xi32, #tpu.memory_space<vmem>> -> memref<1x128xi32, #tpu.memory_space<vmem>>
        %dma_start3A_307 = tpu.memref_squeeze %dma_start3A_306 : memref<1x128xi32, #tpu.memory_space<vmem>> -> memref<128xi32, #tpu.memory_space<vmem>>
        %dma_start3A_308 = arith.constant 0 : i32
        %dma_start3A_309 = arith.constant 0 : i32
        %dma_start3A_310 = tpu.memref_slice %arg11[%dma_start3A_308, %dma_start3A_309] : memref<10112x128xf32, #tpu.memory_space<vmem_shared>> -> memref<10112x128xf32, #tpu.memory_space<vmem_shared>>
        tpu.enqueue_indirect_dma source(%arg10 : memref<128x128xf32, #tpu.memory_space<vmem>>) target(%dma_start3A_310 : memref<10112x128xf32, #tpu.memory_space<vmem_shared>>) offsets(%dma_start3A_307 : memref<128xi32, #tpu.memory_space<vmem>>) semaphore(%run_scoped3A_304 : memref<!tpu.dma_semaphore, #tpu.memory_space<semaphore_mem>>) {add = true}
        %dma_wait3A_311 = arith.constant 0 : i32
        %dma_wait3A_312 = tpu.memref_slice %arg8[%run_scoped3A_300, %dma_wait3A_311] : memref<40x128xi32, #tpu.memory_space<vmem>> -> memref<1x128xi32, #tpu.memory_space<vmem>>
        %dma_wait3A_313 = tpu.memref_squeeze %dma_wait3A_312 : memref<1x128xi32, #tpu.memory_space<vmem>> -> memref<128xi32, #tpu.memory_space<vmem>>
        %dma_wait3A_314 = arith.constant 0 : i32
        %dma_wait3A_315 = arith.constant 0 : i32
        %dma_wait3A_316 = tpu.memref_slice %arg11[%dma_wait3A_314, %dma_wait3A_315] : memref<10112x128xf32, #tpu.memory_space<vmem_shared>> -> memref<10112x128xf32, #tpu.memory_space<vmem_shared>>
        tpu.wait_indirect_dma semaphore(%run_scoped3A_304 : memref<!tpu.dma_semaphore, #tpu.memory_space<semaphore_mem>>) src(%arg10 : memref<128x128xf32, #tpu.memory_space<vmem>>) dst(%dma_wait3A_316 : memref<10112x128xf32, #tpu.memory_space<vmem_shared>>)
        tpu.yield
      }) : () -> ()
      %run_scoped3A_301 = arith.constant 38 : i32
      "tpu.region"() ({
        %run_scoped3A_304 = tpu.sem_alloc : memref<!tpu.dma_semaphore, #tpu.memory_space<semaphore_mem>>
        %dma_start3A_305 = arith.constant 0 : i32
        %dma_start3A_306 = tpu.memref_slice %arg8[%run_scoped3A_301, %dma_start3A_305] : memref<40x128xi32, #tpu.memory_space<vmem>> -> memref<1x128xi32, #tpu.memory_space<vmem>>
        %dma_start3A_307 = tpu.memref_squeeze %dma_start3A_306 : memref<1x128xi32, #tpu.memory_space<vmem>> -> memref<128xi32, #tpu.memory_space<vmem>>
        %dma_start3A_308 = arith.constant 0 : i32
        %dma_start3A_309 = tpu.memref_slice %arg17[%dma_start3A_308] : memref<10112xf32, #tpu.memory_space<vmem_shared>> -> memref<10112xf32, #tpu.memory_space<vmem_shared>>
        tpu.enqueue_indirect_dma source(%arg16 : memref<128xf32, #tpu.memory_space<vmem>>) target(%dma_start3A_309 : memref<10112xf32, #tpu.memory_space<vmem_shared>>) offsets(%dma_start3A_307 : memref<128xi32, #tpu.memory_space<vmem>>) semaphore(%run_scoped3A_304 : memref<!tpu.dma_semaphore, #tpu.memory_space<semaphore_mem>>) {add = true}
        %dma_wait3A_310 = arith.constant 0 : i32
        %dma_wait3A_311 = tpu.memref_slice %arg8[%run_scoped3A_301, %dma_wait3A_310] : memref<40x128xi32, #tpu.memory_space<vmem>> -> memref<1x128xi32, #tpu.memory_space<vmem>>
        %dma_wait3A_312 = tpu.memref_squeeze %dma_wait3A_311 : memref<1x128xi32, #tpu.memory_space<vmem>> -> memref<128xi32, #tpu.memory_space<vmem>>
        %dma_wait3A_313 = arith.constant 0 : i32
        %dma_wait3A_314 = tpu.memref_slice %arg17[%dma_wait3A_313] : memref<10112xf32, #tpu.memory_space<vmem_shared>> -> memref<10112xf32, #tpu.memory_space<vmem_shared>>
        tpu.wait_indirect_dma semaphore(%run_scoped3A_304 : memref<!tpu.dma_semaphore, #tpu.memory_space<semaphore_mem>>) src(%arg16 : memref<128xf32, #tpu.memory_space<vmem>>) dst(%dma_wait3A_314 : memref<10112xf32, #tpu.memory_space<vmem_shared>>)
        tpu.yield
      }) : () -> ()
      %run_scoped3A_302 = arith.constant 39 : i32
      "tpu.region"() ({
        %run_scoped3A_304 = tpu.sem_alloc : memref<!tpu.dma_semaphore, #tpu.memory_space<semaphore_mem>>
        %dma_start3A_305 = arith.constant 0 : i32
        %dma_start3A_306 = tpu.memref_slice %arg8[%run_scoped3A_302, %dma_start3A_305] : memref<40x128xi32, #tpu.memory_space<vmem>> -> memref<1x128xi32, #tpu.memory_space<vmem>>
        %dma_start3A_307 = tpu.memref_squeeze %dma_start3A_306 : memref<1x128xi32, #tpu.memory_space<vmem>> -> memref<128xi32, #tpu.memory_space<vmem>>
        %dma_start3A_308 = arith.constant 0 : i32
        %dma_start3A_309 = tpu.memref_slice %arg17[%dma_start3A_308] : memref<10112xf32, #tpu.memory_space<vmem_shared>> -> memref<10112xf32, #tpu.memory_space<vmem_shared>>
        tpu.enqueue_indirect_dma source(%arg16 : memref<128xf32, #tpu.memory_space<vmem>>) target(%dma_start3A_309 : memref<10112xf32, #tpu.memory_space<vmem_shared>>) offsets(%dma_start3A_307 : memref<128xi32, #tpu.memory_space<vmem>>) semaphore(%run_scoped3A_304 : memref<!tpu.dma_semaphore, #tpu.memory_space<semaphore_mem>>) {add = true}
        %dma_wait3A_310 = arith.constant 0 : i32
        %dma_wait3A_311 = tpu.memref_slice %arg8[%run_scoped3A_302, %dma_wait3A_310] : memref<40x128xi32, #tpu.memory_space<vmem>> -> memref<1x128xi32, #tpu.memory_space<vmem>>
        %dma_wait3A_312 = tpu.memref_squeeze %dma_wait3A_311 : memref<1x128xi32, #tpu.memory_space<vmem>> -> memref<128xi32, #tpu.memory_space<vmem>>
        %dma_wait3A_313 = arith.constant 0 : i32
        %dma_wait3A_314 = tpu.memref_slice %arg17[%dma_wait3A_313] : memref<10112xf32, #tpu.memory_space<vmem_shared>> -> memref<10112xf32, #tpu.memory_space<vmem_shared>>
        tpu.wait_indirect_dma semaphore(%run_scoped3A_304 : memref<!tpu.dma_semaphore, #tpu.memory_space<semaphore_mem>>) src(%arg16 : memref<128xf32, #tpu.memory_space<vmem>>) dst(%dma_wait3A_314 : memref<10112xf32, #tpu.memory_space<vmem_shared>>)
        tpu.yield
      }) : () -> ()
      %scan3A_303 = arith.constant 0 : i32
      scf.yield %scan3A_303 : i32
    }
    %scan3A_121 = arith.constant 2 : i32
    %barrier3A_122 = arith.constant 0 : index
    tpu.barrier barrier_id(%barrier3A_122)
    %mul3A_123 = arith.constant 632 : i32
    %mul3A_124 = arith.muli %arg1, %mul3A_123 : i32
    %mul3A_125 = arith.constant 632 : i32
    %mul3A_126 = arith.muli %arg1, %mul3A_125 : i32
    "tpu.region"() ({
      %run_scoped3A = tpu.sem_alloc : memref<!tpu.dma_semaphore, #tpu.memory_space<semaphore_mem>>
      %dma_start3A = arith.constant 0 : i32
      %dma_start3A_129 = tpu.memref_slice %arg5[%arg0, %mul3A_126, %dma_start3A] : memref<2x10112x128xf32, #tpu.memory_space<hbm>> -> memref<1x632x128xf32, #tpu.memory_space<hbm>>
      %dma_start3A_130 = tpu.memref_squeeze %dma_start3A_129 : memref<1x632x128xf32, #tpu.memory_space<hbm>> -> memref<632x128xf32, #tpu.memory_space<hbm>>
      %dma_start3A_131 = arith.constant 0 : i32
      %dma_start3A_132 = tpu.memref_slice %arg11[%mul3A_124, %dma_start3A_131] : memref<10112x128xf32, #tpu.memory_space<vmem_shared>> -> memref<632x128xf32, #tpu.memory_space<vmem_shared>>
      tpu.enqueue_dma source(%dma_start3A_132 : memref<632x128xf32, #tpu.memory_space<vmem_shared>>) target(%dma_start3A_130 : memref<632x128xf32, #tpu.memory_space<hbm>>) target_semaphore(%run_scoped3A : memref<!tpu.dma_semaphore, #tpu.memory_space<semaphore_mem>>)
      %dma_wait3A = arith.constant 0 : i32
      %dma_wait3A_133 = tpu.memref_slice %arg5[%arg0, %mul3A_126, %dma_wait3A] : memref<2x10112x128xf32, #tpu.memory_space<hbm>> -> memref<1x632x128xf32, #tpu.memory_space<hbm>>
      %dma_wait3A_134 = tpu.memref_squeeze %dma_wait3A_133 : memref<1x632x128xf32, #tpu.memory_space<hbm>> -> memref<632x128xf32, #tpu.memory_space<hbm>>
      %dma_wait3A_135 = arith.constant 0 : i32
      %dma_wait3A_136 = tpu.memref_slice %arg11[%mul3A_124, %dma_wait3A_135] : memref<10112x128xf32, #tpu.memory_space<vmem_shared>> -> memref<632x128xf32, #tpu.memory_space<vmem_shared>>
      tpu.wait_dma2 semaphore(%run_scoped3A : memref<!tpu.dma_semaphore, #tpu.memory_space<semaphore_mem>>) src(%dma_wait3A_136 : memref<632x128xf32, #tpu.memory_space<vmem_shared>>) dst(%dma_wait3A_134 : memref<632x128xf32, #tpu.memory_space<hbm>>)
      tpu.yield
    }) : () -> ()
    %eq3A = arith.constant 0 : i32
    %eq3A_127 = arith.cmpi eq, %arg1, %eq3A : i32
    %convert_element_type3A = arith.extui %eq3A_127 : i1 to i32
    %cond3A = arith.constant 0 : i32
    %cond3A_128 = arith.cmpi ne, %convert_element_type3A, %cond3A : i32
    scf.if %cond3A_128 {
      "tpu.region"() ({
        %run_scoped3A = tpu.sem_alloc : memref<!tpu.dma_semaphore, #tpu.memory_space<semaphore_mem>>
        %dma_start3A = arith.constant 0 : i32
        %dma_start3A_129 = tpu.memref_slice %arg6[%arg0, %dma_start3A] : memref<2x10112xf32, #tpu.memory_space<hbm>> -> memref<1x10112xf32, #tpu.memory_space<hbm>>
        %dma_start3A_130 = tpu.memref_squeeze %dma_start3A_129 : memref<1x10112xf32, #tpu.memory_space<hbm>> -> memref<10112xf32, #tpu.memory_space<hbm>>
        tpu.enqueue_dma source(%arg17 : memref<10112xf32, #tpu.memory_space<vmem_shared>>) target(%dma_start3A_130 : memref<10112xf32, #tpu.memory_space<hbm>>) target_semaphore(%run_scoped3A : memref<!tpu.dma_semaphore, #tpu.memory_space<semaphore_mem>>)
        %dma_wait3A = arith.constant 0 : i32
        %dma_wait3A_131 = tpu.memref_slice %arg6[%arg0, %dma_wait3A] : memref<2x10112xf32, #tpu.memory_space<hbm>> -> memref<1x10112xf32, #tpu.memory_space<hbm>>
        %dma_wait3A_132 = tpu.memref_squeeze %dma_wait3A_131 : memref<1x10112xf32, #tpu.memory_space<hbm>> -> memref<10112xf32, #tpu.memory_space<hbm>>
        tpu.wait_dma2 semaphore(%run_scoped3A : memref<!tpu.dma_semaphore, #tpu.memory_space<semaphore_mem>>) src(%arg17 : memref<10112xf32, #tpu.memory_space<vmem_shared>>) dst(%dma_wait3A_132 : memref<10112xf32, #tpu.memory_space<hbm>>)
        tpu.yield
      }) : () -> ()
    } else {
    }
    return
  }
}

#map = affine_map<(d0, d1) -> (0, 0)>
#map1 = affine_map<(d0, d1) -> (0, 0, 0)>
module attributes {stable_mosaic.version = 14 : i64} {
  func.func @body(%arg0: i32, %arg1: i32, %arg2: memref<10000x128xf32, #tpu.memory_space<hbm>>, %arg3: memref<32x80x128xi32, #tpu.memory_space<hbm>>, %arg4: memref<32x80x128xi32, #tpu.memory_space<hbm>>, %arg5: memref<2x10112x128xf32, #tpu.memory_space<hbm>>, %arg6: memref<40x128xi32, #tpu.memory_space<vmem>>, %arg7: memref<40x128xi32, #tpu.memory_space<vmem>>, %arg8: memref<128x128xf32, #tpu.memory_space<vmem>>, %arg9: memref<128x128xf32, #tpu.memory_space<vmem>>, %arg10: memref<10112x128xf32, #tpu.memory_space<vmem_shared>>, %arg11: memref<!tpu.dma_semaphore, #tpu.memory_space<semaphore_mem>>, %arg12: memref<!tpu.dma_semaphore, #tpu.memory_space<semaphore_mem>>, %arg13: memref<!tpu.dma_semaphore, #tpu.memory_space<semaphore_mem>>, %arg14: memref<!tpu.dma_semaphore, #tpu.memory_space<semaphore_mem>>) attributes {dimension_semantics = [#tpu.dimension_semantics<core_parallel>, #tpu.dimension_semantics<subcore_parallel>], iteration_bounds = array<i64: 2, 16>, scalar_prefetch = 0 : i64, scratch_operands = 9 : i64, tpu.core_type = #tpu.core_type<sc_vector_subcore>, window_params = [{transform_indices = #map}, {transform_indices = #map1}, {transform_indices = #map1}, {transform_indices = #map1}]} {
    %mul3A = arith.constant 16 : i32
    %mul3A_0 = arith.muli %arg0, %mul3A : i32
    %add3A = arith.addi %mul3A_0, %arg1 : i32
    %broadcast_in_dim3A = arith.constant 0.000000e+00 : f32
    %broadcast_in_dim3A_1 = vector.broadcast %broadcast_in_dim3A : f32 to vector<16xf32>
    %scan3A = arith.constant 0 : i32
    %scan3A_2 = arith.constant 0 : i32
    %scan3A_3 = arith.constant 128 : i32
    %scan3A_4 = arith.addi %scan3A_2, %scan3A_3 : i32
    %scan3A_5 = arith.constant 1 : i32
    %scan3A_6 = scf.for %scan3A_40 = %scan3A_2 to %scan3A_4 step %scan3A_5 iter_args(%scan3A_41 = %scan3A) -> (i32)  : i32 {
      %swap3A = arith.index_cast %scan3A_40 : i32 to index
      %swap3A_42 = arith.constant 0 : index
      %swap3A_43 = tpu.vector_load %arg8[%swap3A, %swap3A_42] {strides = array<i32>} : memref<128x128xf32, #tpu.memory_space<vmem>>, vector<1x16xf32>,
      %swap3A_44 = vector.shape_cast %swap3A_43 : vector<1x16xf32> to vector<16xf32>
      %swap3A_45 = vector.shape_cast %broadcast_in_dim3A_1 : vector<16xf32> to vector<1x16xf32>
      tpu.vector_store %arg8[%swap3A, %swap3A_42], %swap3A_45 {strides = array<i32>} : memref<128x128xf32, #tpu.memory_space<vmem>>, vector<1x16xf32>,
      %swap3A_46 = arith.index_cast %scan3A_40 : i32 to index
      %swap3A_47 = arith.constant 16 : index
      %swap3A_48 = tpu.vector_load %arg8[%swap3A_46, %swap3A_47] {strides = array<i32>} : memref<128x128xf32, #tpu.memory_space<vmem>>, vector<1x16xf32>,
      %swap3A_49 = vector.shape_cast %swap3A_48 : vector<1x16xf32> to vector<16xf32>
      %swap3A_50 = vector.shape_cast %broadcast_in_dim3A_1 : vector<16xf32> to vector<1x16xf32>
      tpu.vector_store %arg8[%swap3A_46, %swap3A_47], %swap3A_50 {strides = array<i32>} : memref<128x128xf32, #tpu.memory_space<vmem>>, vector<1x16xf32>,
      %swap3A_51 = arith.index_cast %scan3A_40 : i32 to index
      %swap3A_52 = arith.constant 32 : index
      %swap3A_53 = tpu.vector_load %arg8[%swap3A_51, %swap3A_52] {strides = array<i32>} : memref<128x128xf32, #tpu.memory_space<vmem>>, vector<1x16xf32>,
      %swap3A_54 = vector.shape_cast %swap3A_53 : vector<1x16xf32> to vector<16xf32>
      %swap3A_55 = vector.shape_cast %broadcast_in_dim3A_1 : vector<16xf32> to vector<1x16xf32>
      tpu.vector_store %arg8[%swap3A_51, %swap3A_52], %swap3A_55 {strides = array<i32>} : memref<128x128xf32, #tpu.memory_space<vmem>>, vector<1x16xf32>,
      %swap3A_56 = arith.index_cast %scan3A_40 : i32 to index
      %swap3A_57 = arith.constant 48 : index
      %swap3A_58 = tpu.vector_load %arg8[%swap3A_56, %swap3A_57] {strides = array<i32>} : memref<128x128xf32, #tpu.memory_space<vmem>>, vector<1x16xf32>,
      %swap3A_59 = vector.shape_cast %swap3A_58 : vector<1x16xf32> to vector<16xf32>
      %swap3A_60 = vector.shape_cast %broadcast_in_dim3A_1 : vector<16xf32> to vector<1x16xf32>
      tpu.vector_store %arg8[%swap3A_56, %swap3A_57], %swap3A_60 {strides = array<i32>} : memref<128x128xf32, #tpu.memory_space<vmem>>, vector<1x16xf32>,
      %swap3A_61 = arith.index_cast %scan3A_40 : i32 to index
      %swap3A_62 = arith.constant 64 : index
      %swap3A_63 = tpu.vector_load %arg8[%swap3A_61, %swap3A_62] {strides = array<i32>} : memref<128x128xf32, #tpu.memory_space<vmem>>, vector<1x16xf32>,
      %swap3A_64 = vector.shape_cast %swap3A_63 : vector<1x16xf32> to vector<16xf32>
      %swap3A_65 = vector.shape_cast %broadcast_in_dim3A_1 : vector<16xf32> to vector<1x16xf32>
      tpu.vector_store %arg8[%swap3A_61, %swap3A_62], %swap3A_65 {strides = array<i32>} : memref<128x128xf32, #tpu.memory_space<vmem>>, vector<1x16xf32>,
      %swap3A_66 = arith.index_cast %scan3A_40 : i32 to index
      %swap3A_67 = arith.constant 80 : index
      %swap3A_68 = tpu.vector_load %arg8[%swap3A_66, %swap3A_67] {strides = array<i32>} : memref<128x128xf32, #tpu.memory_space<vmem>>, vector<1x16xf32>,
      %swap3A_69 = vector.shape_cast %swap3A_68 : vector<1x16xf32> to vector<16xf32>
      %swap3A_70 = vector.shape_cast %broadcast_in_dim3A_1 : vector<16xf32> to vector<1x16xf32>
      tpu.vector_store %arg8[%swap3A_66, %swap3A_67], %swap3A_70 {strides = array<i32>} : memref<128x128xf32, #tpu.memory_space<vmem>>, vector<1x16xf32>,
      %swap3A_71 = arith.index_cast %scan3A_40 : i32 to index
      %swap3A_72 = arith.constant 96 : index
      %swap3A_73 = tpu.vector_load %arg8[%swap3A_71, %swap3A_72] {strides = array<i32>} : memref<128x128xf32, #tpu.memory_space<vmem>>, vector<1x16xf32>,
      %swap3A_74 = vector.shape_cast %swap3A_73 : vector<1x16xf32> to vector<16xf32>
      %swap3A_75 = vector.shape_cast %broadcast_in_dim3A_1 : vector<16xf32> to vector<1x16xf32>
      tpu.vector_store %arg8[%swap3A_71, %swap3A_72], %swap3A_75 {strides = array<i32>} : memref<128x128xf32, #tpu.memory_space<vmem>>, vector<1x16xf32>,
      %swap3A_76 = arith.index_cast %scan3A_40 : i32 to index
      %swap3A_77 = arith.constant 112 : index
      %swap3A_78 = tpu.vector_load %arg8[%swap3A_76, %swap3A_77] {strides = array<i32>} : memref<128x128xf32, #tpu.memory_space<vmem>>, vector<1x16xf32>,
      %swap3A_79 = vector.shape_cast %swap3A_78 : vector<1x16xf32> to vector<16xf32>
      %swap3A_80 = vector.shape_cast %broadcast_in_dim3A_1 : vector<16xf32> to vector<1x16xf32>
      tpu.vector_store %arg8[%swap3A_76, %swap3A_77], %swap3A_80 {strides = array<i32>} : memref<128x128xf32, #tpu.memory_space<vmem>>, vector<1x16xf32>,
      %scan3A_81 = arith.constant 0 : i32
      scf.yield %scan3A_81 : i32
    }
    %scan3A_7 = arith.constant 128 : i32
    %mul3A_8 = arith.constant 632 : i32
    %mul3A_9 = arith.muli %arg1, %mul3A_8 : i32
    %add3A_10 = arith.constant 0 : i32
    %add3A_11 = arith.addi %mul3A_9, %add3A_10 : i32
    "tpu.region"() ({
      %run_scoped3A = tpu.sem_alloc : memref<!tpu.dma_semaphore, #tpu.memory_space<semaphore_mem>>
      %dma_start3A = arith.constant 0 : i32
      %dma_start3A_40 = arith.constant 0 : i32
      %dma_start3A_41 = tpu.memref_slice %arg8[%dma_start3A, %dma_start3A_40] : memref<128x128xf32, #tpu.memory_space<vmem>> -> memref<128x128xf32, #tpu.memory_space<vmem>>
      %dma_start3A_42 = arith.constant 0 : i32
      %dma_start3A_43 = tpu.memref_slice %arg10[%add3A_11, %dma_start3A_42] : memref<10112x128xf32, #tpu.memory_space<vmem_shared>> -> memref<128x128xf32, #tpu.memory_space<vmem_shared>>
      %dma_start3A_44 = arith.constant 0 : i32
      %dma_start3A_45 = tpu.memref_slice %arg10[%add3A_11, %dma_start3A_44] : memref<10112x128xf32, #tpu.memory_space<vmem_shared>> -> memref<128x128xf32, #tpu.memory_space<vmem_shared>>
      %dma_start3A_46 = arith.constant 0 : i32
      %dma_start3A_47 = arith.constant 0 : i32
      %dma_start3A_48 = tpu.memref_slice %arg8[%dma_start3A_46, %dma_start3A_47] : memref<128x128xf32, #tpu.memory_space<vmem>> -> memref<128x128xf32, #tpu.memory_space<vmem>>
      tpu.enqueue_dma source(%dma_start3A_48 : memref<128x128xf32, #tpu.memory_space<vmem>>) target(%dma_start3A_45 : memref<128x128xf32, #tpu.memory_space<vmem_shared>>) target_semaphore(%run_scoped3A : memref<!tpu.dma_semaphore, #tpu.memory_space<semaphore_mem>>)
      %dma_wait3A = arith.constant 0 : i32
      %dma_wait3A_49 = arith.constant 0 : i32
      %dma_wait3A_50 = tpu.memref_slice %arg8[%dma_wait3A, %dma_wait3A_49] : memref<128x128xf32, #tpu.memory_space<vmem>> -> memref<128x128xf32, #tpu.memory_space<vmem>>
      %dma_wait3A_51 = arith.constant 0 : i32
      %dma_wait3A_52 = tpu.memref_slice %arg10[%add3A_11, %dma_wait3A_51] : memref<10112x128xf32, #tpu.memory_space<vmem_shared>> -> memref<128x128xf32, #tpu.memory_space<vmem_shared>>
      %dma_wait3A_53 = arith.constant 0 : i32
      %dma_wait3A_54 = tpu.memref_slice %arg10[%add3A_11, %dma_wait3A_53] : memref<10112x128xf32, #tpu.memory_space<vmem_shared>> -> memref<128x128xf32, #tpu.memory_space<vmem_shared>>
      %dma_wait3A_55 = arith.constant 0 : i32
      %dma_wait3A_56 = arith.constant 0 : i32
      %dma_wait3A_57 = tpu.memref_slice %arg8[%dma_wait3A_55, %dma_wait3A_56] : memref<128x128xf32, #tpu.memory_space<vmem>> -> memref<128x128xf32, #tpu.memory_space<vmem>>
      tpu.wait_dma2 semaphore(%run_scoped3A : memref<!tpu.dma_semaphore, #tpu.memory_space<semaphore_mem>>) src(%dma_wait3A_57 : memref<128x128xf32, #tpu.memory_space<vmem>>) dst(%dma_wait3A_54 : memref<128x128xf32, #tpu.memory_space<vmem_shared>>)
      tpu.yield
    }) : () -> ()
    %mul3A_12 = arith.constant 632 : i32
    %mul3A_13 = arith.muli %arg1, %mul3A_12 : i32
    %add3A_14 = arith.constant 128 : i32
    %add3A_15 = arith.addi %mul3A_13, %add3A_14 : i32
    "tpu.region"() ({
      %run_scoped3A = tpu.sem_alloc : memref<!tpu.dma_semaphore, #tpu.memory_space<semaphore_mem>>
      %dma_start3A = arith.constant 0 : i32
      %dma_start3A_40 = arith.constant 0 : i32
      %dma_start3A_41 = tpu.memref_slice %arg8[%dma_start3A, %dma_start3A_40] : memref<128x128xf32, #tpu.memory_space<vmem>> -> memref<128x128xf32, #tpu.memory_space<vmem>>
      %dma_start3A_42 = arith.constant 0 : i32
      %dma_start3A_43 = tpu.memref_slice %arg10[%add3A_15, %dma_start3A_42] : memref<10112x128xf32, #tpu.memory_space<vmem_shared>> -> memref<128x128xf32, #tpu.memory_space<vmem_shared>>
      %dma_start3A_44 = arith.constant 0 : i32
      %dma_start3A_45 = tpu.memref_slice %arg10[%add3A_15, %dma_start3A_44] : memref<10112x128xf32, #tpu.memory_space<vmem_shared>> -> memref<128x128xf32, #tpu.memory_space<vmem_shared>>
      %dma_start3A_46 = arith.constant 0 : i32
      %dma_start3A_47 = arith.constant 0 : i32
      %dma_start3A_48 = tpu.memref_slice %arg8[%dma_start3A_46, %dma_start3A_47] : memref<128x128xf32, #tpu.memory_space<vmem>> -> memref<128x128xf32, #tpu.memory_space<vmem>>
      tpu.enqueue_dma source(%dma_start3A_48 : memref<128x128xf32, #tpu.memory_space<vmem>>) target(%dma_start3A_45 : memref<128x128xf32, #tpu.memory_space<vmem_shared>>) target_semaphore(%run_scoped3A : memref<!tpu.dma_semaphore, #tpu.memory_space<semaphore_mem>>)
      %dma_wait3A = arith.constant 0 : i32
      %dma_wait3A_49 = arith.constant 0 : i32
      %dma_wait3A_50 = tpu.memref_slice %arg8[%dma_wait3A, %dma_wait3A_49] : memref<128x128xf32, #tpu.memory_space<vmem>> -> memref<128x128xf32, #tpu.memory_space<vmem>>
      %dma_wait3A_51 = arith.constant 0 : i32
      %dma_wait3A_52 = tpu.memref_slice %arg10[%add3A_15, %dma_wait3A_51] : memref<10112x128xf32, #tpu.memory_space<vmem_shared>> -> memref<128x128xf32, #tpu.memory_space<vmem_shared>>
      %dma_wait3A_53 = arith.constant 0 : i32
      %dma_wait3A_54 = tpu.memref_slice %arg10[%add3A_15, %dma_wait3A_53] : memref<10112x128xf32, #tpu.memory_space<vmem_shared>> -> memref<128x128xf32, #tpu.memory_space<vmem_shared>>
      %dma_wait3A_55 = arith.constant 0 : i32
      %dma_wait3A_56 = arith.constant 0 : i32
      %dma_wait3A_57 = tpu.memref_slice %arg8[%dma_wait3A_55, %dma_wait3A_56] : memref<128x128xf32, #tpu.memory_space<vmem>> -> memref<128x128xf32, #tpu.memory_space<vmem>>
      tpu.wait_dma2 semaphore(%run_scoped3A : memref<!tpu.dma_semaphore, #tpu.memory_space<semaphore_mem>>) src(%dma_wait3A_57 : memref<128x128xf32, #tpu.memory_space<vmem>>) dst(%dma_wait3A_54 : memref<128x128xf32, #tpu.memory_space<vmem_shared>>)
      tpu.yield
    }) : () -> ()
    %mul3A_16 = arith.constant 632 : i32
    %mul3A_17 = arith.muli %arg1, %mul3A_16 : i32
    %add3A_18 = arith.constant 256 : i32
    %add3A_19 = arith.addi %mul3A_17, %add3A_18 : i32
    "tpu.region"() ({
      %run_scoped3A = tpu.sem_alloc : memref<!tpu.dma_semaphore, #tpu.memory_space<semaphore_mem>>
      %dma_start3A = arith.constant 0 : i32
      %dma_start3A_40 = arith.constant 0 : i32
      %dma_start3A_41 = tpu.memref_slice %arg8[%dma_start3A, %dma_start3A_40] : memref<128x128xf32, #tpu.memory_space<vmem>> -> memref<128x128xf32, #tpu.memory_space<vmem>>
      %dma_start3A_42 = arith.constant 0 : i32
      %dma_start3A_43 = tpu.memref_slice %arg10[%add3A_19, %dma_start3A_42] : memref<10112x128xf32, #tpu.memory_space<vmem_shared>> -> memref<128x128xf32, #tpu.memory_space<vmem_shared>>
      %dma_start3A_44 = arith.constant 0 : i32
      %dma_start3A_45 = tpu.memref_slice %arg10[%add3A_19, %dma_start3A_44] : memref<10112x128xf32, #tpu.memory_space<vmem_shared>> -> memref<128x128xf32, #tpu.memory_space<vmem_shared>>
      %dma_start3A_46 = arith.constant 0 : i32
      %dma_start3A_47 = arith.constant 0 : i32
      %dma_start3A_48 = tpu.memref_slice %arg8[%dma_start3A_46, %dma_start3A_47] : memref<128x128xf32, #tpu.memory_space<vmem>> -> memref<128x128xf32, #tpu.memory_space<vmem>>
      tpu.enqueue_dma source(%dma_start3A_48 : memref<128x128xf32, #tpu.memory_space<vmem>>) target(%dma_start3A_45 : memref<128x128xf32, #tpu.memory_space<vmem_shared>>) target_semaphore(%run_scoped3A : memref<!tpu.dma_semaphore, #tpu.memory_space<semaphore_mem>>)
      %dma_wait3A = arith.constant 0 : i32
      %dma_wait3A_49 = arith.constant 0 : i32
      %dma_wait3A_50 = tpu.memref_slice %arg8[%dma_wait3A, %dma_wait3A_49] : memref<128x128xf32, #tpu.memory_space<vmem>> -> memref<128x128xf32, #tpu.memory_space<vmem>>
      %dma_wait3A_51 = arith.constant 0 : i32
      %dma_wait3A_52 = tpu.memref_slice %arg10[%add3A_19, %dma_wait3A_51] : memref<10112x128xf32, #tpu.memory_space<vmem_shared>> -> memref<128x128xf32, #tpu.memory_space<vmem_shared>>
      %dma_wait3A_53 = arith.constant 0 : i32
      %dma_wait3A_54 = tpu.memref_slice %arg10[%add3A_19, %dma_wait3A_53] : memref<10112x128xf32, #tpu.memory_space<vmem_shared>> -> memref<128x128xf32, #tpu.memory_space<vmem_shared>>
      %dma_wait3A_55 = arith.constant 0 : i32
      %dma_wait3A_56 = arith.constant 0 : i32
      %dma_wait3A_57 = tpu.memref_slice %arg8[%dma_wait3A_55, %dma_wait3A_56] : memref<128x128xf32, #tpu.memory_space<vmem>> -> memref<128x128xf32, #tpu.memory_space<vmem>>
      tpu.wait_dma2 semaphore(%run_scoped3A : memref<!tpu.dma_semaphore, #tpu.memory_space<semaphore_mem>>) src(%dma_wait3A_57 : memref<128x128xf32, #tpu.memory_space<vmem>>) dst(%dma_wait3A_54 : memref<128x128xf32, #tpu.memory_space<vmem_shared>>)
      tpu.yield
    }) : () -> ()
    %mul3A_20 = arith.constant 632 : i32
    %mul3A_21 = arith.muli %arg1, %mul3A_20 : i32
    %add3A_22 = arith.constant 384 : i32
    %add3A_23 = arith.addi %mul3A_21, %add3A_22 : i32
    "tpu.region"() ({
      %run_scoped3A = tpu.sem_alloc : memref<!tpu.dma_semaphore, #tpu.memory_space<semaphore_mem>>
      %dma_start3A = arith.constant 0 : i32
      %dma_start3A_40 = arith.constant 0 : i32
      %dma_start3A_41 = tpu.memref_slice %arg8[%dma_start3A, %dma_start3A_40] : memref<128x128xf32, #tpu.memory_space<vmem>> -> memref<128x128xf32, #tpu.memory_space<vmem>>
      %dma_start3A_42 = arith.constant 0 : i32
      %dma_start3A_43 = tpu.memref_slice %arg10[%add3A_23, %dma_start3A_42] : memref<10112x128xf32, #tpu.memory_space<vmem_shared>> -> memref<128x128xf32, #tpu.memory_space<vmem_shared>>
      %dma_start3A_44 = arith.constant 0 : i32
      %dma_start3A_45 = tpu.memref_slice %arg10[%add3A_23, %dma_start3A_44] : memref<10112x128xf32, #tpu.memory_space<vmem_shared>> -> memref<128x128xf32, #tpu.memory_space<vmem_shared>>
      %dma_start3A_46 = arith.constant 0 : i32
      %dma_start3A_47 = arith.constant 0 : i32
      %dma_start3A_48 = tpu.memref_slice %arg8[%dma_start3A_46, %dma_start3A_47] : memref<128x128xf32, #tpu.memory_space<vmem>> -> memref<128x128xf32, #tpu.memory_space<vmem>>
      tpu.enqueue_dma source(%dma_start3A_48 : memref<128x128xf32, #tpu.memory_space<vmem>>) target(%dma_start3A_45 : memref<128x128xf32, #tpu.memory_space<vmem_shared>>) target_semaphore(%run_scoped3A : memref<!tpu.dma_semaphore, #tpu.memory_space<semaphore_mem>>)
      %dma_wait3A = arith.constant 0 : i32
      %dma_wait3A_49 = arith.constant 0 : i32
      %dma_wait3A_50 = tpu.memref_slice %arg8[%dma_wait3A, %dma_wait3A_49] : memref<128x128xf32, #tpu.memory_space<vmem>> -> memref<128x128xf32, #tpu.memory_space<vmem>>
      %dma_wait3A_51 = arith.constant 0 : i32
      %dma_wait3A_52 = tpu.memref_slice %arg10[%add3A_23, %dma_wait3A_51] : memref<10112x128xf32, #tpu.memory_space<vmem_shared>> -> memref<128x128xf32, #tpu.memory_space<vmem_shared>>
      %dma_wait3A_53 = arith.constant 0 : i32
      %dma_wait3A_54 = tpu.memref_slice %arg10[%add3A_23, %dma_wait3A_53] : memref<10112x128xf32, #tpu.memory_space<vmem_shared>> -> memref<128x128xf32, #tpu.memory_space<vmem_shared>>
      %dma_wait3A_55 = arith.constant 0 : i32
      %dma_wait3A_56 = arith.constant 0 : i32
      %dma_wait3A_57 = tpu.memref_slice %arg8[%dma_wait3A_55, %dma_wait3A_56] : memref<128x128xf32, #tpu.memory_space<vmem>> -> memref<128x128xf32, #tpu.memory_space<vmem>>
      tpu.wait_dma2 semaphore(%run_scoped3A : memref<!tpu.dma_semaphore, #tpu.memory_space<semaphore_mem>>) src(%dma_wait3A_57 : memref<128x128xf32, #tpu.memory_space<vmem>>) dst(%dma_wait3A_54 : memref<128x128xf32, #tpu.memory_space<vmem_shared>>)
      tpu.yield
    }) : () -> ()
    %mul3A_24 = arith.constant 632 : i32
    %mul3A_25 = arith.muli %arg1, %mul3A_24 : i32
    %add3A_26 = arith.constant 512 : i32
    %add3A_27 = arith.addi %mul3A_25, %add3A_26 : i32
    "tpu.region"() ({
      %run_scoped3A = tpu.sem_alloc : memref<!tpu.dma_semaphore, #tpu.memory_space<semaphore_mem>>
      %dma_start3A = arith.constant 0 : i32
      %dma_start3A_40 = arith.constant 0 : i32
      %dma_start3A_41 = tpu.memref_slice %arg8[%dma_start3A, %dma_start3A_40] : memref<128x128xf32, #tpu.memory_space<vmem>> -> memref<120x128xf32, #tpu.memory_space<vmem>>
      %dma_start3A_42 = arith.constant 0 : i32
      %dma_start3A_43 = tpu.memref_slice %arg10[%add3A_27, %dma_start3A_42] : memref<10112x128xf32, #tpu.memory_space<vmem_shared>> -> memref<120x128xf32, #tpu.memory_space<vmem_shared>>
      %dma_start3A_44 = arith.constant 0 : i32
      %dma_start3A_45 = tpu.memref_slice %arg10[%add3A_27, %dma_start3A_44] : memref<10112x128xf32, #tpu.memory_space<vmem_shared>> -> memref<120x128xf32, #tpu.memory_space<vmem_shared>>
      %dma_start3A_46 = arith.constant 0 : i32
      %dma_start3A_47 = arith.constant 0 : i32
      %dma_start3A_48 = tpu.memref_slice %arg8[%dma_start3A_46, %dma_start3A_47] : memref<128x128xf32, #tpu.memory_space<vmem>> -> memref<120x128xf32, #tpu.memory_space<vmem>>
      tpu.enqueue_dma source(%dma_start3A_48 : memref<120x128xf32, #tpu.memory_space<vmem>>) target(%dma_start3A_45 : memref<120x128xf32, #tpu.memory_space<vmem_shared>>) target_semaphore(%run_scoped3A : memref<!tpu.dma_semaphore, #tpu.memory_space<semaphore_mem>>)
      %dma_wait3A = arith.constant 0 : i32
      %dma_wait3A_49 = arith.constant 0 : i32
      %dma_wait3A_50 = tpu.memref_slice %arg8[%dma_wait3A, %dma_wait3A_49] : memref<128x128xf32, #tpu.memory_space<vmem>> -> memref<120x128xf32, #tpu.memory_space<vmem>>
      %dma_wait3A_51 = arith.constant 0 : i32
      %dma_wait3A_52 = tpu.memref_slice %arg10[%add3A_27, %dma_wait3A_51] : memref<10112x128xf32, #tpu.memory_space<vmem_shared>> -> memref<120x128xf32, #tpu.memory_space<vmem_shared>>
      %dma_wait3A_53 = arith.constant 0 : i32
      %dma_wait3A_54 = tpu.memref_slice %arg10[%add3A_27, %dma_wait3A_53] : memref<10112x128xf32, #tpu.memory_space<vmem_shared>> -> memref<120x128xf32, #tpu.memory_space<vmem_shared>>
      %dma_wait3A_55 = arith.constant 0 : i32
      %dma_wait3A_56 = arith.constant 0 : i32
      %dma_wait3A_57 = tpu.memref_slice %arg8[%dma_wait3A_55, %dma_wait3A_56] : memref<128x128xf32, #tpu.memory_space<vmem>> -> memref<120x128xf32, #tpu.memory_space<vmem>>
      tpu.wait_dma2 semaphore(%run_scoped3A : memref<!tpu.dma_semaphore, #tpu.memory_space<semaphore_mem>>) src(%dma_wait3A_57 : memref<120x128xf32, #tpu.memory_space<vmem>>) dst(%dma_wait3A_54 : memref<120x128xf32, #tpu.memory_space<vmem_shared>>)
      tpu.yield
    }) : () -> ()
    %barrier3A = arith.constant 0 : index
    tpu.barrier barrier_id(%barrier3A)
    %scan3A_28 = arith.constant 0 : i32
    %scan3A_29 = arith.constant 0 : i32
    %scan3A_30 = arith.constant 2 : i32
    %scan3A_31 = arith.addi %scan3A_29, %scan3A_30 : i32
    %scan3A_32 = arith.constant 1 : i32
    %scan3A_33 = scf.for %scan3A_40 = %scan3A_29 to %scan3A_31 step %scan3A_32 iter_args(%scan3A_41 = %scan3A_28) -> (i32)  : i32 {
      %mul3A_42 = arith.constant 40 : i32
      %mul3A_43 = arith.muli %scan3A_40, %mul3A_42 : i32
      "tpu.region"() ({
        %run_scoped3A_213 = tpu.sem_alloc : memref<!tpu.dma_semaphore, #tpu.memory_space<semaphore_mem>>
        %dma_start3A_214 = arith.constant 0 : i32
        %dma_start3A_215 = tpu.memref_slice %arg3[%add3A, %mul3A_43, %dma_start3A_214] : memref<32x80x128xi32, #tpu.memory_space<hbm>> -> memref<1x40x128xi32, #tpu.memory_space<hbm>>
        %dma_start3A_216 = tpu.memref_squeeze %dma_start3A_215 : memref<1x40x128xi32, #tpu.memory_space<hbm>> -> memref<40x128xi32, #tpu.memory_space<hbm>>
        %dma_start3A_217 = arith.constant 0 : i32
        %dma_start3A_218 = tpu.memref_slice %arg3[%add3A, %mul3A_43, %dma_start3A_217] : memref<32x80x128xi32, #tpu.memory_space<hbm>> -> memref<1x40x128xi32, #tpu.memory_space<hbm>>
        %dma_start3A_219 = tpu.memref_squeeze %dma_start3A_218 : memref<1x40x128xi32, #tpu.memory_space<hbm>> -> memref<40x128xi32, #tpu.memory_space<hbm>>
        tpu.enqueue_dma source(%dma_start3A_219 : memref<40x128xi32, #tpu.memory_space<hbm>>) target(%arg6 : memref<40x128xi32, #tpu.memory_space<vmem>>) target_semaphore(%run_scoped3A_213 : memref<!tpu.dma_semaphore, #tpu.memory_space<semaphore_mem>>)
        %dma_wait3A_220 = arith.constant 0 : i32
        %dma_wait3A_221 = tpu.memref_slice %arg3[%add3A, %mul3A_43, %dma_wait3A_220] : memref<32x80x128xi32, #tpu.memory_space<hbm>> -> memref<1x40x128xi32, #tpu.memory_space<hbm>>
        %dma_wait3A_222 = tpu.memref_squeeze %dma_wait3A_221 : memref<1x40x128xi32, #tpu.memory_space<hbm>> -> memref<40x128xi32, #tpu.memory_space<hbm>>
        %dma_wait3A_223 = arith.constant 0 : i32
        %dma_wait3A_224 = tpu.memref_slice %arg3[%add3A, %mul3A_43, %dma_wait3A_223] : memref<32x80x128xi32, #tpu.memory_space<hbm>> -> memref<1x40x128xi32, #tpu.memory_space<hbm>>
        %dma_wait3A_225 = tpu.memref_squeeze %dma_wait3A_224 : memref<1x40x128xi32, #tpu.memory_space<hbm>> -> memref<40x128xi32, #tpu.memory_space<hbm>>
        tpu.wait_dma2 semaphore(%run_scoped3A_213 : memref<!tpu.dma_semaphore, #tpu.memory_space<semaphore_mem>>) src(%dma_wait3A_225 : memref<40x128xi32, #tpu.memory_space<hbm>>) dst(%arg6 : memref<40x128xi32, #tpu.memory_space<vmem>>)
        tpu.yield
      }) : () -> ()
      %mul3A_44 = arith.constant 40 : i32
      %mul3A_45 = arith.muli %scan3A_40, %mul3A_44 : i32
      "tpu.region"() ({
        %run_scoped3A_213 = tpu.sem_alloc : memref<!tpu.dma_semaphore, #tpu.memory_space<semaphore_mem>>
        %dma_start3A_214 = arith.constant 0 : i32
        %dma_start3A_215 = tpu.memref_slice %arg4[%add3A, %mul3A_45, %dma_start3A_214] : memref<32x80x128xi32, #tpu.memory_space<hbm>> -> memref<1x40x128xi32, #tpu.memory_space<hbm>>
        %dma_start3A_216 = tpu.memref_squeeze %dma_start3A_215 : memref<1x40x128xi32, #tpu.memory_space<hbm>> -> memref<40x128xi32, #tpu.memory_space<hbm>>
        %dma_start3A_217 = arith.constant 0 : i32
        %dma_start3A_218 = tpu.memref_slice %arg4[%add3A, %mul3A_45, %dma_start3A_217] : memref<32x80x128xi32, #tpu.memory_space<hbm>> -> memref<1x40x128xi32, #tpu.memory_space<hbm>>
        %dma_start3A_219 = tpu.memref_squeeze %dma_start3A_218 : memref<1x40x128xi32, #tpu.memory_space<hbm>> -> memref<40x128xi32, #tpu.memory_space<hbm>>
        tpu.enqueue_dma source(%dma_start3A_219 : memref<40x128xi32, #tpu.memory_space<hbm>>) target(%arg7 : memref<40x128xi32, #tpu.memory_space<vmem>>) target_semaphore(%run_scoped3A_213 : memref<!tpu.dma_semaphore, #tpu.memory_space<semaphore_mem>>)
        %dma_wait3A_220 = arith.constant 0 : i32
        %dma_wait3A_221 = tpu.memref_slice %arg4[%add3A, %mul3A_45, %dma_wait3A_220] : memref<32x80x128xi32, #tpu.memory_space<hbm>> -> memref<1x40x128xi32, #tpu.memory_space<hbm>>
        %dma_wait3A_222 = tpu.memref_squeeze %dma_wait3A_221 : memref<1x40x128xi32, #tpu.memory_space<hbm>> -> memref<40x128xi32, #tpu.memory_space<hbm>>
        %dma_wait3A_223 = arith.constant 0 : i32
        %dma_wait3A_224 = tpu.memref_slice %arg4[%add3A, %mul3A_45, %dma_wait3A_223] : memref<32x80x128xi32, #tpu.memory_space<hbm>> -> memref<1x40x128xi32, #tpu.memory_space<hbm>>
        %dma_wait3A_225 = tpu.memref_squeeze %dma_wait3A_224 : memref<1x40x128xi32, #tpu.memory_space<hbm>> -> memref<40x128xi32, #tpu.memory_space<hbm>>
        tpu.wait_dma2 semaphore(%run_scoped3A_213 : memref<!tpu.dma_semaphore, #tpu.memory_space<semaphore_mem>>) src(%dma_wait3A_225 : memref<40x128xi32, #tpu.memory_space<hbm>>) dst(%arg7 : memref<40x128xi32, #tpu.memory_space<vmem>>)
        tpu.yield
      }) : () -> ()
      %dma_start3A = arith.constant 0 : i32
      %dma_start3A_46 = arith.constant 0 : i32
      %dma_start3A_47 = arith.constant 0 : i32
      %dma_start3A_48 = tpu.memref_slice %arg8[%dma_start3A_46, %dma_start3A_47] : memref<128x128xf32, #tpu.memory_space<vmem>> -> memref<32x128xf32, #tpu.memory_space<vmem>>
      %dma_start3A_49 = arith.constant 0 : i32
      %dma_start3A_50 = tpu.memref_slice %arg6[%dma_start3A, %dma_start3A_49] : memref<40x128xi32, #tpu.memory_space<vmem>> -> memref<1x32xi32, #tpu.memory_space<vmem>>
      %dma_start3A_51 = tpu.memref_squeeze %dma_start3A_50 : memref<1x32xi32, #tpu.memory_space<vmem>> -> memref<32xi32, #tpu.memory_space<vmem>>
      %dma_start3A_52 = arith.constant 0 : i32
      %dma_start3A_53 = arith.constant 0 : i32
      %dma_start3A_54 = tpu.memref_slice %arg2[%dma_start3A_52, %dma_start3A_53] : memref<10000x128xf32, #tpu.memory_space<hbm>> -> memref<10000x128xf32, #tpu.memory_space<hbm>>
      tpu.enqueue_indirect_dma source(%dma_start3A_54 : memref<10000x128xf32, #tpu.memory_space<hbm>>) target(%dma_start3A_48 : memref<32x128xf32, #tpu.memory_space<vmem>>) offsets(%dma_start3A_51 : memref<32xi32, #tpu.memory_space<vmem>>) semaphore(%arg11 : memref<!tpu.dma_semaphore, #tpu.memory_space<semaphore_mem>>)
      %dma_start3A_55 = arith.constant 0 : i32
      %dma_start3A_56 = arith.constant 32 : i32
      %dma_start3A_57 = arith.constant 0 : i32
      %dma_start3A_58 = tpu.memref_slice %arg8[%dma_start3A_56, %dma_start3A_57] : memref<128x128xf32, #tpu.memory_space<vmem>> -> memref<32x128xf32, #tpu.memory_space<vmem>>
      %dma_start3A_59 = arith.constant 32 : i32
      %dma_start3A_60 = tpu.memref_slice %arg6[%dma_start3A_55, %dma_start3A_59] : memref<40x128xi32, #tpu.memory_space<vmem>> -> memref<1x32xi32, #tpu.memory_space<vmem>>
      %dma_start3A_61 = tpu.memref_squeeze %dma_start3A_60 : memref<1x32xi32, #tpu.memory_space<vmem>> -> memref<32xi32, #tpu.memory_space<vmem>>
      %dma_start3A_62 = arith.constant 0 : i32
      %dma_start3A_63 = arith.constant 0 : i32
      %dma_start3A_64 = tpu.memref_slice %arg2[%dma_start3A_62, %dma_start3A_63] : memref<10000x128xf32, #tpu.memory_space<hbm>> -> memref<10000x128xf32, #tpu.memory_space<hbm>>
      tpu.enqueue_indirect_dma source(%dma_start3A_64 : memref<10000x128xf32, #tpu.memory_space<hbm>>) target(%dma_start3A_58 : memref<32x128xf32, #tpu.memory_space<vmem>>) offsets(%dma_start3A_61 : memref<32xi32, #tpu.memory_space<vmem>>) semaphore(%arg11 : memref<!tpu.dma_semaphore, #tpu.memory_space<semaphore_mem>>)
      %dma_start3A_65 = arith.constant 0 : i32
      %dma_start3A_66 = arith.constant 64 : i32
      %dma_start3A_67 = arith.constant 0 : i32
      %dma_start3A_68 = tpu.memref_slice %arg8[%dma_start3A_66, %dma_start3A_67] : memref<128x128xf32, #tpu.memory_space<vmem>> -> memref<32x128xf32, #tpu.memory_space<vmem>>
      %dma_start3A_69 = arith.constant 64 : i32
      %dma_start3A_70 = tpu.memref_slice %arg6[%dma_start3A_65, %dma_start3A_69] : memref<40x128xi32, #tpu.memory_space<vmem>> -> memref<1x32xi32, #tpu.memory_space<vmem>>
      %dma_start3A_71 = tpu.memref_squeeze %dma_start3A_70 : memref<1x32xi32, #tpu.memory_space<vmem>> -> memref<32xi32, #tpu.memory_space<vmem>>
      %dma_start3A_72 = arith.constant 0 : i32
      %dma_start3A_73 = arith.constant 0 : i32
      %dma_start3A_74 = tpu.memref_slice %arg2[%dma_start3A_72, %dma_start3A_73] : memref<10000x128xf32, #tpu.memory_space<hbm>> -> memref<10000x128xf32, #tpu.memory_space<hbm>>
      tpu.enqueue_indirect_dma source(%dma_start3A_74 : memref<10000x128xf32, #tpu.memory_space<hbm>>) target(%dma_start3A_68 : memref<32x128xf32, #tpu.memory_space<vmem>>) offsets(%dma_start3A_71 : memref<32xi32, #tpu.memory_space<vmem>>) semaphore(%arg11 : memref<!tpu.dma_semaphore, #tpu.memory_space<semaphore_mem>>)
      %dma_start3A_75 = arith.constant 0 : i32
      %dma_start3A_76 = arith.constant 96 : i32
      %dma_start3A_77 = arith.constant 0 : i32
      %dma_start3A_78 = tpu.memref_slice %arg8[%dma_start3A_76, %dma_start3A_77] : memref<128x128xf32, #tpu.memory_space<vmem>> -> memref<32x128xf32, #tpu.memory_space<vmem>>
      %dma_start3A_79 = arith.constant 96 : i32
      %dma_start3A_80 = tpu.memref_slice %arg6[%dma_start3A_75, %dma_start3A_79] : memref<40x128xi32, #tpu.memory_space<vmem>> -> memref<1x32xi32, #tpu.memory_space<vmem>>
      %dma_start3A_81 = tpu.memref_squeeze %dma_start3A_80 : memref<1x32xi32, #tpu.memory_space<vmem>> -> memref<32xi32, #tpu.memory_space<vmem>>
      %dma_start3A_82 = arith.constant 0 : i32
      %dma_start3A_83 = arith.constant 0 : i32
      %dma_start3A_84 = tpu.memref_slice %arg2[%dma_start3A_82, %dma_start3A_83] : memref<10000x128xf32, #tpu.memory_space<hbm>> -> memref<10000x128xf32, #tpu.memory_space<hbm>>
      tpu.enqueue_indirect_dma source(%dma_start3A_84 : memref<10000x128xf32, #tpu.memory_space<hbm>>) target(%dma_start3A_78 : memref<32x128xf32, #tpu.memory_space<vmem>>) offsets(%dma_start3A_81 : memref<32xi32, #tpu.memory_space<vmem>>) semaphore(%arg11 : memref<!tpu.dma_semaphore, #tpu.memory_space<semaphore_mem>>)
      %dma_start3A_85 = arith.constant 1 : i32
      %dma_start3A_86 = arith.constant 0 : i32
      %dma_start3A_87 = arith.constant 0 : i32
      %dma_start3A_88 = tpu.memref_slice %arg9[%dma_start3A_86, %dma_start3A_87] : memref<128x128xf32, #tpu.memory_space<vmem>> -> memref<32x128xf32, #tpu.memory_space<vmem>>
      %dma_start3A_89 = arith.constant 0 : i32
      %dma_start3A_90 = tpu.memref_slice %arg6[%dma_start3A_85, %dma_start3A_89] : memref<40x128xi32, #tpu.memory_space<vmem>> -> memref<1x32xi32, #tpu.memory_space<vmem>>
      %dma_start3A_91 = tpu.memref_squeeze %dma_start3A_90 : memref<1x32xi32, #tpu.memory_space<vmem>> -> memref<32xi32, #tpu.memory_space<vmem>>
      %dma_start3A_92 = arith.constant 0 : i32
      %dma_start3A_93 = arith.constant 0 : i32
      %dma_start3A_94 = tpu.memref_slice %arg2[%dma_start3A_92, %dma_start3A_93] : memref<10000x128xf32, #tpu.memory_space<hbm>> -> memref<10000x128xf32, #tpu.memory_space<hbm>>
      tpu.enqueue_indirect_dma source(%dma_start3A_94 : memref<10000x128xf32, #tpu.memory_space<hbm>>) target(%dma_start3A_88 : memref<32x128xf32, #tpu.memory_space<vmem>>) offsets(%dma_start3A_91 : memref<32xi32, #tpu.memory_space<vmem>>) semaphore(%arg12 : memref<!tpu.dma_semaphore, #tpu.memory_space<semaphore_mem>>)
      %dma_start3A_95 = arith.constant 1 : i32
      %dma_start3A_96 = arith.constant 32 : i32
      %dma_start3A_97 = arith.constant 0 : i32
      %dma_start3A_98 = tpu.memref_slice %arg9[%dma_start3A_96, %dma_start3A_97] : memref<128x128xf32, #tpu.memory_space<vmem>> -> memref<32x128xf32, #tpu.memory_space<vmem>>
      %dma_start3A_99 = arith.constant 32 : i32
      %dma_start3A_100 = tpu.memref_slice %arg6[%dma_start3A_95, %dma_start3A_99] : memref<40x128xi32, #tpu.memory_space<vmem>> -> memref<1x32xi32, #tpu.memory_space<vmem>>
      %dma_start3A_101 = tpu.memref_squeeze %dma_start3A_100 : memref<1x32xi32, #tpu.memory_space<vmem>> -> memref<32xi32, #tpu.memory_space<vmem>>
      %dma_start3A_102 = arith.constant 0 : i32
      %dma_start3A_103 = arith.constant 0 : i32
      %dma_start3A_104 = tpu.memref_slice %arg2[%dma_start3A_102, %dma_start3A_103] : memref<10000x128xf32, #tpu.memory_space<hbm>> -> memref<10000x128xf32, #tpu.memory_space<hbm>>
      tpu.enqueue_indirect_dma source(%dma_start3A_104 : memref<10000x128xf32, #tpu.memory_space<hbm>>) target(%dma_start3A_98 : memref<32x128xf32, #tpu.memory_space<vmem>>) offsets(%dma_start3A_101 : memref<32xi32, #tpu.memory_space<vmem>>) semaphore(%arg12 : memref<!tpu.dma_semaphore, #tpu.memory_space<semaphore_mem>>)
      %dma_start3A_105 = arith.constant 1 : i32
      %dma_start3A_106 = arith.constant 64 : i32
      %dma_start3A_107 = arith.constant 0 : i32
      %dma_start3A_108 = tpu.memref_slice %arg9[%dma_start3A_106, %dma_start3A_107] : memref<128x128xf32, #tpu.memory_space<vmem>> -> memref<32x128xf32, #tpu.memory_space<vmem>>
      %dma_start3A_109 = arith.constant 64 : i32
      %dma_start3A_110 = tpu.memref_slice %arg6[%dma_start3A_105, %dma_start3A_109] : memref<40x128xi32, #tpu.memory_space<vmem>> -> memref<1x32xi32, #tpu.memory_space<vmem>>
      %dma_start3A_111 = tpu.memref_squeeze %dma_start3A_110 : memref<1x32xi32, #tpu.memory_space<vmem>> -> memref<32xi32, #tpu.memory_space<vmem>>
      %dma_start3A_112 = arith.constant 0 : i32
      %dma_start3A_113 = arith.constant 0 : i32
      %dma_start3A_114 = tpu.memref_slice %arg2[%dma_start3A_112, %dma_start3A_113] : memref<10000x128xf32, #tpu.memory_space<hbm>> -> memref<10000x128xf32, #tpu.memory_space<hbm>>
      tpu.enqueue_indirect_dma source(%dma_start3A_114 : memref<10000x128xf32, #tpu.memory_space<hbm>>) target(%dma_start3A_108 : memref<32x128xf32, #tpu.memory_space<vmem>>) offsets(%dma_start3A_111 : memref<32xi32, #tpu.memory_space<vmem>>) semaphore(%arg12 : memref<!tpu.dma_semaphore, #tpu.memory_space<semaphore_mem>>)
      %dma_start3A_115 = arith.constant 1 : i32
      %dma_start3A_116 = arith.constant 96 : i32
      %dma_start3A_117 = arith.constant 0 : i32
      %dma_start3A_118 = tpu.memref_slice %arg9[%dma_start3A_116, %dma_start3A_117] : memref<128x128xf32, #tpu.memory_space<vmem>> -> memref<32x128xf32, #tpu.memory_space<vmem>>
      %dma_start3A_119 = arith.constant 96 : i32
      %dma_start3A_120 = tpu.memref_slice %arg6[%dma_start3A_115, %dma_start3A_119] : memref<40x128xi32, #tpu.memory_space<vmem>> -> memref<1x32xi32, #tpu.memory_space<vmem>>
      %dma_start3A_121 = tpu.memref_squeeze %dma_start3A_120 : memref<1x32xi32, #tpu.memory_space<vmem>> -> memref<32xi32, #tpu.memory_space<vmem>>
      %dma_start3A_122 = arith.constant 0 : i32
      %dma_start3A_123 = arith.constant 0 : i32
      %dma_start3A_124 = tpu.memref_slice %arg2[%dma_start3A_122, %dma_start3A_123] : memref<10000x128xf32, #tpu.memory_space<hbm>> -> memref<10000x128xf32, #tpu.memory_space<hbm>>
      tpu.enqueue_indirect_dma source(%dma_start3A_124 : memref<10000x128xf32, #tpu.memory_space<hbm>>) target(%dma_start3A_118 : memref<32x128xf32, #tpu.memory_space<vmem>>) offsets(%dma_start3A_121 : memref<32xi32, #tpu.memory_space<vmem>>) semaphore(%arg12 : memref<!tpu.dma_semaphore, #tpu.memory_space<semaphore_mem>>)
      %scan3A_125 = arith.constant 0 : i32
      %scan3A_126 = arith.constant 0 : i32
      %scan3A_127 = arith.constant 19 : i32
      %scan3A_128 = arith.addi %scan3A_126, %scan3A_127 : i32
      %scan3A_129 = arith.constant 1 : i32
      %scan3A_130 = scf.for %scan3A_213 = %scan3A_126 to %scan3A_128 step %scan3A_129 iter_args(%scan3A_214 = %scan3A_125) -> (i32)  : i32 {
        %mul3A_215 = arith.constant 2 : i32
        %mul3A_216 = arith.muli %mul3A_215, %scan3A_213 : i32
        %dma_wait3A_217 = arith.constant 0 : i32
        %dma_wait3A_218 = arith.constant 0 : i32
        %dma_wait3A_219 = arith.constant 0 : i32
        %dma_wait3A_220 = tpu.memref_slice %arg8[%dma_wait3A_218, %dma_wait3A_219] : memref<128x128xf32, #tpu.memory_space<vmem>> -> memref<32x128xf32, #tpu.memory_space<vmem>>
        %dma_wait3A_221 = arith.constant 0 : i32
        %dma_wait3A_222 = tpu.memref_slice %arg6[%dma_wait3A_217, %dma_wait3A_221] : memref<40x128xi32, #tpu.memory_space<vmem>> -> memref<1x32xi32, #tpu.memory_space<vmem>>
        %dma_wait3A_223 = tpu.memref_squeeze %dma_wait3A_222 : memref<1x32xi32, #tpu.memory_space<vmem>> -> memref<32xi32, #tpu.memory_space<vmem>>
        %dma_wait3A_224 = arith.constant 0 : i32
        %dma_wait3A_225 = arith.constant 0 : i32
        %dma_wait3A_226 = tpu.memref_slice %arg2[%dma_wait3A_224, %dma_wait3A_225] : memref<10000x128xf32, #tpu.memory_space<hbm>> -> memref<10000x128xf32, #tpu.memory_space<hbm>>
        tpu.wait_indirect_dma semaphore(%arg11 : memref<!tpu.dma_semaphore, #tpu.memory_space<semaphore_mem>>) src(%dma_wait3A_226 : memref<10000x128xf32, #tpu.memory_space<hbm>>) dst(%dma_wait3A_220 : memref<32x128xf32, #tpu.memory_space<vmem>>)
        %dma_wait3A_227 = arith.constant 0 : i32
        %dma_wait3A_228 = arith.constant 0 : i32
        %dma_wait3A_229 = arith.constant 0 : i32
        %dma_wait3A_230 = tpu.memref_slice %arg8[%dma_wait3A_228, %dma_wait3A_229] : memref<128x128xf32, #tpu.memory_space<vmem>> -> memref<32x128xf32, #tpu.memory_space<vmem>>
        %dma_wait3A_231 = arith.constant 0 : i32
        %dma_wait3A_232 = tpu.memref_slice %arg6[%dma_wait3A_227, %dma_wait3A_231] : memref<40x128xi32, #tpu.memory_space<vmem>> -> memref<1x32xi32, #tpu.memory_space<vmem>>
        %dma_wait3A_233 = tpu.memref_squeeze %dma_wait3A_232 : memref<1x32xi32, #tpu.memory_space<vmem>> -> memref<32xi32, #tpu.memory_space<vmem>>
        %dma_wait3A_234 = arith.constant 0 : i32
        %dma_wait3A_235 = arith.constant 0 : i32
        %dma_wait3A_236 = tpu.memref_slice %arg2[%dma_wait3A_234, %dma_wait3A_235] : memref<10000x128xf32, #tpu.memory_space<hbm>> -> memref<10000x128xf32, #tpu.memory_space<hbm>>
        tpu.wait_indirect_dma semaphore(%arg11 : memref<!tpu.dma_semaphore, #tpu.memory_space<semaphore_mem>>) src(%dma_wait3A_236 : memref<10000x128xf32, #tpu.memory_space<hbm>>) dst(%dma_wait3A_230 : memref<32x128xf32, #tpu.memory_space<vmem>>)
        %dma_wait3A_237 = arith.constant 0 : i32
        %dma_wait3A_238 = arith.constant 0 : i32
        %dma_wait3A_239 = arith.constant 0 : i32
        %dma_wait3A_240 = tpu.memref_slice %arg8[%dma_wait3A_238, %dma_wait3A_239] : memref<128x128xf32, #tpu.memory_space<vmem>> -> memref<32x128xf32, #tpu.memory_space<vmem>>
        %dma_wait3A_241 = arith.constant 0 : i32
        %dma_wait3A_242 = tpu.memref_slice %arg6[%dma_wait3A_237, %dma_wait3A_241] : memref<40x128xi32, #tpu.memory_space<vmem>> -> memref<1x32xi32, #tpu.memory_space<vmem>>
        %dma_wait3A_243 = tpu.memref_squeeze %dma_wait3A_242 : memref<1x32xi32, #tpu.memory_space<vmem>> -> memref<32xi32, #tpu.memory_space<vmem>>
        %dma_wait3A_244 = arith.constant 0 : i32
        %dma_wait3A_245 = arith.constant 0 : i32
        %dma_wait3A_246 = tpu.memref_slice %arg2[%dma_wait3A_244, %dma_wait3A_245] : memref<10000x128xf32, #tpu.memory_space<hbm>> -> memref<10000x128xf32, #tpu.memory_space<hbm>>
        tpu.wait_indirect_dma semaphore(%arg11 : memref<!tpu.dma_semaphore, #tpu.memory_space<semaphore_mem>>) src(%dma_wait3A_246 : memref<10000x128xf32, #tpu.memory_space<hbm>>) dst(%dma_wait3A_240 : memref<32x128xf32, #tpu.memory_space<vmem>>)
        %dma_wait3A_247 = arith.constant 0 : i32
        %dma_wait3A_248 = arith.constant 0 : i32
        %dma_wait3A_249 = arith.constant 0 : i32
        %dma_wait3A_250 = tpu.memref_slice %arg8[%dma_wait3A_248, %dma_wait3A_249] : memref<128x128xf32, #tpu.memory_space<vmem>> -> memref<32x128xf32, #tpu.memory_space<vmem>>
        %dma_wait3A_251 = arith.constant 0 : i32
        %dma_wait3A_252 = tpu.memref_slice %arg6[%dma_wait3A_247, %dma_wait3A_251] : memref<40x128xi32, #tpu.memory_space<vmem>> -> memref<1x32xi32, #tpu.memory_space<vmem>>
        %dma_wait3A_253 = tpu.memref_squeeze %dma_wait3A_252 : memref<1x32xi32, #tpu.memory_space<vmem>> -> memref<32xi32, #tpu.memory_space<vmem>>
        %dma_wait3A_254 = arith.constant 0 : i32
        %dma_wait3A_255 = arith.constant 0 : i32
        %dma_wait3A_256 = tpu.memref_slice %arg2[%dma_wait3A_254, %dma_wait3A_255] : memref<10000x128xf32, #tpu.memory_space<hbm>> -> memref<10000x128xf32, #tpu.memory_space<hbm>>
        tpu.wait_indirect_dma semaphore(%arg11 : memref<!tpu.dma_semaphore, #tpu.memory_space<semaphore_mem>>) src(%dma_wait3A_256 : memref<10000x128xf32, #tpu.memory_space<hbm>>) dst(%dma_wait3A_250 : memref<32x128xf32, #tpu.memory_space<vmem>>)
        %dma_start3A_257 = arith.constant 0 : i32
        %dma_start3A_258 = tpu.memref_slice %arg7[%mul3A_216, %dma_start3A_257] : memref<40x128xi32, #tpu.memory_space<vmem>> -> memref<1x128xi32, #tpu.memory_space<vmem>>
        %dma_start3A_259 = tpu.memref_squeeze %dma_start3A_258 : memref<1x128xi32, #tpu.memory_space<vmem>> -> memref<128xi32, #tpu.memory_space<vmem>>
        %dma_start3A_260 = arith.constant 0 : i32
        %dma_start3A_261 = arith.constant 0 : i32
        %dma_start3A_262 = tpu.memref_slice %arg10[%dma_start3A_260, %dma_start3A_261] : memref<10112x128xf32, #tpu.memory_space<vmem_shared>> -> memref<10112x128xf32, #tpu.memory_space<vmem_shared>>
        tpu.enqueue_indirect_dma source(%arg8 : memref<128x128xf32, #tpu.memory_space<vmem>>) target(%dma_start3A_262 : memref<10112x128xf32, #tpu.memory_space<vmem_shared>>) offsets(%dma_start3A_259 : memref<128xi32, #tpu.memory_space<vmem>>) semaphore(%arg13 : memref<!tpu.dma_semaphore, #tpu.memory_space<semaphore_mem>>) {add = true}
        %dma_wait3A_263 = arith.constant 0 : i32
        %dma_wait3A_264 = arith.constant 0 : i32
        %dma_wait3A_265 = arith.constant 0 : i32
        %dma_wait3A_266 = tpu.memref_slice %arg9[%dma_wait3A_264, %dma_wait3A_265] : memref<128x128xf32, #tpu.memory_space<vmem>> -> memref<32x128xf32, #tpu.memory_space<vmem>>
        %dma_wait3A_267 = arith.constant 0 : i32
        %dma_wait3A_268 = tpu.memref_slice %arg6[%dma_wait3A_263, %dma_wait3A_267] : memref<40x128xi32, #tpu.memory_space<vmem>> -> memref<1x32xi32, #tpu.memory_space<vmem>>
        %dma_wait3A_269 = tpu.memref_squeeze %dma_wait3A_268 : memref<1x32xi32, #tpu.memory_space<vmem>> -> memref<32xi32, #tpu.memory_space<vmem>>
        %dma_wait3A_270 = arith.constant 0 : i32
        %dma_wait3A_271 = arith.constant 0 : i32
        %dma_wait3A_272 = tpu.memref_slice %arg2[%dma_wait3A_270, %dma_wait3A_271] : memref<10000x128xf32, #tpu.memory_space<hbm>> -> memref<10000x128xf32, #tpu.memory_space<hbm>>
        tpu.wait_indirect_dma semaphore(%arg12 : memref<!tpu.dma_semaphore, #tpu.memory_space<semaphore_mem>>) src(%dma_wait3A_272 : memref<10000x128xf32, #tpu.memory_space<hbm>>) dst(%dma_wait3A_266 : memref<32x128xf32, #tpu.memory_space<vmem>>)
        %dma_wait3A_273 = arith.constant 0 : i32
        %dma_wait3A_274 = arith.constant 0 : i32
        %dma_wait3A_275 = arith.constant 0 : i32
        %dma_wait3A_276 = tpu.memref_slice %arg9[%dma_wait3A_274, %dma_wait3A_275] : memref<128x128xf32, #tpu.memory_space<vmem>> -> memref<32x128xf32, #tpu.memory_space<vmem>>
        %dma_wait3A_277 = arith.constant 0 : i32
        %dma_wait3A_278 = tpu.memref_slice %arg6[%dma_wait3A_273, %dma_wait3A_277] : memref<40x128xi32, #tpu.memory_space<vmem>> -> memref<1x32xi32, #tpu.memory_space<vmem>>
        %dma_wait3A_279 = tpu.memref_squeeze %dma_wait3A_278 : memref<1x32xi32, #tpu.memory_space<vmem>> -> memref<32xi32, #tpu.memory_space<vmem>>
        %dma_wait3A_280 = arith.constant 0 : i32
        %dma_wait3A_281 = arith.constant 0 : i32
        %dma_wait3A_282 = tpu.memref_slice %arg2[%dma_wait3A_280, %dma_wait3A_281] : memref<10000x128xf32, #tpu.memory_space<hbm>> -> memref<10000x128xf32, #tpu.memory_space<hbm>>
        tpu.wait_indirect_dma semaphore(%arg12 : memref<!tpu.dma_semaphore, #tpu.memory_space<semaphore_mem>>) src(%dma_wait3A_282 : memref<10000x128xf32, #tpu.memory_space<hbm>>) dst(%dma_wait3A_276 : memref<32x128xf32, #tpu.memory_space<vmem>>)
        %dma_wait3A_283 = arith.constant 0 : i32
        %dma_wait3A_284 = arith.constant 0 : i32
        %dma_wait3A_285 = arith.constant 0 : i32
        %dma_wait3A_286 = tpu.memref_slice %arg9[%dma_wait3A_284, %dma_wait3A_285] : memref<128x128xf32, #tpu.memory_space<vmem>> -> memref<32x128xf32, #tpu.memory_space<vmem>>
        %dma_wait3A_287 = arith.constant 0 : i32
        %dma_wait3A_288 = tpu.memref_slice %arg6[%dma_wait3A_283, %dma_wait3A_287] : memref<40x128xi32, #tpu.memory_space<vmem>> -> memref<1x32xi32, #tpu.memory_space<vmem>>
        %dma_wait3A_289 = tpu.memref_squeeze %dma_wait3A_288 : memref<1x32xi32, #tpu.memory_space<vmem>> -> memref<32xi32, #tpu.memory_space<vmem>>
        %dma_wait3A_290 = arith.constant 0 : i32
        %dma_wait3A_291 = arith.constant 0 : i32
        %dma_wait3A_292 = tpu.memref_slice %arg2[%dma_wait3A_290, %dma_wait3A_291] : memref<10000x128xf32, #tpu.memory_space<hbm>> -> memref<10000x128xf32, #tpu.memory_space<hbm>>
        tpu.wait_indirect_dma semaphore(%arg12 : memref<!tpu.dma_semaphore, #tpu.memory_space<semaphore_mem>>) src(%dma_wait3A_292 : memref<10000x128xf32, #tpu.memory_space<hbm>>) dst(%dma_wait3A_286 : memref<32x128xf32, #tpu.memory_space<vmem>>)
        %dma_wait3A_293 = arith.constant 0 : i32
        %dma_wait3A_294 = arith.constant 0 : i32
        %dma_wait3A_295 = arith.constant 0 : i32
        %dma_wait3A_296 = tpu.memref_slice %arg9[%dma_wait3A_294, %dma_wait3A_295] : memref<128x128xf32, #tpu.memory_space<vmem>> -> memref<32x128xf32, #tpu.memory_space<vmem>>
        %dma_wait3A_297 = arith.constant 0 : i32
        %dma_wait3A_298 = tpu.memref_slice %arg6[%dma_wait3A_293, %dma_wait3A_297] : memref<40x128xi32, #tpu.memory_space<vmem>> -> memref<1x32xi32, #tpu.memory_space<vmem>>
        %dma_wait3A_299 = tpu.memref_squeeze %dma_wait3A_298 : memref<1x32xi32, #tpu.memory_space<vmem>> -> memref<32xi32, #tpu.memory_space<vmem>>
        %dma_wait3A_300 = arith.constant 0 : i32
        %dma_wait3A_301 = arith.constant 0 : i32
        %dma_wait3A_302 = tpu.memref_slice %arg2[%dma_wait3A_300, %dma_wait3A_301] : memref<10000x128xf32, #tpu.memory_space<hbm>> -> memref<10000x128xf32, #tpu.memory_space<hbm>>
        tpu.wait_indirect_dma semaphore(%arg12 : memref<!tpu.dma_semaphore, #tpu.memory_space<semaphore_mem>>) src(%dma_wait3A_302 : memref<10000x128xf32, #tpu.memory_space<hbm>>) dst(%dma_wait3A_296 : memref<32x128xf32, #tpu.memory_space<vmem>>)
        %add3A_303 = arith.constant 1 : i32
        %add3A_304 = arith.addi %mul3A_216, %add3A_303 : i32
        %dma_start3A_305 = arith.constant 0 : i32
        %dma_start3A_306 = tpu.memref_slice %arg7[%add3A_304, %dma_start3A_305] : memref<40x128xi32, #tpu.memory_space<vmem>> -> memref<1x128xi32, #tpu.memory_space<vmem>>
        %dma_start3A_307 = tpu.memref_squeeze %dma_start3A_306 : memref<1x128xi32, #tpu.memory_space<vmem>> -> memref<128xi32, #tpu.memory_space<vmem>>
        %dma_start3A_308 = arith.constant 0 : i32
        %dma_start3A_309 = arith.constant 0 : i32
        %dma_start3A_310 = tpu.memref_slice %arg10[%dma_start3A_308, %dma_start3A_309] : memref<10112x128xf32, #tpu.memory_space<vmem_shared>> -> memref<10112x128xf32, #tpu.memory_space<vmem_shared>>
        tpu.enqueue_indirect_dma source(%arg9 : memref<128x128xf32, #tpu.memory_space<vmem>>) target(%dma_start3A_310 : memref<10112x128xf32, #tpu.memory_space<vmem_shared>>) offsets(%dma_start3A_307 : memref<128xi32, #tpu.memory_space<vmem>>) semaphore(%arg14 : memref<!tpu.dma_semaphore, #tpu.memory_space<semaphore_mem>>) {add = true}
        %dma_wait3A_311 = arith.constant 0 : i32
        %dma_wait3A_312 = arith.constant 0 : i32
        %dma_wait3A_313 = tpu.memref_slice %arg7[%dma_wait3A_311, %dma_wait3A_312] : memref<40x128xi32, #tpu.memory_space<vmem>> -> memref<1x128xi32, #tpu.memory_space<vmem>>
        %dma_wait3A_314 = tpu.memref_squeeze %dma_wait3A_313 : memref<1x128xi32, #tpu.memory_space<vmem>> -> memref<128xi32, #tpu.memory_space<vmem>>
        %dma_wait3A_315 = arith.constant 0 : i32
        %dma_wait3A_316 = arith.constant 0 : i32
        %dma_wait3A_317 = tpu.memref_slice %arg10[%dma_wait3A_315, %dma_wait3A_316] : memref<10112x128xf32, #tpu.memory_space<vmem_shared>> -> memref<10112x128xf32, #tpu.memory_space<vmem_shared>>
        tpu.wait_indirect_dma semaphore(%arg13 : memref<!tpu.dma_semaphore, #tpu.memory_space<semaphore_mem>>) src(%arg8 : memref<128x128xf32, #tpu.memory_space<vmem>>) dst(%dma_wait3A_317 : memref<10112x128xf32, #tpu.memory_space<vmem_shared>>)
        %add3A_318 = arith.constant 2 : i32
        %add3A_319 = arith.addi %mul3A_216, %add3A_318 : i32
        %dma_start3A_320 = arith.constant 0 : i32
        %dma_start3A_321 = arith.constant 0 : i32
        %dma_start3A_322 = tpu.memref_slice %arg8[%dma_start3A_320, %dma_start3A_321] : memref<128x128xf32, #tpu.memory_space<vmem>> -> memref<32x128xf32, #tpu.memory_space<vmem>>
        %dma_start3A_323 = arith.constant 0 : i32
        %dma_start3A_324 = tpu.memref_slice %arg6[%add3A_319, %dma_start3A_323] : memref<40x128xi32, #tpu.memory_space<vmem>> -> memref<1x32xi32, #tpu.memory_space<vmem>>
        %dma_start3A_325 = tpu.memref_squeeze %dma_start3A_324 : memref<1x32xi32, #tpu.memory_space<vmem>> -> memref<32xi32, #tpu.memory_space<vmem>>
        %dma_start3A_326 = arith.constant 0 : i32
        %dma_start3A_327 = arith.constant 0 : i32
        %dma_start3A_328 = tpu.memref_slice %arg2[%dma_start3A_326, %dma_start3A_327] : memref<10000x128xf32, #tpu.memory_space<hbm>> -> memref<10000x128xf32, #tpu.memory_space<hbm>>
        tpu.enqueue_indirect_dma source(%dma_start3A_328 : memref<10000x128xf32, #tpu.memory_space<hbm>>) target(%dma_start3A_322 : memref<32x128xf32, #tpu.memory_space<vmem>>) offsets(%dma_start3A_325 : memref<32xi32, #tpu.memory_space<vmem>>) semaphore(%arg11 : memref<!tpu.dma_semaphore, #tpu.memory_space<semaphore_mem>>)
        %dma_start3A_329 = arith.constant 32 : i32
        %dma_start3A_330 = arith.constant 0 : i32
        %dma_start3A_331 = tpu.memref_slice %arg8[%dma_start3A_329, %dma_start3A_330] : memref<128x128xf32, #tpu.memory_space<vmem>> -> memref<32x128xf32, #tpu.memory_space<vmem>>
        %dma_start3A_332 = arith.constant 32 : i32
        %dma_start3A_333 = tpu.memref_slice %arg6[%add3A_319, %dma_start3A_332] : memref<40x128xi32, #tpu.memory_space<vmem>> -> memref<1x32xi32, #tpu.memory_space<vmem>>
        %dma_start3A_334 = tpu.memref_squeeze %dma_start3A_333 : memref<1x32xi32, #tpu.memory_space<vmem>> -> memref<32xi32, #tpu.memory_space<vmem>>
        %dma_start3A_335 = arith.constant 0 : i32
        %dma_start3A_336 = arith.constant 0 : i32
        %dma_start3A_337 = tpu.memref_slice %arg2[%dma_start3A_335, %dma_start3A_336] : memref<10000x128xf32, #tpu.memory_space<hbm>> -> memref<10000x128xf32, #tpu.memory_space<hbm>>
        tpu.enqueue_indirect_dma source(%dma_start3A_337 : memref<10000x128xf32, #tpu.memory_space<hbm>>) target(%dma_start3A_331 : memref<32x128xf32, #tpu.memory_space<vmem>>) offsets(%dma_start3A_334 : memref<32xi32, #tpu.memory_space<vmem>>) semaphore(%arg11 : memref<!tpu.dma_semaphore, #tpu.memory_space<semaphore_mem>>)
        %dma_start3A_338 = arith.constant 64 : i32
        %dma_start3A_339 = arith.constant 0 : i32
        %dma_start3A_340 = tpu.memref_slice %arg8[%dma_start3A_338, %dma_start3A_339] : memref<128x128xf32, #tpu.memory_space<vmem>> -> memref<32x128xf32, #tpu.memory_space<vmem>>
        %dma_start3A_341 = arith.constant 64 : i32
        %dma_start3A_342 = tpu.memref_slice %arg6[%add3A_319, %dma_start3A_341] : memref<40x128xi32, #tpu.memory_space<vmem>> -> memref<1x32xi32, #tpu.memory_space<vmem>>
        %dma_start3A_343 = tpu.memref_squeeze %dma_start3A_342 : memref<1x32xi32, #tpu.memory_space<vmem>> -> memref<32xi32, #tpu.memory_space<vmem>>
        %dma_start3A_344 = arith.constant 0 : i32
        %dma_start3A_345 = arith.constant 0 : i32
        %dma_start3A_346 = tpu.memref_slice %arg2[%dma_start3A_344, %dma_start3A_345] : memref<10000x128xf32, #tpu.memory_space<hbm>> -> memref<10000x128xf32, #tpu.memory_space<hbm>>
        tpu.enqueue_indirect_dma source(%dma_start3A_346 : memref<10000x128xf32, #tpu.memory_space<hbm>>) target(%dma_start3A_340 : memref<32x128xf32, #tpu.memory_space<vmem>>) offsets(%dma_start3A_343 : memref<32xi32, #tpu.memory_space<vmem>>) semaphore(%arg11 : memref<!tpu.dma_semaphore, #tpu.memory_space<semaphore_mem>>)
        %dma_start3A_347 = arith.constant 96 : i32
        %dma_start3A_348 = arith.constant 0 : i32
        %dma_start3A_349 = tpu.memref_slice %arg8[%dma_start3A_347, %dma_start3A_348] : memref<128x128xf32, #tpu.memory_space<vmem>> -> memref<32x128xf32, #tpu.memory_space<vmem>>
        %dma_start3A_350 = arith.constant 96 : i32
        %dma_start3A_351 = tpu.memref_slice %arg6[%add3A_319, %dma_start3A_350] : memref<40x128xi32, #tpu.memory_space<vmem>> -> memref<1x32xi32, #tpu.memory_space<vmem>>
        %dma_start3A_352 = tpu.memref_squeeze %dma_start3A_351 : memref<1x32xi32, #tpu.memory_space<vmem>> -> memref<32xi32, #tpu.memory_space<vmem>>
        %dma_start3A_353 = arith.constant 0 : i32
        %dma_start3A_354 = arith.constant 0 : i32
        %dma_start3A_355 = tpu.memref_slice %arg2[%dma_start3A_353, %dma_start3A_354] : memref<10000x128xf32, #tpu.memory_space<hbm>> -> memref<10000x128xf32, #tpu.memory_space<hbm>>
        tpu.enqueue_indirect_dma source(%dma_start3A_355 : memref<10000x128xf32, #tpu.memory_space<hbm>>) target(%dma_start3A_349 : memref<32x128xf32, #tpu.memory_space<vmem>>) offsets(%dma_start3A_352 : memref<32xi32, #tpu.memory_space<vmem>>) semaphore(%arg11 : memref<!tpu.dma_semaphore, #tpu.memory_space<semaphore_mem>>)
        %dma_wait3A_356 = arith.constant 0 : i32
        %dma_wait3A_357 = arith.constant 0 : i32
        %dma_wait3A_358 = tpu.memref_slice %arg7[%dma_wait3A_356, %dma_wait3A_357] : memref<40x128xi32, #tpu.memory_space<vmem>> -> memref<1x128xi32, #tpu.memory_space<vmem>>
        %dma_wait3A_359 = tpu.memref_squeeze %dma_wait3A_358 : memref<1x128xi32, #tpu.memory_space<vmem>> -> memref<128xi32, #tpu.memory_space<vmem>>
        %dma_wait3A_360 = arith.constant 0 : i32
        %dma_wait3A_361 = arith.constant 0 : i32
        %dma_wait3A_362 = tpu.memref_slice %arg10[%dma_wait3A_360, %dma_wait3A_361] : memref<10112x128xf32, #tpu.memory_space<vmem_shared>> -> memref<10112x128xf32, #tpu.memory_space<vmem_shared>>
        tpu.wait_indirect_dma semaphore(%arg14 : memref<!tpu.dma_semaphore, #tpu.memory_space<semaphore_mem>>) src(%arg9 : memref<128x128xf32, #tpu.memory_space<vmem>>) dst(%dma_wait3A_362 : memref<10112x128xf32, #tpu.memory_space<vmem_shared>>)
        %add3A_363 = arith.constant 3 : i32
        %add3A_364 = arith.addi %mul3A_216, %add3A_363 : i32
        %dma_start3A_365 = arith.constant 0 : i32
        %dma_start3A_366 = arith.constant 0 : i32
        %dma_start3A_367 = tpu.memref_slice %arg9[%dma_start3A_365, %dma_start3A_366] : memref<128x128xf32, #tpu.memory_space<vmem>> -> memref<32x128xf32, #tpu.memory_space<vmem>>
        %dma_start3A_368 = arith.constant 0 : i32
        %dma_start3A_369 = tpu.memref_slice %arg6[%add3A_364, %dma_start3A_368] : memref<40x128xi32, #tpu.memory_space<vmem>> -> memref<1x32xi32, #tpu.memory_space<vmem>>
        %dma_start3A_370 = tpu.memref_squeeze %dma_start3A_369 : memref<1x32xi32, #tpu.memory_space<vmem>> -> memref<32xi32, #tpu.memory_space<vmem>>
        %dma_start3A_371 = arith.constant 0 : i32
        %dma_start3A_372 = arith.constant 0 : i32
        %dma_start3A_373 = tpu.memref_slice %arg2[%dma_start3A_371, %dma_start3A_372] : memref<10000x128xf32, #tpu.memory_space<hbm>> -> memref<10000x128xf32, #tpu.memory_space<hbm>>
        tpu.enqueue_indirect_dma source(%dma_start3A_373 : memref<10000x128xf32, #tpu.memory_space<hbm>>) target(%dma_start3A_367 : memref<32x128xf32, #tpu.memory_space<vmem>>) offsets(%dma_start3A_370 : memref<32xi32, #tpu.memory_space<vmem>>) semaphore(%arg12 : memref<!tpu.dma_semaphore, #tpu.memory_space<semaphore_mem>>)
        %dma_start3A_374 = arith.constant 32 : i32
        %dma_start3A_375 = arith.constant 0 : i32
        %dma_start3A_376 = tpu.memref_slice %arg9[%dma_start3A_374, %dma_start3A_375] : memref<128x128xf32, #tpu.memory_space<vmem>> -> memref<32x128xf32, #tpu.memory_space<vmem>>
        %dma_start3A_377 = arith.constant 32 : i32
        %dma_start3A_378 = tpu.memref_slice %arg6[%add3A_364, %dma_start3A_377] : memref<40x128xi32, #tpu.memory_space<vmem>> -> memref<1x32xi32, #tpu.memory_space<vmem>>
        %dma_start3A_379 = tpu.memref_squeeze %dma_start3A_378 : memref<1x32xi32, #tpu.memory_space<vmem>> -> memref<32xi32, #tpu.memory_space<vmem>>
        %dma_start3A_380 = arith.constant 0 : i32
        %dma_start3A_381 = arith.constant 0 : i32
        %dma_start3A_382 = tpu.memref_slice %arg2[%dma_start3A_380, %dma_start3A_381] : memref<10000x128xf32, #tpu.memory_space<hbm>> -> memref<10000x128xf32, #tpu.memory_space<hbm>>
        tpu.enqueue_indirect_dma source(%dma_start3A_382 : memref<10000x128xf32, #tpu.memory_space<hbm>>) target(%dma_start3A_376 : memref<32x128xf32, #tpu.memory_space<vmem>>) offsets(%dma_start3A_379 : memref<32xi32, #tpu.memory_space<vmem>>) semaphore(%arg12 : memref<!tpu.dma_semaphore, #tpu.memory_space<semaphore_mem>>)
        %dma_start3A_383 = arith.constant 64 : i32
        %dma_start3A_384 = arith.constant 0 : i32
        %dma_start3A_385 = tpu.memref_slice %arg9[%dma_start3A_383, %dma_start3A_384] : memref<128x128xf32, #tpu.memory_space<vmem>> -> memref<32x128xf32, #tpu.memory_space<vmem>>
        %dma_start3A_386 = arith.constant 64 : i32
        %dma_start3A_387 = tpu.memref_slice %arg6[%add3A_364, %dma_start3A_386] : memref<40x128xi32, #tpu.memory_space<vmem>> -> memref<1x32xi32, #tpu.memory_space<vmem>>
        %dma_start3A_388 = tpu.memref_squeeze %dma_start3A_387 : memref<1x32xi32, #tpu.memory_space<vmem>> -> memref<32xi32, #tpu.memory_space<vmem>>
        %dma_start3A_389 = arith.constant 0 : i32
        %dma_start3A_390 = arith.constant 0 : i32
        %dma_start3A_391 = tpu.memref_slice %arg2[%dma_start3A_389, %dma_start3A_390] : memref<10000x128xf32, #tpu.memory_space<hbm>> -> memref<10000x128xf32, #tpu.memory_space<hbm>>
        tpu.enqueue_indirect_dma source(%dma_start3A_391 : memref<10000x128xf32, #tpu.memory_space<hbm>>) target(%dma_start3A_385 : memref<32x128xf32, #tpu.memory_space<vmem>>) offsets(%dma_start3A_388 : memref<32xi32, #tpu.memory_space<vmem>>) semaphore(%arg12 : memref<!tpu.dma_semaphore, #tpu.memory_space<semaphore_mem>>)
        %dma_start3A_392 = arith.constant 96 : i32
        %dma_start3A_393 = arith.constant 0 : i32
        %dma_start3A_394 = tpu.memref_slice %arg9[%dma_start3A_392, %dma_start3A_393] : memref<128x128xf32, #tpu.memory_space<vmem>> -> memref<32x128xf32, #tpu.memory_space<vmem>>
        %dma_start3A_395 = arith.constant 96 : i32
        %dma_start3A_396 = tpu.memref_slice %arg6[%add3A_364, %dma_start3A_395] : memref<40x128xi32, #tpu.memory_space<vmem>> -> memref<1x32xi32, #tpu.memory_space<vmem>>
        %dma_start3A_397 = tpu.memref_squeeze %dma_start3A_396 : memref<1x32xi32, #tpu.memory_space<vmem>> -> memref<32xi32, #tpu.memory_space<vmem>>
        %dma_start3A_398 = arith.constant 0 : i32
        %dma_start3A_399 = arith.constant 0 : i32
        %dma_start3A_400 = tpu.memref_slice %arg2[%dma_start3A_398, %dma_start3A_399] : memref<10000x128xf32, #tpu.memory_space<hbm>> -> memref<10000x128xf32, #tpu.memory_space<hbm>>
        tpu.enqueue_indirect_dma source(%dma_start3A_400 : memref<10000x128xf32, #tpu.memory_space<hbm>>) target(%dma_start3A_394 : memref<32x128xf32, #tpu.memory_space<vmem>>) offsets(%dma_start3A_397 : memref<32xi32, #tpu.memory_space<vmem>>) semaphore(%arg12 : memref<!tpu.dma_semaphore, #tpu.memory_space<semaphore_mem>>)
        %scan3A_401 = arith.constant 0 : i32
        scf.yield %scan3A_401 : i32
      }
      %scan3A_131 = arith.constant 19 : i32
      %dma_wait3A = arith.constant 0 : i32
      %dma_wait3A_132 = arith.constant 0 : i32
      %dma_wait3A_133 = arith.constant 0 : i32
      %dma_wait3A_134 = tpu.memref_slice %arg8[%dma_wait3A_132, %dma_wait3A_133] : memref<128x128xf32, #tpu.memory_space<vmem>> -> memref<32x128xf32, #tpu.memory_space<vmem>>
      %dma_wait3A_135 = arith.constant 0 : i32
      %dma_wait3A_136 = tpu.memref_slice %arg6[%dma_wait3A, %dma_wait3A_135] : memref<40x128xi32, #tpu.memory_space<vmem>> -> memref<1x32xi32, #tpu.memory_space<vmem>>
      %dma_wait3A_137 = tpu.memref_squeeze %dma_wait3A_136 : memref<1x32xi32, #tpu.memory_space<vmem>> -> memref<32xi32, #tpu.memory_space<vmem>>
      %dma_wait3A_138 = arith.constant 0 : i32
      %dma_wait3A_139 = arith.constant 0 : i32
      %dma_wait3A_140 = tpu.memref_slice %arg2[%dma_wait3A_138, %dma_wait3A_139] : memref<10000x128xf32, #tpu.memory_space<hbm>> -> memref<10000x128xf32, #tpu.memory_space<hbm>>
      tpu.wait_indirect_dma semaphore(%arg11 : memref<!tpu.dma_semaphore, #tpu.memory_space<semaphore_mem>>) src(%dma_wait3A_140 : memref<10000x128xf32, #tpu.memory_space<hbm>>) dst(%dma_wait3A_134 : memref<32x128xf32, #tpu.memory_space<vmem>>)
      %dma_wait3A_141 = arith.constant 0 : i32
      %dma_wait3A_142 = arith.constant 0 : i32
      %dma_wait3A_143 = arith.constant 0 : i32
      %dma_wait3A_144 = tpu.memref_slice %arg8[%dma_wait3A_142, %dma_wait3A_143] : memref<128x128xf32, #tpu.memory_space<vmem>> -> memref<32x128xf32, #tpu.memory_space<vmem>>
      %dma_wait3A_145 = arith.constant 0 : i32
      %dma_wait3A_146 = tpu.memref_slice %arg6[%dma_wait3A_141, %dma_wait3A_145] : memref<40x128xi32, #tpu.memory_space<vmem>> -> memref<1x32xi32, #tpu.memory_space<vmem>>
      %dma_wait3A_147 = tpu.memref_squeeze %dma_wait3A_146 : memref<1x32xi32, #tpu.memory_space<vmem>> -> memref<32xi32, #tpu.memory_space<vmem>>
      %dma_wait3A_148 = arith.constant 0 : i32
      %dma_wait3A_149 = arith.constant 0 : i32
      %dma_wait3A_150 = tpu.memref_slice %arg2[%dma_wait3A_148, %dma_wait3A_149] : memref<10000x128xf32, #tpu.memory_space<hbm>> -> memref<10000x128xf32, #tpu.memory_space<hbm>>
      tpu.wait_indirect_dma semaphore(%arg11 : memref<!tpu.dma_semaphore, #tpu.memory_space<semaphore_mem>>) src(%dma_wait3A_150 : memref<10000x128xf32, #tpu.memory_space<hbm>>) dst(%dma_wait3A_144 : memref<32x128xf32, #tpu.memory_space<vmem>>)
      %dma_wait3A_151 = arith.constant 0 : i32
      %dma_wait3A_152 = arith.constant 0 : i32
      %dma_wait3A_153 = arith.constant 0 : i32
      %dma_wait3A_154 = tpu.memref_slice %arg8[%dma_wait3A_152, %dma_wait3A_153] : memref<128x128xf32, #tpu.memory_space<vmem>> -> memref<32x128xf32, #tpu.memory_space<vmem>>
      %dma_wait3A_155 = arith.constant 0 : i32
      %dma_wait3A_156 = tpu.memref_slice %arg6[%dma_wait3A_151, %dma_wait3A_155] : memref<40x128xi32, #tpu.memory_space<vmem>> -> memref<1x32xi32, #tpu.memory_space<vmem>>
      %dma_wait3A_157 = tpu.memref_squeeze %dma_wait3A_156 : memref<1x32xi32, #tpu.memory_space<vmem>> -> memref<32xi32, #tpu.memory_space<vmem>>
      %dma_wait3A_158 = arith.constant 0 : i32
      %dma_wait3A_159 = arith.constant 0 : i32
      %dma_wait3A_160 = tpu.memref_slice %arg2[%dma_wait3A_158, %dma_wait3A_159] : memref<10000x128xf32, #tpu.memory_space<hbm>> -> memref<10000x128xf32, #tpu.memory_space<hbm>>
      tpu.wait_indirect_dma semaphore(%arg11 : memref<!tpu.dma_semaphore, #tpu.memory_space<semaphore_mem>>) src(%dma_wait3A_160 : memref<10000x128xf32, #tpu.memory_space<hbm>>) dst(%dma_wait3A_154 : memref<32x128xf32, #tpu.memory_space<vmem>>)
      %dma_wait3A_161 = arith.constant 0 : i32
      %dma_wait3A_162 = arith.constant 0 : i32
      %dma_wait3A_163 = arith.constant 0 : i32
      %dma_wait3A_164 = tpu.memref_slice %arg8[%dma_wait3A_162, %dma_wait3A_163] : memref<128x128xf32, #tpu.memory_space<vmem>> -> memref<32x128xf32, #tpu.memory_space<vmem>>
      %dma_wait3A_165 = arith.constant 0 : i32
      %dma_wait3A_166 = tpu.memref_slice %arg6[%dma_wait3A_161, %dma_wait3A_165] : memref<40x128xi32, #tpu.memory_space<vmem>> -> memref<1x32xi32, #tpu.memory_space<vmem>>
      %dma_wait3A_167 = tpu.memref_squeeze %dma_wait3A_166 : memref<1x32xi32, #tpu.memory_space<vmem>> -> memref<32xi32, #tpu.memory_space<vmem>>
      %dma_wait3A_168 = arith.constant 0 : i32
      %dma_wait3A_169 = arith.constant 0 : i32
      %dma_wait3A_170 = tpu.memref_slice %arg2[%dma_wait3A_168, %dma_wait3A_169] : memref<10000x128xf32, #tpu.memory_space<hbm>> -> memref<10000x128xf32, #tpu.memory_space<hbm>>
      tpu.wait_indirect_dma semaphore(%arg11 : memref<!tpu.dma_semaphore, #tpu.memory_space<semaphore_mem>>) src(%dma_wait3A_170 : memref<10000x128xf32, #tpu.memory_space<hbm>>) dst(%dma_wait3A_164 : memref<32x128xf32, #tpu.memory_space<vmem>>)
      %run_scoped3A = arith.constant 38 : i32
      "tpu.region"() ({
        %run_scoped3A_213 = tpu.sem_alloc : memref<!tpu.dma_semaphore, #tpu.memory_space<semaphore_mem>>
        %dma_start3A_214 = arith.constant 0 : i32
        %dma_start3A_215 = tpu.memref_slice %arg7[%run_scoped3A, %dma_start3A_214] : memref<40x128xi32, #tpu.memory_space<vmem>> -> memref<1x128xi32, #tpu.memory_space<vmem>>
        %dma_start3A_216 = tpu.memref_squeeze %dma_start3A_215 : memref<1x128xi32, #tpu.memory_space<vmem>> -> memref<128xi32, #tpu.memory_space<vmem>>
        %dma_start3A_217 = arith.constant 0 : i32
        %dma_start3A_218 = arith.constant 0 : i32
        %dma_start3A_219 = tpu.memref_slice %arg10[%dma_start3A_217, %dma_start3A_218] : memref<10112x128xf32, #tpu.memory_space<vmem_shared>> -> memref<10112x128xf32, #tpu.memory_space<vmem_shared>>
        tpu.enqueue_indirect_dma source(%arg8 : memref<128x128xf32, #tpu.memory_space<vmem>>) target(%dma_start3A_219 : memref<10112x128xf32, #tpu.memory_space<vmem_shared>>) offsets(%dma_start3A_216 : memref<128xi32, #tpu.memory_space<vmem>>) semaphore(%run_scoped3A_213 : memref<!tpu.dma_semaphore, #tpu.memory_space<semaphore_mem>>) {add = true}
        %dma_wait3A_220 = arith.constant 0 : i32
        %dma_wait3A_221 = tpu.memref_slice %arg7[%run_scoped3A, %dma_wait3A_220] : memref<40x128xi32, #tpu.memory_space<vmem>> -> memref<1x128xi32, #tpu.memory_space<vmem>>
        %dma_wait3A_222 = tpu.memref_squeeze %dma_wait3A_221 : memref<1x128xi32, #tpu.memory_space<vmem>> -> memref<128xi32, #tpu.memory_space<vmem>>
        %dma_wait3A_223 = arith.constant 0 : i32
        %dma_wait3A_224 = arith.constant 0 : i32
        %dma_wait3A_225 = tpu.memref_slice %arg10[%dma_wait3A_223, %dma_wait3A_224] : memref<10112x128xf32, #tpu.memory_space<vmem_shared>> -> memref<10112x128xf32, #tpu.memory_space<vmem_shared>>
        tpu.wait_indirect_dma semaphore(%run_scoped3A_213 : memref<!tpu.dma_semaphore, #tpu.memory_space<semaphore_mem>>) src(%arg8 : memref<128x128xf32, #tpu.memory_space<vmem>>) dst(%dma_wait3A_225 : memref<10112x128xf32, #tpu.memory_space<vmem_shared>>)
        tpu.yield
      }) : () -> ()
      %dma_wait3A_171 = arith.constant 0 : i32
      %dma_wait3A_172 = arith.constant 0 : i32
      %dma_wait3A_173 = arith.constant 0 : i32
      %dma_wait3A_174 = tpu.memref_slice %arg9[%dma_wait3A_172, %dma_wait3A_173] : memref<128x128xf32, #tpu.memory_space<vmem>> -> memref<32x128xf32, #tpu.memory_space<vmem>>
      %dma_wait3A_175 = arith.constant 0 : i32
      %dma_wait3A_176 = tpu.memref_slice %arg6[%dma_wait3A_171, %dma_wait3A_175] : memref<40x128xi32, #tpu.memory_space<vmem>> -> memref<1x32xi32, #tpu.memory_space<vmem>>
      %dma_wait3A_177 = tpu.memref_squeeze %dma_wait3A_176 : memref<1x32xi32, #tpu.memory_space<vmem>> -> memref<32xi32, #tpu.memory_space<vmem>>
      %dma_wait3A_178 = arith.constant 0 : i32
      %dma_wait3A_179 = arith.constant 0 : i32
      %dma_wait3A_180 = tpu.memref_slice %arg2[%dma_wait3A_178, %dma_wait3A_179] : memref<10000x128xf32, #tpu.memory_space<hbm>> -> memref<10000x128xf32, #tpu.memory_space<hbm>>
      tpu.wait_indirect_dma semaphore(%arg12 : memref<!tpu.dma_semaphore, #tpu.memory_space<semaphore_mem>>) src(%dma_wait3A_180 : memref<10000x128xf32, #tpu.memory_space<hbm>>) dst(%dma_wait3A_174 : memref<32x128xf32, #tpu.memory_space<vmem>>)
      %dma_wait3A_181 = arith.constant 0 : i32
      %dma_wait3A_182 = arith.constant 0 : i32
      %dma_wait3A_183 = arith.constant 0 : i32
      %dma_wait3A_184 = tpu.memref_slice %arg9[%dma_wait3A_182, %dma_wait3A_183] : memref<128x128xf32, #tpu.memory_space<vmem>> -> memref<32x128xf32, #tpu.memory_space<vmem>>
      %dma_wait3A_185 = arith.constant 0 : i32
      %dma_wait3A_186 = tpu.memref_slice %arg6[%dma_wait3A_181, %dma_wait3A_185] : memref<40x128xi32, #tpu.memory_space<vmem>> -> memref<1x32xi32, #tpu.memory_space<vmem>>
      %dma_wait3A_187 = tpu.memref_squeeze %dma_wait3A_186 : memref<1x32xi32, #tpu.memory_space<vmem>> -> memref<32xi32, #tpu.memory_space<vmem>>
      %dma_wait3A_188 = arith.constant 0 : i32
      %dma_wait3A_189 = arith.constant 0 : i32
      %dma_wait3A_190 = tpu.memref_slice %arg2[%dma_wait3A_188, %dma_wait3A_189] : memref<10000x128xf32, #tpu.memory_space<hbm>> -> memref<10000x128xf32, #tpu.memory_space<hbm>>
      tpu.wait_indirect_dma semaphore(%arg12 : memref<!tpu.dma_semaphore, #tpu.memory_space<semaphore_mem>>) src(%dma_wait3A_190 : memref<10000x128xf32, #tpu.memory_space<hbm>>) dst(%dma_wait3A_184 : memref<32x128xf32, #tpu.memory_space<vmem>>)
      %dma_wait3A_191 = arith.constant 0 : i32
      %dma_wait3A_192 = arith.constant 0 : i32
      %dma_wait3A_193 = arith.constant 0 : i32
      %dma_wait3A_194 = tpu.memref_slice %arg9[%dma_wait3A_192, %dma_wait3A_193] : memref<128x128xf32, #tpu.memory_space<vmem>> -> memref<32x128xf32, #tpu.memory_space<vmem>>
      %dma_wait3A_195 = arith.constant 0 : i32
      %dma_wait3A_196 = tpu.memref_slice %arg6[%dma_wait3A_191, %dma_wait3A_195] : memref<40x128xi32, #tpu.memory_space<vmem>> -> memref<1x32xi32, #tpu.memory_space<vmem>>
      %dma_wait3A_197 = tpu.memref_squeeze %dma_wait3A_196 : memref<1x32xi32, #tpu.memory_space<vmem>> -> memref<32xi32, #tpu.memory_space<vmem>>
      %dma_wait3A_198 = arith.constant 0 : i32
      %dma_wait3A_199 = arith.constant 0 : i32
      %dma_wait3A_200 = tpu.memref_slice %arg2[%dma_wait3A_198, %dma_wait3A_199] : memref<10000x128xf32, #tpu.memory_space<hbm>> -> memref<10000x128xf32, #tpu.memory_space<hbm>>
      tpu.wait_indirect_dma semaphore(%arg12 : memref<!tpu.dma_semaphore, #tpu.memory_space<semaphore_mem>>) src(%dma_wait3A_200 : memref<10000x128xf32, #tpu.memory_space<hbm>>) dst(%dma_wait3A_194 : memref<32x128xf32, #tpu.memory_space<vmem>>)
      %dma_wait3A_201 = arith.constant 0 : i32
      %dma_wait3A_202 = arith.constant 0 : i32
      %dma_wait3A_203 = arith.constant 0 : i32
      %dma_wait3A_204 = tpu.memref_slice %arg9[%dma_wait3A_202, %dma_wait3A_203] : memref<128x128xf32, #tpu.memory_space<vmem>> -> memref<32x128xf32, #tpu.memory_space<vmem>>
      %dma_wait3A_205 = arith.constant 0 : i32
      %dma_wait3A_206 = tpu.memref_slice %arg6[%dma_wait3A_201, %dma_wait3A_205] : memref<40x128xi32, #tpu.memory_space<vmem>> -> memref<1x32xi32, #tpu.memory_space<vmem>>
      %dma_wait3A_207 = tpu.memref_squeeze %dma_wait3A_206 : memref<1x32xi32, #tpu.memory_space<vmem>> -> memref<32xi32, #tpu.memory_space<vmem>>
      %dma_wait3A_208 = arith.constant 0 : i32
      %dma_wait3A_209 = arith.constant 0 : i32
      %dma_wait3A_210 = tpu.memref_slice %arg2[%dma_wait3A_208, %dma_wait3A_209] : memref<10000x128xf32, #tpu.memory_space<hbm>> -> memref<10000x128xf32, #tpu.memory_space<hbm>>
      tpu.wait_indirect_dma semaphore(%arg12 : memref<!tpu.dma_semaphore, #tpu.memory_space<semaphore_mem>>) src(%dma_wait3A_210 : memref<10000x128xf32, #tpu.memory_space<hbm>>) dst(%dma_wait3A_204 : memref<32x128xf32, #tpu.memory_space<vmem>>)
      %run_scoped3A_211 = arith.constant 39 : i32
      "tpu.region"() ({
        %run_scoped3A_213 = tpu.sem_alloc : memref<!tpu.dma_semaphore, #tpu.memory_space<semaphore_mem>>
        %dma_start3A_214 = arith.constant 0 : i32
        %dma_start3A_215 = tpu.memref_slice %arg7[%run_scoped3A_211, %dma_start3A_214] : memref<40x128xi32, #tpu.memory_space<vmem>> -> memref<1x128xi32, #tpu.memory_space<vmem>>
        %dma_start3A_216 = tpu.memref_squeeze %dma_start3A_215 : memref<1x128xi32, #tpu.memory_space<vmem>> -> memref<128xi32, #tpu.memory_space<vmem>>
        %dma_start3A_217 = arith.constant 0 : i32
        %dma_start3A_218 = arith.constant 0 : i32
        %dma_start3A_219 = tpu.memref_slice %arg10[%dma_start3A_217, %dma_start3A_218] : memref<10112x128xf32, #tpu.memory_space<vmem_shared>> -> memref<10112x128xf32, #tpu.memory_space<vmem_shared>>
        tpu.enqueue_indirect_dma source(%arg9 : memref<128x128xf32, #tpu.memory_space<vmem>>) target(%dma_start3A_219 : memref<10112x128xf32, #tpu.memory_space<vmem_shared>>) offsets(%dma_start3A_216 : memref<128xi32, #tpu.memory_space<vmem>>) semaphore(%run_scoped3A_213 : memref<!tpu.dma_semaphore, #tpu.memory_space<semaphore_mem>>) {add = true}
        %dma_wait3A_220 = arith.constant 0 : i32
        %dma_wait3A_221 = tpu.memref_slice %arg7[%run_scoped3A_211, %dma_wait3A_220] : memref<40x128xi32, #tpu.memory_space<vmem>> -> memref<1x128xi32, #tpu.memory_space<vmem>>
        %dma_wait3A_222 = tpu.memref_squeeze %dma_wait3A_221 : memref<1x128xi32, #tpu.memory_space<vmem>> -> memref<128xi32, #tpu.memory_space<vmem>>
        %dma_wait3A_223 = arith.constant 0 : i32
        %dma_wait3A_224 = arith.constant 0 : i32
        %dma_wait3A_225 = tpu.memref_slice %arg10[%dma_wait3A_223, %dma_wait3A_224] : memref<10112x128xf32, #tpu.memory_space<vmem_shared>> -> memref<10112x128xf32, #tpu.memory_space<vmem_shared>>
        tpu.wait_indirect_dma semaphore(%run_scoped3A_213 : memref<!tpu.dma_semaphore, #tpu.memory_space<semaphore_mem>>) src(%arg9 : memref<128x128xf32, #tpu.memory_space<vmem>>) dst(%dma_wait3A_225 : memref<10112x128xf32, #tpu.memory_space<vmem_shared>>)
        tpu.yield
      }) : () -> ()
      %scan3A_212 = arith.constant 0 : i32
      scf.yield %scan3A_212 : i32
    }
    %scan3A_34 = arith.constant 2 : i32
    %barrier3A_35 = arith.constant 0 : index
    tpu.barrier barrier_id(%barrier3A_35)
    %mul3A_36 = arith.constant 632 : i32
    %mul3A_37 = arith.muli %arg1, %mul3A_36 : i32
    %mul3A_38 = arith.constant 632 : i32
    %mul3A_39 = arith.muli %arg1, %mul3A_38 : i32
    "tpu.region"() ({
      %run_scoped3A = tpu.sem_alloc : memref<!tpu.dma_semaphore, #tpu.memory_space<semaphore_mem>>
      %dma_start3A = arith.constant 0 : i32
      %dma_start3A_40 = tpu.memref_slice %arg5[%arg0, %mul3A_39, %dma_start3A] : memref<2x10112x128xf32, #tpu.memory_space<hbm>> -> memref<1x632x128xf32, #tpu.memory_space<hbm>>
      %dma_start3A_41 = tpu.memref_squeeze %dma_start3A_40 : memref<1x632x128xf32, #tpu.memory_space<hbm>> -> memref<632x128xf32, #tpu.memory_space<hbm>>
      %dma_start3A_42 = arith.constant 0 : i32
      %dma_start3A_43 = tpu.memref_slice %arg10[%mul3A_37, %dma_start3A_42] : memref<10112x128xf32, #tpu.memory_space<vmem_shared>> -> memref<632x128xf32, #tpu.memory_space<vmem_shared>>
      tpu.enqueue_dma source(%dma_start3A_43 : memref<632x128xf32, #tpu.memory_space<vmem_shared>>) target(%dma_start3A_41 : memref<632x128xf32, #tpu.memory_space<hbm>>) target_semaphore(%run_scoped3A : memref<!tpu.dma_semaphore, #tpu.memory_space<semaphore_mem>>)
      %dma_wait3A = arith.constant 0 : i32
      %dma_wait3A_44 = tpu.memref_slice %arg5[%arg0, %mul3A_39, %dma_wait3A] : memref<2x10112x128xf32, #tpu.memory_space<hbm>> -> memref<1x632x128xf32, #tpu.memory_space<hbm>>
      %dma_wait3A_45 = tpu.memref_squeeze %dma_wait3A_44 : memref<1x632x128xf32, #tpu.memory_space<hbm>> -> memref<632x128xf32, #tpu.memory_space<hbm>>
      %dma_wait3A_46 = arith.constant 0 : i32
      %dma_wait3A_47 = tpu.memref_slice %arg10[%mul3A_37, %dma_wait3A_46] : memref<10112x128xf32, #tpu.memory_space<vmem_shared>> -> memref<632x128xf32, #tpu.memory_space<vmem_shared>>
      tpu.wait_dma2 semaphore(%run_scoped3A : memref<!tpu.dma_semaphore, #tpu.memory_space<semaphore_mem>>) src(%dma_wait3A_47 : memref<632x128xf32, #tpu.memory_space<vmem_shared>>) dst(%dma_wait3A_45 : memref<632x128xf32, #tpu.memory_space<hbm>>)
      tpu.yield
    }) : () -> ()
    return
  }
}

module attributes {stable_mosaic.version = 14 : i64} {
  func.func @_proj2_body(%arg0: i32, %arg1: memref<632x128xf32, #tpu.memory_space<vmem>>, %arg2: memref<128x128xf32, #tpu.memory_space<vmem>>, %arg3: memref<128x128xf32, #tpu.memory_space<vmem>>, %arg4: memref<632x128xf32, #tpu.memory_space<vmem>>, %arg5: memref<632x128xf32, #tpu.memory_space<vmem>>) attributes {dimension_semantics = [#tpu.dimension_semantics<arbitrary>], iteration_bounds = array<i64: 16>, scalar_prefetch = 0 : i64, scratch_operands = 0 : i64, tpu.core_type = #tpu.core_type<tc>, window_params = [{transform_indices = @transform_0, window_bounds = array<i64: 632, 128>}, {pipeline_mode = #tpu.pipeline_mode<synchronous>, transform_indices = @transform_1, window_bounds = array<i64: 128, 128>}, {pipeline_mode = #tpu.pipeline_mode<synchronous>, transform_indices = @transform_2, window_bounds = array<i64: 128, 128>}, {transform_indices = @transform_3, window_bounds = array<i64: 632, 128>}, {transform_indices = @transform_4, window_bounds = array<i64: 632, 128>}]} {
    %get3A = arith.constant 0 : index
    %get3A_0 = arith.constant 0 : index
    %get3A_1 = vector.load %arg1[%get3A, %get3A_0] : memref<632x128xf32, #tpu.memory_space<vmem>>, vector<632x128xf32>
    %get3A_2 = arith.constant 0 : index
    %get3A_3 = arith.constant 0 : index
    %get3A_4 = vector.load %arg2[%get3A_2, %get3A_3] : memref<128x128xf32, #tpu.memory_space<vmem>>, vector<128x128xf32>
    %dot_general3A = arith.constant dense<0.000000e+00> : vector<632x128xf32>
    %dot_general3A_5 = tpu.matmul %get3A_1, %get3A_4, %dot_general3A {dimension_numbers = #tpu.dot_dimension_numbers<[1], [0], [0], [1], [0, 0, 1, 1], [], []>, transpose_lhs_hint = false} : vector<632x128xf32>, vector<128x128xf32>, vector<632x128xf32> -> vector<632x128xf32>
    %swap3A = arith.constant 0 : index
    %swap3A_6 = arith.constant 0 : index
    %swap3A_7 = vector.load %arg4[%swap3A, %swap3A_6] : memref<632x128xf32, #tpu.memory_space<vmem>>, vector<632x128xf32>
    tpu.vector_store %arg4[%swap3A, %swap3A_6], %dot_general3A_5 {strides = array<i32>} : memref<632x128xf32, #tpu.memory_space<vmem>>, vector<632x128xf32>,
    %get3A_8 = arith.constant 0 : index
    %get3A_9 = arith.constant 0 : index
    %get3A_10 = vector.load %arg3[%get3A_8, %get3A_9] : memref<128x128xf32, #tpu.memory_space<vmem>>, vector<128x128xf32>
    %dot_general3A_11 = arith.constant dense<0.000000e+00> : vector<632x128xf32>
    %dot_general3A_12 = tpu.matmul %get3A_1, %get3A_10, %dot_general3A_11 {dimension_numbers = #tpu.dot_dimension_numbers<[1], [0], [0], [1], [0, 0, 1, 1], [], []>, transpose_lhs_hint = false} : vector<632x128xf32>, vector<128x128xf32>, vector<632x128xf32> -> vector<632x128xf32>
    %swap3A_13 = arith.constant 0 : index
    %swap3A_14 = arith.constant 0 : index
    %swap3A_15 = vector.load %arg5[%swap3A_13, %swap3A_14] : memref<632x128xf32, #tpu.memory_space<vmem>>, vector<632x128xf32>
    tpu.vector_store %arg5[%swap3A_13, %swap3A_14], %dot_general3A_12 {strides = array<i32>} : memref<632x128xf32, #tpu.memory_space<vmem>>, vector<632x128xf32>,
    return
  }
  func.func @transform_0(%arg0: i32) -> (i32, i32) {
    %c0_i32 = arith.constant 0 : i32
    %c0_i32_0 = arith.constant 0 : i32
    return %arg0, %c0_i32 : i32, i32
  }
  func.func @transform_1(%arg0: i32) -> (i32, i32) {
    %c0_i32 = arith.constant 0 : i32
    %c0_i32_0 = arith.constant 0 : i32
    %c0_i32_1 = arith.constant 0 : i32
    return %c0_i32, %c0_i32_0 : i32, i32
  }
  func.func @transform_2(%arg0: i32) -> (i32, i32) {
    %c0_i32 = arith.constant 0 : i32
    %c0_i32_0 = arith.constant 0 : i32
    %c0_i32_1 = arith.constant 0 : i32
    return %c0_i32, %c0_i32_0 : i32, i32
  }
  func.func @transform_3(%arg0: i32) -> (i32, i32) {
    %c0_i32 = arith.constant 0 : i32
    %c0_i32_0 = arith.constant 0 : i32
    return %arg0, %c0_i32 : i32, i32
  }
  func.func @transform_4(%arg0: i32) -> (i32, i32) {
    %c0_i32 = arith.constant 0 : i32
    %c0_i32_0 = arith.constant 0 : i32
    return %arg0, %c0_i32 : i32, i32
  }
}

module attributes {stable_mosaic.version = 14 : i64} {
  func.func @_mid_body(%arg0: i32, %arg1: memref<632x128xf32, #tpu.memory_space<vmem>>, %arg2: memref<2x632x128xf32, #tpu.memory_space<vmem>>, %arg3: memref<2x1x1x632xf32, #tpu.memory_space<vmem>>, %arg4: memref<1x128xf32, #tpu.memory_space<vmem>>, %arg5: memref<128x128xf32, #tpu.memory_space<vmem>>, %arg6: memref<128x128xf32, #tpu.memory_space<vmem>>, %arg7: memref<632x128xf32, #tpu.memory_space<vmem>>, %arg8: memref<632x128xf32, #tpu.memory_space<vmem>>) attributes {dimension_semantics = [#tpu.dimension_semantics<arbitrary>], iteration_bounds = array<i64: 16>, scalar_prefetch = 0 : i64, scratch_operands = 0 : i64, tpu.core_type = #tpu.core_type<tc>, window_params = [{transform_indices = @transform_0, window_bounds = array<i64: 632, 128>}, {transform_indices = @transform_1, window_bounds = array<i64: 2, 632, 128>}, {transform_indices = @transform_2, window_bounds = array<i64: 2, 1, 1, 632>}, {pipeline_mode = #tpu.pipeline_mode<synchronous>, transform_indices = @transform_3, window_bounds = array<i64: 1, 128>}, {pipeline_mode = #tpu.pipeline_mode<synchronous>, transform_indices = @transform_4, window_bounds = array<i64: 128, 128>}, {pipeline_mode = #tpu.pipeline_mode<synchronous>, transform_indices = @transform_5, window_bounds = array<i64: 128, 128>}, {transform_indices = @transform_6, window_bounds = array<i64: 632, 128>}, {transform_indices = @transform_7, window_bounds = array<i64: 632, 128>}]} {
    %get3A = arith.constant 0 : index
    %get3A_0 = arith.constant 0 : index
    %get3A_1 = arith.constant 0 : index
    %get3A_2 = arith.constant 0 : index
    %get3A_3 = vector.load %arg3[%get3A, %get3A_0, %get3A_1, %get3A_2] : memref<2x1x1x632xf32, #tpu.memory_space<vmem>>, vector<1x1x1x632xf32>
    %get3A_4 = vector.shape_cast %get3A_3 : vector<1x1x1x632xf32> to vector<632xf32>
    %get3A_5 = arith.constant 1 : index
    %get3A_6 = arith.constant 0 : index
    %get3A_7 = arith.constant 0 : index
    %get3A_8 = arith.constant 0 : index
    %get3A_9 = vector.load %arg3[%get3A_5, %get3A_6, %get3A_7, %get3A_8] : memref<2x1x1x632xf32, #tpu.memory_space<vmem>>, vector<1x1x1x632xf32>
    %get3A_10 = vector.shape_cast %get3A_9 : vector<1x1x1x632xf32> to vector<632xf32>
    %add3A = arith.addf %get3A_4, %get3A_10 : vector<632xf32>
    %max3A = arith.constant 1.000000e+00 : f32
    %max3A_11 = vector.broadcast %max3A : f32 to vector<632xf32>
    %max3A_12 = arith.maximumf %add3A, %max3A_11 : vector<632xf32>
    %div3A = arith.constant 1.000000e+00 : f32
    %div3A_13 = vector.broadcast %div3A : f32 to vector<632xf32>
    %div3A_14 = arith.divf %div3A_13, %max3A_12 : vector<632xf32>
    %get3A_15 = arith.constant 0 : index
    %get3A_16 = arith.constant 0 : index
    %get3A_17 = arith.constant 0 : index
    %get3A_18 = vector.load %arg2[%get3A_15, %get3A_16, %get3A_17] : memref<2x632x128xf32, #tpu.memory_space<vmem>>, vector<1x632x128xf32>
    %get3A_19 = vector.shape_cast %get3A_18 : vector<1x632x128xf32> to vector<632x128xf32>
    %get3A_20 = arith.constant 1 : index
    %get3A_21 = arith.constant 0 : index
    %get3A_22 = arith.constant 0 : index
    %get3A_23 = vector.load %arg2[%get3A_20, %get3A_21, %get3A_22] : memref<2x632x128xf32, #tpu.memory_space<vmem>>, vector<1x632x128xf32>
    %get3A_24 = vector.shape_cast %get3A_23 : vector<1x632x128xf32> to vector<632x128xf32>
    %add3A_25 = arith.addf %get3A_19, %get3A_24 : vector<632x128xf32>
    %broadcast_in_dim3A = vector.shape_cast %div3A_14 : vector<632xf32> to vector<632x1xf32>
    %mul3A = vector.broadcast %broadcast_in_dim3A : vector<632x1xf32> to vector<632x128xf32>
    %mul3A_26 = arith.mulf %add3A_25, %mul3A : vector<632x128xf32>
    %get3A_27 = arith.constant 0 : index
    %get3A_28 = arith.constant 0 : index
    %get3A_29 = vector.load %arg1[%get3A_27, %get3A_28] : memref<632x128xf32, #tpu.memory_space<vmem>>, vector<632x128xf32>
    %add3A_30 = arith.addf %get3A_29, %mul3A_26 : vector<632x128xf32>
    %get3A_31 = arith.constant 0 : index
    %get3A_32 = arith.constant 0 : index
    %get3A_33 = vector.load %arg4[%get3A_31, %get3A_32] : memref<1x128xf32, #tpu.memory_space<vmem>>, vector<1x128xf32>
    %add3A_34 = vector.broadcast %get3A_33 : vector<1x128xf32> to vector<632x128xf32>
    %add3A_35 = arith.addf %add3A_30, %add3A_34 : vector<632x128xf32>
    %max3A_36 = arith.constant 0.000000e+00 : f32
    %max3A_37 = vector.broadcast %max3A_36 : f32 to vector<632x128xf32>
    %max3A_38 = arith.maximumf %add3A_35, %max3A_37 : vector<632x128xf32>
    %get3A_39 = arith.constant 0 : index
    %get3A_40 = arith.constant 0 : index
    %get3A_41 = vector.load %arg5[%get3A_39, %get3A_40] : memref<128x128xf32, #tpu.memory_space<vmem>>, vector<128x128xf32>
    %dot_general3A = arith.constant dense<0.000000e+00> : vector<632x128xf32>
    %dot_general3A_42 = tpu.matmul %max3A_38, %get3A_41, %dot_general3A {dimension_numbers = #tpu.dot_dimension_numbers<[1], [0], [0], [1], [0, 0, 1, 1], [], []>, transpose_lhs_hint = false} : vector<632x128xf32>, vector<128x128xf32>, vector<632x128xf32> -> vector<632x128xf32>
    %swap3A = arith.constant 0 : index
    %swap3A_43 = arith.constant 0 : index
    %swap3A_44 = vector.load %arg7[%swap3A, %swap3A_43] : memref<632x128xf32, #tpu.memory_space<vmem>>, vector<632x128xf32>
    tpu.vector_store %arg7[%swap3A, %swap3A_43], %dot_general3A_42 {strides = array<i32>} : memref<632x128xf32, #tpu.memory_space<vmem>>, vector<632x128xf32>,
    %get3A_45 = arith.constant 0 : index
    %get3A_46 = arith.constant 0 : index
    %get3A_47 = vector.load %arg6[%get3A_45, %get3A_46] : memref<128x128xf32, #tpu.memory_space<vmem>>, vector<128x128xf32>
    %dot_general3A_48 = arith.constant dense<0.000000e+00> : vector<632x128xf32>
    %dot_general3A_49 = tpu.matmul %max3A_38, %get3A_47, %dot_general3A_48 {dimension_numbers = #tpu.dot_dimension_numbers<[1], [0], [0], [1], [0, 0, 1, 1], [], []>, transpose_lhs_hint = false} : vector<632x128xf32>, vector<128x128xf32>, vector<632x128xf32> -> vector<632x128xf32>
    %swap3A_50 = arith.constant 0 : index
    %swap3A_51 = arith.constant 0 : index
    %swap3A_52 = vector.load %arg8[%swap3A_50, %swap3A_51] : memref<632x128xf32, #tpu.memory_space<vmem>>, vector<632x128xf32>
    tpu.vector_store %arg8[%swap3A_50, %swap3A_51], %dot_general3A_49 {strides = array<i32>} : memref<632x128xf32, #tpu.memory_space<vmem>>, vector<632x128xf32>,
    return
  }
  func.func @transform_0(%arg0: i32) -> (i32, i32) {
    %c0_i32 = arith.constant 0 : i32
    %c0_i32_0 = arith.constant 0 : i32
    return %arg0, %c0_i32 : i32, i32
  }
  func.func @transform_1(%arg0: i32) -> (i32, i32, i32) {
    %c0_i32 = arith.constant 0 : i32
    %c0_i32_0 = arith.constant 0 : i32
    %c0_i32_1 = arith.constant 0 : i32
    return %c0_i32, %arg0, %c0_i32_0 : i32, i32, i32
  }
  func.func @transform_2(%arg0: i32) -> (i32, i32, i32, i32) {
    %c0_i32 = arith.constant 0 : i32
    %c0_i32_0 = arith.constant 0 : i32
    %c0_i32_1 = arith.constant 0 : i32
    %c0_i32_2 = arith.constant 0 : i32
    return %c0_i32, %arg0, %c0_i32_0, %c0_i32_1 : i32, i32, i32, i32
  }
  func.func @transform_3(%arg0: i32) -> (i32, i32) {
    %c0_i32 = arith.constant 0 : i32
    %c0_i32_0 = arith.constant 0 : i32
    %c0_i32_1 = arith.constant 0 : i32
    return %c0_i32, %c0_i32_0 : i32, i32
  }
  func.func @transform_4(%arg0: i32) -> (i32, i32) {
    %c0_i32 = arith.constant 0 : i32
    %c0_i32_0 = arith.constant 0 : i32
    %c0_i32_1 = arith.constant 0 : i32
    return %c0_i32, %c0_i32_0 : i32, i32
  }
  func.func @transform_5(%arg0: i32) -> (i32, i32) {
    %c0_i32 = arith.constant 0 : i32
    %c0_i32_0 = arith.constant 0 : i32
    %c0_i32_1 = arith.constant 0 : i32
    return %c0_i32, %c0_i32_0 : i32, i32
  }
  func.func @transform_6(%arg0: i32) -> (i32, i32) {
    %c0_i32 = arith.constant 0 : i32
    %c0_i32_0 = arith.constant 0 : i32
    return %arg0, %c0_i32 : i32, i32
  }
  func.func @transform_7(%arg0: i32) -> (i32, i32) {
    %c0_i32 = arith.constant 0 : i32
    %c0_i32_0 = arith.constant 0 : i32
    return %arg0, %c0_i32 : i32, i32
  }
}

module attributes {stable_mosaic.version = 14 : i64} {
  func.func @_fin_body(%arg0: i32, %arg1: memref<632x128xf32, #tpu.memory_space<vmem>>, %arg2: memref<2x632x128xf32, #tpu.memory_space<vmem>>, %arg3: memref<2x1x1x632xf32, #tpu.memory_space<vmem>>, %arg4: memref<1x128xf32, #tpu.memory_space<vmem>>, %arg5: memref<632x128xf32, #tpu.memory_space<vmem>>) attributes {dimension_semantics = [#tpu.dimension_semantics<arbitrary>], iteration_bounds = array<i64: 16>, scalar_prefetch = 0 : i64, scratch_operands = 0 : i64, tpu.core_type = #tpu.core_type<tc>, window_params = [{transform_indices = @transform_0, window_bounds = array<i64: 632, 128>}, {transform_indices = @transform_1, window_bounds = array<i64: 2, 632, 128>}, {transform_indices = @transform_2, window_bounds = array<i64: 2, 1, 1, 632>}, {pipeline_mode = #tpu.pipeline_mode<synchronous>, transform_indices = @transform_3, window_bounds = array<i64: 1, 128>}, {transform_indices = @transform_4, window_bounds = array<i64: 632, 128>}]} {
    %get3A = arith.constant 0 : index
    %get3A_0 = arith.constant 0 : index
    %get3A_1 = arith.constant 0 : index
    %get3A_2 = arith.constant 0 : index
    %get3A_3 = vector.load %arg3[%get3A, %get3A_0, %get3A_1, %get3A_2] : memref<2x1x1x632xf32, #tpu.memory_space<vmem>>, vector<1x1x1x632xf32>
    %get3A_4 = vector.shape_cast %get3A_3 : vector<1x1x1x632xf32> to vector<632xf32>
    %get3A_5 = arith.constant 1 : index
    %get3A_6 = arith.constant 0 : index
    %get3A_7 = arith.constant 0 : index
    %get3A_8 = arith.constant 0 : index
    %get3A_9 = vector.load %arg3[%get3A_5, %get3A_6, %get3A_7, %get3A_8] : memref<2x1x1x632xf32, #tpu.memory_space<vmem>>, vector<1x1x1x632xf32>
    %get3A_10 = vector.shape_cast %get3A_9 : vector<1x1x1x632xf32> to vector<632xf32>
    %add3A = arith.addf %get3A_4, %get3A_10 : vector<632xf32>
    %max3A = arith.constant 1.000000e+00 : f32
    %max3A_11 = vector.broadcast %max3A : f32 to vector<632xf32>
    %max3A_12 = arith.maximumf %add3A, %max3A_11 : vector<632xf32>
    %div3A = arith.constant 1.000000e+00 : f32
    %div3A_13 = vector.broadcast %div3A : f32 to vector<632xf32>
    %div3A_14 = arith.divf %div3A_13, %max3A_12 : vector<632xf32>
    %get3A_15 = arith.constant 0 : index
    %get3A_16 = arith.constant 0 : index
    %get3A_17 = vector.load %arg1[%get3A_15, %get3A_16] : memref<632x128xf32, #tpu.memory_space<vmem>>, vector<632x128xf32>
    %get3A_18 = arith.constant 0 : index
    %get3A_19 = arith.constant 0 : index
    %get3A_20 = arith.constant 0 : index
    %get3A_21 = vector.load %arg2[%get3A_18, %get3A_19, %get3A_20] : memref<2x632x128xf32, #tpu.memory_space<vmem>>, vector<1x632x128xf32>
    %get3A_22 = vector.shape_cast %get3A_21 : vector<1x632x128xf32> to vector<632x128xf32>
    %get3A_23 = arith.constant 1 : index
    %get3A_24 = arith.constant 0 : index
    %get3A_25 = arith.constant 0 : index
    %get3A_26 = vector.load %arg2[%get3A_23, %get3A_24, %get3A_25] : memref<2x632x128xf32, #tpu.memory_space<vmem>>, vector<1x632x128xf32>
    %get3A_27 = vector.shape_cast %get3A_26 : vector<1x632x128xf32> to vector<632x128xf32>
    %add3A_28 = arith.addf %get3A_22, %get3A_27 : vector<632x128xf32>
    %broadcast_in_dim3A = vector.shape_cast %div3A_14 : vector<632xf32> to vector<632x1xf32>
    %mul3A = vector.broadcast %broadcast_in_dim3A : vector<632x1xf32> to vector<632x128xf32>
    %mul3A_29 = arith.mulf %add3A_28, %mul3A : vector<632x128xf32>
    %add3A_30 = arith.addf %get3A_17, %mul3A_29 : vector<632x128xf32>
    %get3A_31 = arith.constant 0 : index
    %get3A_32 = arith.constant 0 : index
    %get3A_33 = vector.load %arg4[%get3A_31, %get3A_32] : memref<1x128xf32, #tpu.memory_space<vmem>>, vector<1x128xf32>
    %add3A_34 = vector.broadcast %get3A_33 : vector<1x128xf32> to vector<632x128xf32>
    %add3A_35 = arith.addf %add3A_30, %add3A_34 : vector<632x128xf32>
    %swap3A = arith.constant 0 : index
    %swap3A_36 = arith.constant 0 : index
    %swap3A_37 = vector.load %arg5[%swap3A, %swap3A_36] : memref<632x128xf32, #tpu.memory_space<vmem>>, vector<632x128xf32>
    tpu.vector_store %arg5[%swap3A, %swap3A_36], %add3A_35 {strides = array<i32>} : memref<632x128xf32, #tpu.memory_space<vmem>>, vector<632x128xf32>,
    return
  }
  func.func @transform_0(%arg0: i32) -> (i32, i32) {
    %c0_i32 = arith.constant 0 : i32
    %c0_i32_0 = arith.constant 0 : i32
    return %arg0, %c0_i32 : i32, i32
  }
  func.func @transform_1(%arg0: i32) -> (i32, i32, i32) {
    %c0_i32 = arith.constant 0 : i32
    %c0_i32_0 = arith.constant 0 : i32
    %c0_i32_1 = arith.constant 0 : i32
    return %c0_i32, %arg0, %c0_i32_0 : i32, i32, i32
  }
  func.func @transform_2(%arg0: i32) -> (i32, i32, i32, i32) {
    %c0_i32 = arith.constant 0 : i32
    %c0_i32_0 = arith.constant 0 : i32
    %c0_i32_1 = arith.constant 0 : i32
    %c0_i32_2 = arith.constant 0 : i32
    return %c0_i32, %arg0, %c0_i32_0, %c0_i32_1 : i32, i32, i32, i32
  }
  func.func @transform_3(%arg0: i32) -> (i32, i32) {
    %c0_i32 = arith.constant 0 : i32
    %c0_i32_0 = arith.constant 0 : i32
    %c0_i32_1 = arith.constant 0 : i32
    return %c0_i32, %c0_i32_0 : i32, i32
  }
  func.func @transform_4(%arg0: i32) -> (i32, i32) {
    %c0_i32 = arith.constant 0 : i32
    %c0_i32_0 = arith.constant 0 : i32
    return %arg0, %c0_i32 : i32, i32
  }
}

</mosaic_0001>

<sc_bundles>
// kernel: kernel.10.cloned.1.call-start
scs
__scs_entry_jumppad:
0x0: {  	(pc) =	sbr.rel $0x88, $3  }
0x1: {  	(tag) =	ssettag $0x0;
	lr =	simm.s32 $0x1  }
0x2: {  	[smem:$0x3F99] =	sst lr;
	_ =	strace $0xD0000000  }
0x3: {  	_ = 	snop  }
0x4: {  	_ = 	snop  }
0x5: {  	_ = 	snop  }
0x6: {  	_ = 	snop  }
0x7: {  	_ = 	snop  }
__scs_overlays_trampoline_lowered:
0x8: {  	[smem:$0x3FA8] =	sst s0  }
0x9: {  	[smem:$0x3FA9] =	sst s1  }
0xa: {  	[smem:$0x3FAA] =	sst s2  }
0xb: {  	[smem:$0x3FAB] =	sst s3  }
0xc: {  	[smem:$0x3FAC] =	sst s4  }
0xd: {  	[smem:$0x3FAD] =	sst s5  }
0xe: {  	[smem:$0x3FAE] =	sst s6  }
0xf: {  	[smem:$0x3FAF] =	sst s7  }
0x10: {  	[smem:$0x3FB0] =	sst s8  }
0x11: {  	[smem:$0x3FB1] =	sst s9;
	s0 =	simm.s32 @!p0 $0x0  }
0x12: {  	s1 =	sld [smem:$0x3F97];
	s0 =	simm.s32 @p0 $0x1  }
0x13: {  	[smem:$0x3FB2] =	sst s0;
	s0 =	simm.s32 @!p1 $0x0  }
0x14: {  	s2 =	sld [smem:$0x3F96];
	s0 =	simm.s32 @p1 $0x1  }
0x15: {  	[smem:$0x3FB3] =	sst s0;
	s0 =	simm.s32 @!p2 $0x0  }
0x16: {  	s3 =	sld [smem:$0x3FDB];
	s0 =	simm.s32 @p2 $0x1  }
0x17: {  	s4 =	simm.s32 $0x1BF5;
	[smem:$0x3FB5] =	sst s0  }
0x18: {  	s0 =	sld [smem:$0x3F98];
	_ =	swait.ge [sflag:s4], $0x0  }
0x19: {  	s7 =	sld [smem:$0x3F99]  }
0x1a: {  	s8 =	sadd.s32 $0xFFFFE003, lr  }
0x1b: {  	s9 =	sadd.s32 $0xFFFFFEF7, lr;
	s5 =	simm.s32 $0xFFFFFFFF;
	p2 =	slt.u32 s8, $0xFFFFF086  }
0x1c: {  	p1 =	slt.u32 s9, $0xF7A;
	s5 =	simm.s32 @!p2 $0x0  }
0x1d: {  	s5 =	simm.s32 @p1 $0x1;
	p0 =	seq.s32 s7, s2  }
0x1e: {  	s7 =	smul.u32 @!p0 $0xF7A, s2;
	p2 =	seq.s32 @!p0 s5, $0x0  }
0x1f: {  	s9 =	smul.u32 $0xF7A, s1;
	s8 =	simm.s32 @!p0 $0x1BF5;
	p2 =	por !p2, p0  }
0x20: {  	[sflag:s8] =	ssyncset.s32 @!p0 $0xFFFFF086;
	s6 =	sadd.s32 @!p0 s3, s7;
	s7 =	simm.s32 @!p0 $0x108  }
0x21: {  	s3 =	sadd.s32 s3, s9;
	s6 =	sadd.s32 @!p0 $0x88, s6;
	s7 =	simm.s32 @p2 $0x1082  }
0x22: {  	[simem:s7], [sflag:s8] =	dma.local @!p0 [hbm:s6], $0xF7A  }
0x23: {  	s9 =	sor.u32 $0xD0000000, s2;
	s6 =	simm.s32 $0x108;
	_ =	swait.ge @!p0 [sflag:s8], $0x0  }
0x24: {  	s3 =	sadd.s32 $0x88, s3;
	s6 =	simm.s32 @!p1 $0x1082;
	[sflag:s4] =	ssyncset.s32 $0xFFFFF086  }
0x25: {  	[simem:s6], [sflag:s4] =	dma.local [hbm:s3], $0xF7A  }
0x26: {  	[smem:$0x3F99] =	sst s1;
	(tag) =	ssettag s2;
	_ =	strace s9  }
0x27: {  	s1 =	sld [smem:$0x3FA9]  }
0x28: {  	s2 =	sld [smem:$0x3FAA]  }
0x29: {  	s4 =	sld [smem:$0x3FAC]  }
0x2a: {  	p0 =	seq.s32 s5, $0x0;
	s5 =	sld [smem:$0x3FAD]  }
0x2b: {  	s6 =	sld [smem:$0x3FAE]  }
0x2c: {  	s7 =	sld [smem:$0x3FAF]  }
0x2d: {  	s3 =	simm.s32 $0x108;
	s8 =	sld [smem:$0x3FB0]  }
0x2e: {  	s3 =	simm.s32 @!p0 $0x1082;
	s9 =	sld [smem:$0x3FB1]  }
0x2f: {  	lr =	sadd.s32 s0, s3;
	s0 =	sld [smem:$0x3FA8]  }
0x30: {  	s3 =	sld [smem:$0x3FAB]  }
0x31: {  	[smem:$0x3FB4] =	sst s10  }
0x32: {  	s10 =	sld [smem:$0x3FB2];
	_ =	sdelay $0x3  }
0x33: {  	p0 =	seq.s32 s10, $0x1;
	s10 =	sld [smem:$0x3FB4];
	_ =	sdelay $0x3  }
0x34: {  	[smem:$0x3FB4] =	sst s10  }
0x35: {  	s10 =	sld [smem:$0x3FB3];
	_ =	sdelay $0x3  }
0x36: {  	p1 =	seq.s32 s10, $0x1;
	s10 =	sld [smem:$0x3FB4];
	_ =	sdelay $0x3  }
0x37: {  	[smem:$0x3FB4] =	sst s10  }
0x38: {  	s10 =	sld [smem:$0x3FB5]  }
0x39: {  	_ = 	snop;
	(pc) =	sbr.ind lr, $3  }
0x3a: {  	_ = 	snop  }
0x3b: {  	_ = 	snop  }
0x3c: {  	p2 =	seq.s32 s10, $0x1;
	s10 =	sld [smem:$0x3FB4]  }
0x3d: {  	_ =	shalt  }
0x3e: {  	_ =	shalt  }
0x3f: {  	_ =	shalt  }
0x40: {  	_ =	shalt  }
0x41: {  	_ =	shalt  }
0x42: {  	_ =	shalt  }
0x43: {  	_ =	shalt  }
0x44: {  	_ =	shalt  }
0x45: {  	_ =	shalt  }
0x46: {  	_ =	shalt  }
0x47: {  	_ =	shalt  }
0x48: {  	_ =	shalt  }
0x49: {  	_ =	shalt  }
0x4a: {  	_ =	shalt  }
0x4b: {  	_ =	shalt  }
0x4c: {  	_ =	shalt  }
0x4d: {  	_ =	shalt  }
0x4e: {  	_ =	shalt  }
0x4f: {  	_ =	shalt  }
0x50: {  	_ =	shalt  }
0x51: {  	_ =	shalt  }
0x52: {  	_ =	shalt  }
0x53: {  	_ =	shalt  }
0x54: {  	_ =	shalt  }
0x55: {  	_ =	shalt  }
0x56: {  	_ =	shalt  }
0x57: {  	_ =	shalt  }
0x58: {  	_ =	shalt  }
0x59: {  	_ =	shalt  }
0x5a: {  	_ =	shalt  }
0x5b: {  	_ =	shalt  }
0x5c: {  	_ =	shalt  }
0x5d: {  	_ =	shalt  }
0x5e: {  	_ =	shalt  }
0x5f: {  	_ =	shalt  }
0x60: {  	_ =	shalt  }
0x61: {  	_ =	shalt  }
0x62: {  	_ =	shalt  }
0x63: {  	_ =	shalt  }
0x64: {  	_ =	shalt  }
0x65: {  	_ =	shalt  }
0x66: {  	_ =	shalt  }
0x67: {  	_ =	shalt  }
0x68: {  	_ =	shalt  }
0x69: {  	_ =	shalt  }
0x6a: {  	_ =	shalt  }
0x6b: {  	_ =	shalt  }
0x6c: {  	_ =	shalt  }
0x6d: {  	_ =	shalt  }
0x6e: {  	_ =	shalt  }
0x6f: {  	_ =	shalt  }
0x70: {  	_ =	shalt  }
0x71: {  	_ =	shalt  }
0x72: {  	_ =	shalt  }
0x73: {  	_ =	shalt  }
0x74: {  	_ =	shalt  }
0x75: {  	_ =	shalt  }
0x76: {  	_ =	shalt  }
0x77: {  	_ =	shalt  }
0x78: {  	_ =	shalt  }
0x79: {  	_ =	shalt  }
0x7a: {  	_ =	shalt  }
0x7b: {  	_ =	shalt  }
0x7c: {  	_ =	shalt  }
0x7d: {  	_ =	shalt  }
0x7e: {  	_ =	shalt  }
0x7f: {  	_ =	shalt  }
0x80: {  	_ =	shalt  }
0x81: {  	_ =	shalt  }
0x82: {  	_ =	shalt  }
0x83: {  	_ =	shalt  }
0x84: {  	_ =	shalt  }
0x85: {  	_ =	shalt  }
0x86: {  	_ =	shalt  }
0x87: {  	_ =	shalt  }
.Lfunc_end0:
.L_simem_size_0:
called_computation.1_lowered:
.L_overlay_start_0:
0x88: {  	s2 =	sld [smem:$0x3FD9]  }
0x89: {  	s3 =	sld [smem:$0x3FFE];
	_ =	sdelay $0x1  }
0x8a: {  	s1 =	srdreg.scid  }
0x8b: {  	s0 =	sand.u32 $0x1, s1  }
0x8c: {  	s17 =	sshll.u32 s0, $0xA;
	s2 =	sadd.s32 s3, s2  }
0x8d: {  	s2 =	sadd.s32 s2, s17  }
0x8e: {  	[smem:$0x3FC0] =	sst s2  }
0x8f: {  	_ = 	snop  }
0x90: {  	s2 =	sld [smem:$0x3FD0];
	(tm) =	ssettm $0x1  }
0x91: {  	s18 =	sld [smem:$0x3FFB];
	_ =	sdelay $0x3  }
0x92: {  	_ =	strace s18  }
0x93: {  	s3 =	sld [smem:$0x3FFC];
	_ =	sdelay $0x3  }
0x94: {  	_ =	strace s3  }
0x95: {  	s3 =	sld [smem:$0x3FFD];
	_ =	sdelay $0x3  }
0x96: {  	_ =	strace s3  }
0x97: {  	_ =	strace $0x8FFFFFFF  }
0x98: {  	s19 =	sld [smem:$0x3FDB];
	_ =	sdelay $0x1  }
0x99: {  	s4 =	simm.s32 $_scs_section_size  }
0x9a: {  	s5 =	simm.s32 $_size__tile_overlayer_lowered;
	s6 =	simm.s32 $_tile_overlayer_lowered  }
0x9b: {  	s22 =	simm.s32 $0x1BFF;
	s21 =	sshll.u32 s6, $0x1;
	s3 =	sadd.s32 s4, s19  }
0x9c: {  	s7 =	simm.s32 $0x0;
	s20 =	sshll.u32 s5, $0x1;
	s5 =	sadd.s32 s21, s3  }
0x9d: {  	[timem:s7], [sflag:s22] =	dma.local [hbm:s5], s20  }
0x9e: {  	_ =	swait.ge [sflag:s22], s20  }
0x9f: {  	s4 =	ssub.s32 $0x0, s20;
	[sflag:s22] =	ssyncset.done $0x0  }
0xa0: {  	[sflag:s22] =	ssyncadd.s32 s4;
	_ =	sdelay $0x1  }
0xa1: {  	s23 =	simm.s32 $0x1B8B  }
0xa2: {  	_ =	swait.ge [sflag:s23], $0x1  }
0xa3: {  	[sflag:s23] =	ssyncset.done $0x0  }
0xa4: {  	s25 =	simm.s32 $0x1B8E;
	s24 =	sld [smem:$0x3FFE];
	[sflag:s23] =	ssyncadd.s32 $0xFFFFFFFF  }
0xa5: {  	s26 =	simm.s32 $execute0_lowered;
	[smem:$0x3FD2] =	sst s25  }
0xa6: {  	s5 =	sshll.u32 s26, $0x1;
	_ =	strace $0x80000049;
	[dreg:$0x1] =	wrdreg $0xFFFFFFFF  }
0xa7: {  	s28 =	simm.s32 $_size_execute0_lowered;
	s3 =	sadd.s32 s3, s5;
	[dreg:$0x0] =	wrdreg $0x0  }
0xa8: {  	s5 =	sshll.u32 s28, $0x1;
	[dreg:$0x2] =	wrdreg s3  }
0xa9: {  	[dreg:$0x3] =	wrdreg s5  }
0xaa: {  	[dreg:$0x4] =	wrdreg $0xC0  }
0xab: {  	_ =	task [dreg:s7], $0x5FFFF  }
0xac: {  	[dreg:$0x1] =	wrdreg $0xFFFFFFFF  }
0xad: {  	[dreg:$0x0] =	wrdreg $0x60  }
0xae: {  	[dreg:$0x2] =	wrdreg s2  }
0xaf: {  	[dreg:$0x3] =	wrdreg s24  }
0xb0: {  	[dreg:$0x4] =	wrdreg $0xA8000  }
0xb1: {  	[dreg:$0x5] =	wrdreg $0x9  }
0xb2: {  	_ =	task.clear_ibuf [dreg:s7], $0x6FFFF;
	_ =	strace $0x90000049  }
0xb3: {  	s29 =	simm.s32 $0x9;
	_ =	strace $0x8000004B  }
0xb4: {  	_ =	swait.ge [sflag:s29], $0x1  }
0xb5: {  	[sflag:s29] =	ssyncadd.s32 $0xFFFFFFFF  }
0xb6: {  	_ =	strace $0x9000004B  }
0xb7: {  	_ =	sfence  }
0xb8: {  	s30 =	sld [smem:$0x0];
	_ =	sdelay $0x2  }
0xb9: {  	s31 =	sshll.u32 s1, $0xD;
	s1 =	sshrl.u32 s1, $0x2  }
0xba: {  	s3 =	sand.u32 $0x4000, s31;
	s1 =	sadd.s32 s1, s30  }
0xbb: {  	s0 =	sor.u32 s3, s0;
	s1 =	sshll.u32 s1, $0x11  }
0xbc: {  	s0 =	sor.u32 s1, s0  }
0xbd: {  	s0 =	sadd.s32 $0x8F2B, s0  }
0xbe: {  	[sflag:s0] =	ssyncadd.remote.s32 $0x1  }
0xbf: {  	_ =	sfence.sel $0xFFFF  }
0xc0: {  	[dreg:$0x0] =	wrdreg $0xFFFFFFFF;
	(pc) =	sbr.abs _section_cstart, $3  }
0xc1: {  	[dreg:$0x1] =	wrdreg $0xFFFFFFFF  }
0xc2: {  	_ =	task.clear_ibuf [dreg:s7], $0x2FFFF;
	_ =	strace $0x9FFFFFFF  }
0xc3: {  	(tm) =	ssettm $0x7FFFFFFF  }
tec
execute0_lowered:
.L_overlay_start_1:
0x0: {  	(tag) =	ssettag $0x1  }
0x1: {  	s0 =	rddreg [dreg:$0x0]  }
0x2: {  	s1 =	rddreg [dreg:$0x1];
	s2 =	srdreg.scid  }
0x3: {  	s3 =	rddreg [dreg:$0x2];
	s9 =	stileid.u32;
	s14 =	simm.s32 $0x0  }
0x4: {  	s15 =	simm.s32 $0x2800;
	s16 =	simm.s32 $0x5;
	s18 =	simm.s32 $0x20  }
0x5: {  	s19 =	simm.s32 $0x3800;
	s20 =	simm.s32 $0x40;
	s21 =	simm.s32 $0x4800  }
0x6: {  	s28 =	simm.s32 $0x7800;
	s29 =	simm.s32 $0xC0;
	s30 =	simm.s32 $0x8800  }
0x7: {  	s31 =	simm.s32 $0xE0;
	s10 =	simm.s32 $0x4;
	s11 =	simm.s32 $0x2700  }
0x8: {  	s13 =	simm.s32 $0x2780;
	s2 =	sand.u32 $0x1, s2;
	s5 =	smul.u32 $0x13C00, s9  }
0x9: {  	[smem:$0x7FF] =	sst s14;
	s7 =	smul.u32 $0x4F000, s9;
	s6 =	sadd.s32 $0x1C00, s1  }
0xa: {  	s4 =	smul.u32 $0x13C000, s2;
	_ =	strace $0x8000004A;
	s22 =	ssub.s32 $0x2, s2  }
0xb: {  	s2 =	sshll.u32 s2, $0x4;
	s8 =	sshrl.u32 s22, $0x1;
	s7 =	sshrl.u32 s7, $0x2  }
0xc: {  	s2 =	sor.u32 s9, s2;
	s9 =	simm.s32 $0x3;
	s4 =	sadd.s32 s5, s4  }
0xd: {  	s5 =	sadd.s32 $0xBC00, s1;
	s17 =	sadd.s32 s7, s3;
	s12 =	smul.u32 $0x2800, s2  }
0xe: {  	s2 =	simm.s32 $0x1;
	s7 =	sadd.s32 $0x4000, s17;
	[dreg:$0x5] =	wrdreg s17  }
0xf: {  	s4 =	sshrl.u32 s4, $0x3;
	s23 =	sadd.s32 $0x8000, s17;
	[dreg:$0x6] =	wrdreg s7  }
0x10: {  	s24 =	sadd.s32 $0xC000, s17;
	s25 =	sadd.s32 $0x10000, s17;
	[dreg:$0x7] =	wrdreg s23  }
0x11: {  	s1 =	sadd.s32 s4, s1;
	s4 =	ssub.s32 s22, s8;
	[dreg:$0x8] =	wrdreg s24  }
0x12: {  	[dreg:$0x9] =	wrdreg s25;
	s22 =	simm.s32 $0x60;
	s23 =	simm.s32 $0x5800  }
0x13: {  	s24 =	simm.s32 $0x80;
	s25 =	simm.s32 $0x6800;
	s1 =	sadd.s32 $0x15C00, s1  }
0x14: {  	s8 =	simm.s32 $0x2;
	s26 =	smax.u32 s4, $0x1;
	[dreg:$0xa] =	wrdreg s1  }
0x15: {  	v0 =	vimm.f32 $0.0e+00;
	[dreg:$0xb] =	wrdreg s26;
	s26 =	simm.s32 $0xA0;
	s1 =	simm.s32 $0x9800  }
.LBB2_1:
0x16: {  	[dreg:$0x4] =	wrdreg s14;
	s4 =	simm.s32 $0x0;
	s7 =	simm.s32 $0x200  }
.LBB2_2:
0x17: {  	p0 =	sne.s32 s7, $0xFE00;
	[tilespmem:s4+$0x2870] =	vst v0  }
0x18: {  	[tilespmem:s4+$0x2800] =	vst v0  }
0x19: {  	[tilespmem:s4+$0x2810] =	vst v0  }
.Ltmp0:
0x1a: {  	[tilespmem:s4+$0x2820] =	vst v0;
	(pc) =	sbr.rel @p0 .LBB2_2-.Ltmp0, $4  }
0x1b: {  	[tilespmem:s4+$0x2830] =	vst v0  }
0x1c: {  	[tilespmem:s4+$0x2840] =	vst v0  }
0x1d: {  	[tilespmem:s4+$0x2850] =	vst v0  }
0x1e: {  	[tilespmem:s4+$0x2860] =	vst v0;
	s4 =	sshra.s32 s7, $0x2;
	s7 =	sadd.s32 $0x200, s7  }
0x1f: {  	[tilespmem:s4+$0x2870] =	vst v0  }
0x20: {  	[tilespmem:s4+$0x2800] =	vst v0  }
0x21: {  	[tilespmem:s4+$0x2810] =	vst v0  }
0x22: {  	[tilespmem:s4+$0x2820] =	vst v0  }
0x23: {  	[tilespmem:s4+$0x2830] =	vst v0  }
0x24: {  	[tilespmem:s4+$0x2840] =	vst v0  }
0x25: {  	[tilespmem:s4+$0x2850] =	vst v0  }
0x26: {  	[tilespmem:s4+$0x2860] =	vst v0  }
0x27: {  	[spmem:s17] =	stream.linear.scatter [tilespmem:s15], [sflag:$0x5], $0x4000, $0x38;
	[tilespmem:$0x1E400] =	vst v63  }
0x28: {  	_ =	swait.ge [sflag:s16], $0x4000  }
0x29: {  	[sflag:s16] =	ssyncset.done $0x0  }
0x2a: {  	s17 =	rddreg [dreg:$0x6];
	[sflag:s16] =	ssyncadd.s32 $0xFFFFC000  }
0x2b: {  	[spmem:s17] =	stream.linear.scatter [tilespmem:s15], [sflag:$0x5], $0x4000, $0x38;
	[tilespmem:$0x1E400] =	vst v63  }
0x2c: {  	_ =	swait.ge [sflag:s16], $0x4000  }
0x2d: {  	[sflag:s16] =	ssyncset.done $0x0  }
0x2e: {  	s7 =	rddreg [dreg:$0x7];
	[sflag:s16] =	ssyncadd.s32 $0xFFFFC000  }
0x2f: {  	[spmem:s7] =	stream.linear.scatter [tilespmem:s15], [sflag:$0x5], $0x4000, $0x38;
	[tilespmem:$0x1E400] =	vst v63  }
0x30: {  	_ =	swait.ge [sflag:s16], $0x4000  }
0x31: {  	[sflag:s16] =	ssyncset.done $0x0  }
0x32: {  	s14 =	rddreg [dreg:$0x8];
	[sflag:s16] =	ssyncadd.s32 $0xFFFFC000  }
0x33: {  	[spmem:s14] =	stream.linear.scatter [tilespmem:s15], [sflag:$0x5], $0x4000, $0x38;
	[tilespmem:$0x1E400] =	vst v63  }
0x34: {  	_ =	swait.ge [sflag:s16], $0x4000  }
0x35: {  	[sflag:s16] =	ssyncset.done $0x0  }
0x36: {  	s17 =	rddreg [dreg:$0x9];
	[sflag:s16] =	ssyncadd.s32 $0xFFFFC000  }
0x37: {  	[spmem:s17] =	stream.linear.scatter [tilespmem:s15], [sflag:$0x5], $0x3C00, $0x38;
	[tilespmem:$0x1E400] =	vst v63  }
0x38: {  	_ =	swait.ge [sflag:s16], $0x3C00  }
0x39: {  	[sflag:s16] =	ssyncset.done $0x0  }
0x3a: {  	p1 =	por $0x1, $0x1;
	[sflag:s16] =	ssyncadd.s32 $0xFFFFC400  }
0x3b: {  	s4 =	simm.s32 $0x0;
	s14 =	simm.s32 $0x0;
	[bflag:$0x0] =	sbarrier.arrive $0xFFFF  }
.LBB2_4:
0x3c: {  	s4 =	sadd.s32 s12, s4  }
0x3d: {  	s4 =	sshrl.u32 s4, $0x3  }
0x3e: {  	s7 =	sadd.s32 s5, s4  }
0x3f: {  	[tilespmem:s14], [sflag:$0x5] =	stream.linear.gather [hbm4b:s7+s14], $0x1400, $0x38;
	[tilespmem:$0x1E400] =	vst v63  }
0x40: {  	_ =	swait.ge [sflag:s16], $0x1400  }
0x41: {  	[sflag:s16] =	ssyncset.done $0x0  }
0x42: {  	s17 =	simm.s32 $0x1400;
	s4 =	sadd.s32 s6, s4;
	[sflag:s16] =	ssyncadd.s32 $0xFFFFEC00  }
0x43: {  	[tilespmem:s17], [sflag:$0x5] =	stream.linear.gather [hbm4b:s4+s14], $0x1400, $0x38;
	[tilespmem:$0x1E400] =	vst v63  }
0x44: {  	_ =	swait.ge [sflag:s16], $0x1400  }
0x45: {  	[sflag:s16] =	ssyncset.done $0x0  }
0x46: {  	[sflag:s16] =	ssyncadd.s32 $0xFFFFEC00  }
0x47: {  	[tilespmem:s15], [sflag:$0x1] =	stream.indirect.gather [hbm4b:s0+s18], $0x80, s14, s18, $0xb8;
	[tilespmem:$0x1E400] =	vst v63  }
0x48: {  	_ = 	snop  }
0x49: {  	[tilespmem:s19], [sflag:$0x1] =	stream.indirect.gather [hbm4b:s0+s18], $0x80, s18, s18, $0xb8;
	[tilespmem:$0x1E400] =	vst v63  }
0x4a: {  	_ = 	snop  }
0x4b: {  	[tilespmem:s21], [sflag:$0x1] =	stream.indirect.gather [hbm4b:s0+s18], $0x80, s20, s18, $0xb8;
	[tilespmem:$0x1E400] =	vst v63  }
0x4c: {  	_ = 	snop  }
0x4d: {  	[tilespmem:s23], [sflag:$0x1] =	stream.indirect.gather [hbm4b:s0+s18], $0x80, s22, s18, $0xb8;
	[tilespmem:$0x1E400] =	vst v63  }
0x4e: {  	_ = 	snop  }
0x4f: {  	[tilespmem:s25], [sflag:$0x2] =	stream.indirect.gather [hbm4b:s0+s18], $0x80, s24, s18, $0xb8;
	[tilespmem:$0x1E400] =	vst v63  }
0x50: {  	_ = 	snop  }
0x51: {  	[tilespmem:s28], [sflag:$0x2] =	stream.indirect.gather [hbm4b:s0+s18], $0x80, s26, s18, $0xb8;
	[tilespmem:$0x1E400] =	vst v63  }
0x52: {  	_ = 	snop  }
0x53: {  	[tilespmem:s30], [sflag:$0x2] =	stream.indirect.gather [hbm4b:s0+s18], $0x80, s29, s18, $0xb8;
	[tilespmem:$0x1E400] =	vst v63  }
0x54: {  	_ = 	snop  }
0x55: {  	[tilespmem:s1], [sflag:$0x2] =	stream.indirect.gather [hbm4b:s0+s18], $0x80, s31, s18, $0xb8;
	[tilespmem:$0x1E400] =	vst v63  }
0x56: {  	_ =	swait.ge [sflag:s2], $0x1000  }
0x57: {  	[sflag:s2] =	ssyncset.done $0x0  }
0x58: {  	[sflag:s2] =	ssyncadd.s32 $0xFFFFF000  }
0x59: {  	_ =	swait.ge [sflag:s2], $0x1000  }
0x5a: {  	[sflag:s2] =	ssyncset.done $0x0  }
0x5b: {  	[sflag:s2] =	ssyncadd.s32 $0xFFFFF000  }
0x5c: {  	_ =	swait.ge [sflag:s2], $0x1000  }
0x5d: {  	[sflag:s2] =	ssyncset.done $0x0  }
0x5e: {  	[sflag:s2] =	ssyncadd.s32 $0xFFFFF000  }
0x5f: {  	_ =	swait.ge [sflag:s2], $0x1000  }
0x60: {  	[sflag:s2] =	ssyncset.done $0x0  }
0x61: {  	s17 =	simm.s32 $0x1400;
	[sflag:s2] =	ssyncadd.s32 $0xFFFFF000  }
0x62: {  	[spmem:s3] =	stream.indirect.scatter.add.f32 [tilespmem:s15], [sflag:$0x3], $0x80, s17, s24, $0xb8;
	[tilespmem:$0x1E400] =	vst v63  }
0x63: {  	_ =	swait.ge [sflag:s8], $0x1000  }
0x64: {  	[sflag:s8] =	ssyncset.done $0x0  }
0x65: {  	[sflag:s8] =	ssyncadd.s32 $0xFFFFF000  }
0x66: {  	_ =	swait.ge [sflag:s8], $0x1000  }
0x67: {  	[sflag:s8] =	ssyncset.done $0x0  }
0x68: {  	[sflag:s8] =	ssyncadd.s32 $0xFFFFF000  }
0x69: {  	_ =	swait.ge [sflag:s8], $0x1000  }
0x6a: {  	[sflag:s8] =	ssyncset.done $0x0  }
0x6b: {  	[sflag:s8] =	ssyncadd.s32 $0xFFFFF000  }
0x6c: {  	_ =	swait.ge [sflag:s8], $0x1000  }
0x6d: {  	[sflag:s8] =	ssyncset.done $0x0  }
0x6e: {  	s7 =	simm.s32 $0x1480;
	[sflag:s8] =	ssyncadd.s32 $0xFFFFF000  }
0x6f: {  	[spmem:s3] =	stream.indirect.scatter.add.f32 [tilespmem:s25], [sflag:$0x4], $0x80, s7, s24, $0xb8;
	[tilespmem:$0x1E400] =	vst v63  }
0x70: {  	_ =	swait.ge [sflag:s9], $0x4000  }
0x71: {  	[sflag:s9] =	ssyncset.done $0x0  }
0x72: {  	s17 =	simm.s32 $0x100;
	[sflag:s9] =	ssyncadd.s32 $0xFFFFC000  }
0x73: {  	[tilespmem:s15], [sflag:$0x1] =	stream.indirect.gather [hbm4b:s0+s18], $0x80, s17, s18, $0xb8;
	[tilespmem:$0x1E400] =	vst v63  }
0x74: {  	s7 =	simm.s32 $0x120  }
0x75: {  	[tilespmem:s19], [sflag:$0x1] =	stream.indirect.gather [hbm4b:s0+s18], $0x80, s7, s18, $0xb8;
	[tilespmem:$0x1E400] =	vst v63  }
0x76: {  	s17 =	simm.s32 $0x140  }
0x77: {  	[tilespmem:s21], [sflag:$0x1] =	stream.indirect.gather [hbm4b:s0+s18], $0x80, s17, s18, $0xb8;
	[tilespmem:$0x1E400] =	vst v63  }
0x78: {  	s7 =	simm.s32 $0x160  }
0x79: {  	[tilespmem:s23], [sflag:$0x1] =	stream.indirect.gather [hbm4b:s0+s18], $0x80, s7, s18, $0xb8;
	[tilespmem:$0x1E400] =	vst v63  }
0x7a: {  	_ =	swait.ge [sflag:s10], $0x4000  }
0x7b: {  	[sflag:s10] =	ssyncset.done $0x0  }
0x7c: {  	s17 =	simm.s32 $0x180;
	[sflag:s10] =	ssyncadd.s32 $0xFFFFC000  }
0x7d: {  	[tilespmem:s25], [sflag:$0x2] =	stream.indirect.gather [hbm4b:s0+s18], $0x80, s17, s18, $0xb8;
	[tilespmem:$0x1E400] =	vst v63  }
0x7e: {  	p0 =	por p1, p1;
	s7 =	simm.s32 $0x1A0  }
0x7f: {  	[tilespmem:s28], [sflag:$0x2] =	stream.indirect.gather [hbm4b:s0+s18], $0x80, s7, s18, $0xb8;
	[tilespmem:$0x1E400] =	vst v63  }
0x80: {  	s4 =	simm.s32 $0x1E0;
	s17 =	simm.s32 $0x1C0;
	s7 =	simm.s32 $0x400  }
0x81: {  	[tilespmem:s30], [sflag:$0x2] =	stream.indirect.gather [hbm4b:s0+s18], $0x80, s17, s18, $0xb8;
	[tilespmem:$0x1E400] =	vst v63  }
.LBB2_5:
0x82: {  	[tilespmem:s1], [sflag:$0x2] =	stream.indirect.gather [hbm4b:s0+s18], $0x80, s4, s18, $0xb8;
	[tilespmem:$0x1E400] =	vst v63  }
0x83: {  	s4 =	smov.u32 s7  }
0x84: {  	p1 =	sne.s32 s7, $0x4800;
	s7 =	sadd.s32 $0x400, s7;
	_ =	swait.ge [sflag:s2], $0x1000  }
0x85: {  	[sflag:s2] =	ssyncset.done $0x0  }
0x86: {  	[sflag:s2] =	ssyncadd.s32 $0xFFFFF000  }
0x87: {  	_ =	swait.ge [sflag:s2], $0x1000  }
0x88: {  	[sflag:s2] =	ssyncset.done $0x0  }
0x89: {  	[sflag:s2] =	ssyncadd.s32 $0xFFFFF000  }
0x8a: {  	_ =	swait.ge [sflag:s2], $0x1000  }
0x8b: {  	[sflag:s2] =	ssyncset.done $0x0  }
0x8c: {  	[sflag:s2] =	ssyncadd.s32 $0xFFFFF000  }
0x8d: {  	_ =	swait.ge [sflag:s2], $0x1000  }
0x8e: {  	s4 =	sshra.s32 s4, $0x2;
	[sflag:s2] =	ssyncset.done $0x0  }
0x8f: {  	s17 =	sadd.s32 $0x1400, s4;
	[sflag:s2] =	ssyncadd.s32 $0xFFFFF000  }
0x90: {  	[spmem:s3] =	stream.indirect.scatter.add.f32 [tilespmem:s15], [sflag:$0x3], $0x80, s17, s24, $0xb8;
	[tilespmem:$0x1E400] =	vst v63  }
0x91: {  	_ =	swait.ge [sflag:s8], $0x1000  }
0x92: {  	[sflag:s8] =	ssyncset.done $0x0  }
0x93: {  	[sflag:s8] =	ssyncadd.s32 $0xFFFFF000  }
0x94: {  	_ =	swait.ge [sflag:s8], $0x1000  }
0x95: {  	[sflag:s8] =	ssyncset.done $0x0  }
0x96: {  	[sflag:s8] =	ssyncadd.s32 $0xFFFFF000  }
0x97: {  	_ =	swait.ge [sflag:s8], $0x1000  }
0x98: {  	[sflag:s8] =	ssyncset.done $0x0  }
0x99: {  	[sflag:s8] =	ssyncadd.s32 $0xFFFFF000  }
0x9a: {  	_ =	swait.ge [sflag:s8], $0x1000  }
0x9b: {  	[sflag:s8] =	ssyncset.done $0x0  }
0x9c: {  	s17 =	sadd.s32 $0x1480, s4;
	[sflag:s8] =	ssyncadd.s32 $0xFFFFF000  }
0x9d: {  	[spmem:s3] =	stream.indirect.scatter.add.f32 [tilespmem:s25], [sflag:$0x4], $0x80, s17, s24, $0xb8;
	[tilespmem:$0x1E400] =	vst v63  }
0x9e: {  	_ =	swait.ge [sflag:s9], $0x4000  }
0x9f: {  	[sflag:s9] =	ssyncset.done $0x0  }
0xa0: {  	s17 =	sadd.s32 $0x100, s4;
	[sflag:s9] =	ssyncadd.s32 $0xFFFFC000  }
0xa1: {  	[tilespmem:s15], [sflag:$0x1] =	stream.indirect.gather [hbm4b:s0+s18], $0x80, s17, s18, $0xb8;
	[tilespmem:$0x1E400] =	vst v63  }
0xa2: {  	s17 =	sadd.s32 $0x120, s4  }
0xa3: {  	[tilespmem:s19], [sflag:$0x1] =	stream.indirect.gather [hbm4b:s0+s18], $0x80, s17, s18, $0xb8;
	[tilespmem:$0x1E400] =	vst v63  }
0xa4: {  	s17 =	sadd.s32 $0x140, s4  }
0xa5: {  	[tilespmem:s21], [sflag:$0x1] =	stream.indirect.gather [hbm4b:s0+s18], $0x80, s17, s18, $0xb8;
	[tilespmem:$0x1E400] =	vst v63  }
0xa6: {  	s17 =	sadd.s32 $0x160, s4  }
0xa7: {  	[tilespmem:s23], [sflag:$0x1] =	stream.indirect.gather [hbm4b:s0+s18], $0x80, s17, s18, $0xb8;
	[tilespmem:$0x1E400] =	vst v63  }
0xa8: {  	_ =	swait.ge [sflag:s10], $0x4000  }
0xa9: {  	[sflag:s10] =	ssyncset.done $0x0  }
0xaa: {  	s17 =	sadd.s32 $0x180, s4;
	[sflag:s10] =	ssyncadd.s32 $0xFFFFC000  }
0xab: {  	[tilespmem:s25], [sflag:$0x2] =	stream.indirect.gather [hbm4b:s0+s18], $0x80, s17, s18, $0xb8;
	[tilespmem:$0x1E400] =	vst v63  }
.Ltmp1:
0xac: {  	s17 =	sadd.s32 $0x1A0, s4;
	(pc) =	sbr.rel @p1 .LBB2_5-.Ltmp1, $4  }
0xad: {  	[tilespmem:s28], [sflag:$0x2] =	stream.indirect.gather [hbm4b:s0+s18], $0x80, s17, s18, $0xb8;
	[tilespmem:$0x1E400] =	vst v63  }
0xae: {  	s17 =	sadd.s32 $0x1C0, s4  }
0xaf: {  	[tilespmem:s30], [sflag:$0x2] =	stream.indirect.gather [hbm4b:s0+s18], $0x80, s17, s18, $0xb8;
	[tilespmem:$0x1E400] =	vst v63  }
0xb0: {  	s4 =	sadd.s32 $0x1E0, s4  }
0xb1: {  	[tilespmem:s1], [sflag:$0x2] =	stream.indirect.gather [hbm4b:s0+s18], $0x80, s4, s18, $0xb8;
	[tilespmem:$0x1E400] =	vst v63  }
0xb2: {  	_ =	swait.ge [sflag:s2], $0x1000  }
0xb3: {  	[sflag:s2] =	ssyncset.done $0x0  }
0xb4: {  	[sflag:s2] =	ssyncadd.s32 $0xFFFFF000  }
0xb5: {  	_ =	swait.ge [sflag:s2], $0x1000  }
0xb6: {  	[sflag:s2] =	ssyncset.done $0x0  }
0xb7: {  	[sflag:s2] =	ssyncadd.s32 $0xFFFFF000  }
0xb8: {  	_ =	swait.ge [sflag:s2], $0x1000  }
0xb9: {  	[sflag:s2] =	ssyncset.done $0x0  }
0xba: {  	[sflag:s2] =	ssyncadd.s32 $0xFFFFF000  }
0xbb: {  	_ =	swait.ge [sflag:s2], $0x1000  }
0xbc: {  	[sflag:s2] =	ssyncset.done $0x0  }
0xbd: {  	[sflag:s2] =	ssyncadd.s32 $0xFFFFF000  }
0xbe: {  	[spmem:s3] =	stream.indirect.scatter.add.f32 [tilespmem:s15], [sflag:$0x5], $0x80, s11, s24, $0xb8;
	[tilespmem:$0x1E400] =	vst v63  }
0xbf: {  	_ =	swait.ge [sflag:s16], $0x4000  }
0xc0: {  	[sflag:s16] =	ssyncset.done $0x0  }
0xc1: {  	[sflag:s16] =	ssyncadd.s32 $0xFFFFC000  }
0xc2: {  	_ =	swait.ge [sflag:s8], $0x1000  }
0xc3: {  	[sflag:s8] =	ssyncset.done $0x0  }
0xc4: {  	[sflag:s8] =	ssyncadd.s32 $0xFFFFF000  }
0xc5: {  	_ =	swait.ge [sflag:s8], $0x1000  }
0xc6: {  	[sflag:s8] =	ssyncset.done $0x0  }
0xc7: {  	[sflag:s8] =	ssyncadd.s32 $0xFFFFF000  }
0xc8: {  	_ =	swait.ge [sflag:s8], $0x1000  }
0xc9: {  	[sflag:s8] =	ssyncset.done $0x0  }
0xca: {  	[sflag:s8] =	ssyncadd.s32 $0xFFFFF000  }
0xcb: {  	_ =	swait.ge [sflag:s8], $0x1000  }
0xcc: {  	[sflag:s8] =	ssyncset.done $0x0  }
.Ltmp2:
0xcd: {  	[sflag:s8] =	ssyncadd.s32 $0xFFFFF000;
	(pc) =	sbr.rel @p0 .LBB2_4-.Ltmp2, $4  }
0xce: {  	[spmem:s3] =	stream.indirect.scatter.add.f32 [tilespmem:s25], [sflag:$0x5], $0x80, s13, s24, $0xb8;
	[tilespmem:$0x1E400] =	vst v63  }
0xcf: {  	_ =	swait.ge [sflag:s16], $0x4000  }
0xd0: {  	[sflag:s16] =	ssyncset.done $0x0  }
0xd1: {  	s4 =	simm.s32 $0x1400;
	p1 =	por $0x0, $0x0;
	[sflag:s16] =	ssyncadd.s32 $0xFFFFC000  }
0xd2: {  	s4 =	stileid.u32;
	[bflag:$0x0] =	sbarrier.arrive $0xFFFF  }
0xd3: {  	s4 =	sshll.u32 s4, $0x6;
	s17 =	rddreg [dreg:$0x5]  }
0xd4: {  	s14 =	rddreg [dreg:$0xa];
	s4 =	sor.u32 $0x1C05, s4;
	s7 =	sshrl.u32 s17, $0x3  }
0xd5: {  	[hbm:s14], [sflag:s4] =	dma.local [spmem:s7], $0x2780  }
0xd6: {  	_ =	swait.ge [sflag:s16], $0x2780  }
0xd7: {  	s4 =	rddreg [dreg:$0x4]  }
0xd8: {  	s7 =	rddreg [dreg:$0xb];
	s14 =	sadd.s32 $0x1, s4  }
0xd9: {  	p0 =	sne.s32 s14, s7  }
.Ltmp3:
0xda: {  	_ = 	snop;
	(pc) =	sbr.rel @p0 .LBB2_1-.Ltmp3, $3  }
0xdb: {  	_ =	sdelay $0x1  }
0xdc: {  	[sflag:s16] =	ssyncset.done $0x0  }
0xdd: {  	[sflag:s16] =	ssyncadd.s32 $0xFFFFD880  }
0xde: {  	_ =	sfence.sel $0x180000  }
0xdf: {  	[bflag:$0x0] =	sbarrier.arrive $0xFFFF  }
0xe0: {  	_ =	strace $0x9000004A  }
0xe1: {  	s0 =	stileid.u32;
	[bflag:$0x2] =	sbarrier.arrive $0xFFFF  }
0xe2: {  	p0 =	sne.s32 s0, $0x0;
	s0 =	rddreg [dreg:$0x3]  }
0xe3: {  	s0 =	sadd.s32 @!p0 $0x100000, s0  }
0xe4: {  	[sflag:s0] =	ssyncadd.tile.s32 @!p0 $0x1;
	_ =	shalt  }
.Lfunc_end2:
_tile_overlayer_lowered:
.L_overlay_start_2:
0xe5: {  	(tag) =	ssettag $0x2  }
0xe6: {  	s0 =	rddreg [dreg:$0x0];
	s2 =	stileid.u32  }
0xe7: {  	s1 =	rddreg [dreg:$0x1];
	p0 =	sne.s32 s2, $0x0  }
0xe8: {  	s3 =	rddreg [dreg:$0x2];
	[bflag:$0x3] =	sbarrier.arrive $0xFFFF;
	s2 =	simm.s32 @!p0 $0x1C05  }
0xe9: {  	[timem:s3], [sflag:s2] =	dma.local @!p0 [hbm:s0], s1  }
0xea: {  	s0 =	simm.s32 @!p0 $0x5  }
0xeb: {  	_ =	swait.ge @!p0 [sflag:s0], s1  }
0xec: {  	s1 =	ssub.s32 @!p0 $0x0, s1;
	[sflag:s0] =	ssyncset.done @!p0 $0x0  }
0xed: {  	[sflag:s0] =	ssyncadd.s32 @!p0 s1  }
0xee: {  	[bflag:$0x3] =	sbarrier.arrive $0xFFFF  }
0xef: {  	_ =	shalt  }

// kernel: kernel.7.cloned.1.call-start
scs
__scs_entry_jumppad:
0x0: {  	(pc) =	sbr.rel $0x88, $3  }
0x1: {  	(tag) =	ssettag $0x0;
	lr =	simm.s32 $0x1  }
0x2: {  	[smem:$0x3F99] =	sst lr;
	_ =	strace $0xD0000000  }
0x3: {  	_ = 	snop  }
0x4: {  	_ = 	snop  }
0x5: {  	_ = 	snop  }
0x6: {  	_ = 	snop  }
0x7: {  	_ = 	snop  }
__scs_overlays_trampoline_lowered:
0x8: {  	[smem:$0x3FA8] =	sst s0  }
0x9: {  	[smem:$0x3FA9] =	sst s1  }
0xa: {  	[smem:$0x3FAA] =	sst s2  }
0xb: {  	[smem:$0x3FAB] =	sst s3  }
0xc: {  	[smem:$0x3FAC] =	sst s4  }
0xd: {  	[smem:$0x3FAD] =	sst s5  }
0xe: {  	[smem:$0x3FAE] =	sst s6  }
0xf: {  	[smem:$0x3FAF] =	sst s7  }
0x10: {  	[smem:$0x3FB0] =	sst s8  }
0x11: {  	[smem:$0x3FB1] =	sst s9;
	s0 =	simm.s32 @!p0 $0x0  }
0x12: {  	s1 =	sld [smem:$0x3F97];
	s0 =	simm.s32 @p0 $0x1  }
0x13: {  	[smem:$0x3FB2] =	sst s0;
	s0 =	simm.s32 @!p1 $0x0  }
0x14: {  	s2 =	sld [smem:$0x3F96];
	s0 =	simm.s32 @p1 $0x1  }
0x15: {  	[smem:$0x3FB3] =	sst s0;
	s0 =	simm.s32 @!p2 $0x0  }
0x16: {  	s3 =	sld [smem:$0x3FDB];
	s0 =	simm.s32 @p2 $0x1  }
0x17: {  	s4 =	simm.s32 $0x1BF5;
	[smem:$0x3FB5] =	sst s0  }
0x18: {  	s0 =	sld [smem:$0x3F98];
	_ =	swait.ge [sflag:s4], $0x0  }
0x19: {  	s7 =	sld [smem:$0x3F99]  }
0x1a: {  	s8 =	sadd.s32 $0xFFFFE003, lr  }
0x1b: {  	s9 =	sadd.s32 $0xFFFFFEF7, lr;
	s5 =	simm.s32 $0xFFFFFFFF;
	p2 =	slt.u32 s8, $0xFFFFF086  }
0x1c: {  	p1 =	slt.u32 s9, $0xF7A;
	s5 =	simm.s32 @!p2 $0x0  }
0x1d: {  	s5 =	simm.s32 @p1 $0x1;
	p0 =	seq.s32 s7, s2  }
0x1e: {  	s7 =	smul.u32 @!p0 $0xF7A, s2;
	p2 =	seq.s32 @!p0 s5, $0x0  }
0x1f: {  	s9 =	smul.u32 $0xF7A, s1;
	s8 =	simm.s32 @!p0 $0x1BF5;
	p2 =	por !p2, p0  }
0x20: {  	[sflag:s8] =	ssyncset.s32 @!p0 $0xFFFFF086;
	s6 =	sadd.s32 @!p0 s3, s7;
	s7 =	simm.s32 @!p0 $0x108  }
0x21: {  	s3 =	sadd.s32 s3, s9;
	s6 =	sadd.s32 @!p0 $0x88, s6;
	s7 =	simm.s32 @p2 $0x1082  }
0x22: {  	[simem:s7], [sflag:s8] =	dma.local @!p0 [hbm:s6], $0xF7A  }
0x23: {  	s9 =	sor.u32 $0xD0000000, s2;
	s6 =	simm.s32 $0x108;
	_ =	swait.ge @!p0 [sflag:s8], $0x0  }
0x24: {  	s3 =	sadd.s32 $0x88, s3;
	s6 =	simm.s32 @!p1 $0x1082;
	[sflag:s4] =	ssyncset.s32 $0xFFFFF086  }
0x25: {  	[simem:s6], [sflag:s4] =	dma.local [hbm:s3], $0xF7A  }
0x26: {  	[smem:$0x3F99] =	sst s1;
	(tag) =	ssettag s2;
	_ =	strace s9  }
0x27: {  	s1 =	sld [smem:$0x3FA9]  }
0x28: {  	s2 =	sld [smem:$0x3FAA]  }
0x29: {  	s4 =	sld [smem:$0x3FAC]  }
0x2a: {  	p0 =	seq.s32 s5, $0x0;
	s5 =	sld [smem:$0x3FAD]  }
0x2b: {  	s6 =	sld [smem:$0x3FAE]  }
0x2c: {  	s7 =	sld [smem:$0x3FAF]  }
0x2d: {  	s3 =	simm.s32 $0x108;
	s8 =	sld [smem:$0x3FB0]  }
0x2e: {  	s3 =	simm.s32 @!p0 $0x1082;
	s9 =	sld [smem:$0x3FB1]  }
0x2f: {  	lr =	sadd.s32 s0, s3;
	s0 =	sld [smem:$0x3FA8]  }
0x30: {  	s3 =	sld [smem:$0x3FAB]  }
0x31: {  	[smem:$0x3FB4] =	sst s10  }
0x32: {  	s10 =	sld [smem:$0x3FB2];
	_ =	sdelay $0x3  }
0x33: {  	p0 =	seq.s32 s10, $0x1;
	s10 =	sld [smem:$0x3FB4];
	_ =	sdelay $0x3  }
0x34: {  	[smem:$0x3FB4] =	sst s10  }
0x35: {  	s10 =	sld [smem:$0x3FB3];
	_ =	sdelay $0x3  }
0x36: {  	p1 =	seq.s32 s10, $0x1;
	s10 =	sld [smem:$0x3FB4];
	_ =	sdelay $0x3  }
0x37: {  	[smem:$0x3FB4] =	sst s10  }
0x38: {  	s10 =	sld [smem:$0x3FB5]  }
0x39: {  	_ = 	snop;
	(pc) =	sbr.ind lr, $3  }
0x3a: {  	_ = 	snop  }
0x3b: {  	_ = 	snop  }
0x3c: {  	p2 =	seq.s32 s10, $0x1;
	s10 =	sld [smem:$0x3FB4]  }
0x3d: {  	_ =	shalt  }
0x3e: {  	_ =	shalt  }
0x3f: {  	_ =	shalt  }
0x40: {  	_ =	shalt  }
0x41: {  	_ =	shalt  }
0x42: {  	_ =	shalt  }
0x43: {  	_ =	shalt  }
0x44: {  	_ =	shalt  }
0x45: {  	_ =	shalt  }
0x46: {  	_ =	shalt  }
0x47: {  	_ =	shalt  }
0x48: {  	_ =	shalt  }
0x49: {  	_ =	shalt  }
0x4a: {  	_ =	shalt  }
0x4b: {  	_ =	shalt  }
0x4c: {  	_ =	shalt  }
0x4d: {  	_ =	shalt  }
0x4e: {  	_ =	shalt  }
0x4f: {  	_ =	shalt  }
0x50: {  	_ =	shalt  }
0x51: {  	_ =	shalt  }
0x52: {  	_ =	shalt  }
0x53: {  	_ =	shalt  }
0x54: {  	_ =	shalt  }
0x55: {  	_ =	shalt  }
0x56: {  	_ =	shalt  }
0x57: {  	_ =	shalt  }
0x58: {  	_ =	shalt  }
0x59: {  	_ =	shalt  }
0x5a: {  	_ =	shalt  }
0x5b: {  	_ =	shalt  }
0x5c: {  	_ =	shalt  }
0x5d: {  	_ =	shalt  }
0x5e: {  	_ =	shalt  }
0x5f: {  	_ =	shalt  }
0x60: {  	_ =	shalt  }
0x61: {  	_ =	shalt  }
0x62: {  	_ =	shalt  }
0x63: {  	_ =	shalt  }
0x64: {  	_ =	shalt  }
0x65: {  	_ =	shalt  }
0x66: {  	_ =	shalt  }
0x67: {  	_ =	shalt  }
0x68: {  	_ =	shalt  }
0x69: {  	_ =	shalt  }
0x6a: {  	_ =	shalt  }
0x6b: {  	_ =	shalt  }
0x6c: {  	_ =	shalt  }
0x6d: {  	_ =	shalt  }
0x6e: {  	_ =	shalt  }
0x6f: {  	_ =	shalt  }
0x70: {  	_ =	shalt  }
0x71: {  	_ =	shalt  }
0x72: {  	_ =	shalt  }
0x73: {  	_ =	shalt  }
0x74: {  	_ =	shalt  }
0x75: {  	_ =	shalt  }
0x76: {  	_ =	shalt  }
0x77: {  	_ =	shalt  }
0x78: {  	_ =	shalt  }
0x79: {  	_ =	shalt  }
0x7a: {  	_ =	shalt  }
0x7b: {  	_ =	shalt  }
0x7c: {  	_ =	shalt  }
0x7d: {  	_ =	shalt  }
0x7e: {  	_ =	shalt  }
0x7f: {  	_ =	shalt  }
0x80: {  	_ =	shalt  }
0x81: {  	_ =	shalt  }
0x82: {  	_ =	shalt  }
0x83: {  	_ =	shalt  }
0x84: {  	_ =	shalt  }
0x85: {  	_ =	shalt  }
0x86: {  	_ =	shalt  }
0x87: {  	_ =	shalt  }
.Lfunc_end0:
.L_simem_size_0:
called_computation_lowered:
.L_overlay_start_0:
0x88: {  	s2 =	sld [smem:$0x3FD9]  }
0x89: {  	s3 =	sld [smem:$0x3FFE];
	_ =	sdelay $0x1  }
0x8a: {  	s1 =	srdreg.scid  }
0x8b: {  	s0 =	sand.u32 $0x1, s1  }
0x8c: {  	s17 =	sshll.u32 s0, $0xA;
	s2 =	sadd.s32 s3, s2  }
0x8d: {  	s2 =	sadd.s32 s2, s17  }
0x8e: {  	[smem:$0x3FC0] =	sst s2  }
0x8f: {  	_ = 	snop  }
0x90: {  	s2 =	sld [smem:$0x3FD0];
	(tm) =	ssettm $0x1  }
0x91: {  	s18 =	sld [smem:$0x3FFB];
	_ =	sdelay $0x3  }
0x92: {  	_ =	strace s18  }
0x93: {  	s3 =	sld [smem:$0x3FFC];
	_ =	sdelay $0x3  }
0x94: {  	_ =	strace s3  }
0x95: {  	s3 =	sld [smem:$0x3FFD];
	_ =	sdelay $0x3  }
0x96: {  	_ =	strace s3  }
0x97: {  	_ =	strace $0x8FFFFFFF  }
0x98: {  	s19 =	sld [smem:$0x3FDB];
	_ =	sdelay $0x1  }
0x99: {  	s4 =	simm.s32 $_scs_section_size  }
0x9a: {  	s5 =	simm.s32 $_size__tile_overlayer_lowered;
	s6 =	simm.s32 $_tile_overlayer_lowered  }
0x9b: {  	s22 =	simm.s32 $0x1BFF;
	s21 =	sshll.u32 s6, $0x1;
	s3 =	sadd.s32 s4, s19  }
0x9c: {  	s7 =	simm.s32 $0x0;
	s20 =	sshll.u32 s5, $0x1;
	s5 =	sadd.s32 s21, s3  }
0x9d: {  	[timem:s7], [sflag:s22] =	dma.local [hbm:s5], s20  }
0x9e: {  	_ =	swait.ge [sflag:s22], s20  }
0x9f: {  	s4 =	ssub.s32 $0x0, s20;
	[sflag:s22] =	ssyncset.done $0x0  }
0xa0: {  	[sflag:s22] =	ssyncadd.s32 s4;
	_ =	sdelay $0x1  }
0xa1: {  	s23 =	simm.s32 $0x1B8B  }
0xa2: {  	_ =	swait.ge [sflag:s23], $0x1  }
0xa3: {  	[sflag:s23] =	ssyncset.done $0x0  }
0xa4: {  	s25 =	simm.s32 $0x1B8E;
	s24 =	sld [smem:$0x3FFE];
	[sflag:s23] =	ssyncadd.s32 $0xFFFFFFFF  }
0xa5: {  	s26 =	simm.s32 $execute0_lowered;
	[smem:$0x3FD2] =	sst s25  }
0xa6: {  	s5 =	sshll.u32 s26, $0x1;
	_ =	strace $0x80000046;
	[dreg:$0x1] =	wrdreg $0xFFFFFFFF  }
0xa7: {  	s28 =	simm.s32 $_size_execute0_lowered;
	s3 =	sadd.s32 s3, s5;
	[dreg:$0x0] =	wrdreg $0x0  }
0xa8: {  	s5 =	sshll.u32 s28, $0x1;
	[dreg:$0x2] =	wrdreg s3  }
0xa9: {  	[dreg:$0x3] =	wrdreg s5  }
0xaa: {  	[dreg:$0x4] =	wrdreg $0xC0  }
0xab: {  	_ =	task [dreg:s7], $0x5FFFF  }
0xac: {  	[dreg:$0x1] =	wrdreg $0xFFFFFFFF  }
0xad: {  	[dreg:$0x0] =	wrdreg $0x60  }
0xae: {  	[dreg:$0x2] =	wrdreg s2  }
0xaf: {  	[dreg:$0x3] =	wrdreg s24  }
0xb0: {  	[dreg:$0x4] =	wrdreg $0xA8000  }
0xb1: {  	[dreg:$0x5] =	wrdreg $0x1E4800  }
0xb2: {  	[dreg:$0x6] =	wrdreg $0x9  }
0xb3: {  	_ =	task.clear_ibuf [dreg:s7], $0x7FFFF;
	_ =	strace $0x90000046  }
0xb4: {  	s29 =	simm.s32 $0x9;
	_ =	strace $0x80000048  }
0xb5: {  	_ =	swait.ge [sflag:s29], $0x1  }
0xb6: {  	[sflag:s29] =	ssyncadd.s32 $0xFFFFFFFF  }
0xb7: {  	_ =	strace $0x90000048  }
0xb8: {  	_ =	sfence  }
0xb9: {  	s30 =	sld [smem:$0x0];
	_ =	sdelay $0x2  }
0xba: {  	s31 =	sshll.u32 s1, $0xD;
	s1 =	sshrl.u32 s1, $0x2  }
0xbb: {  	s3 =	sand.u32 $0x4000, s31;
	s1 =	sadd.s32 s1, s30  }
0xbc: {  	s0 =	sor.u32 s3, s0;
	s1 =	sshll.u32 s1, $0x11  }
0xbd: {  	s0 =	sor.u32 s1, s0  }
0xbe: {  	s0 =	sadd.s32 $0x8F2B, s0  }
0xbf: {  	[sflag:s0] =	ssyncadd.remote.s32 $0x1  }
0xc0: {  	_ =	sfence.sel $0xFFFF  }
0xc1: {  	[dreg:$0x0] =	wrdreg $0xFFFFFFFF;
	(pc) =	sbr.abs _section_cstart, $3  }
0xc2: {  	[dreg:$0x1] =	wrdreg $0xFFFFFFFF  }
0xc3: {  	_ =	task.clear_ibuf [dreg:s7], $0x2FFFF;
	_ =	strace $0x9FFFFFFF  }
0xc4: {  	(tm) =	ssettm $0x7FFFFFFF  }
0xc5: {  	_ =	shalt  }
tec
execute0_lowered:
.L_overlay_start_1:
0x0: {  	(tag) =	ssettag $0x1  }
0x1: {  	s0 =	rddreg [dreg:$0x0]  }
0x2: {  	s2 =	rddreg [dreg:$0x1]  }
0x3: {  	s1 =	rddreg [dreg:$0x2]  }
0x4: {  	s4 =	srdreg.scid;
	s3 =	rddreg [dreg:$0x3]  }
0x5: {  	s16 =	stileid.u32;
	s25 =	simm.s32 $0x0;
	s28 =	simm.s32 $0x3800  }
0x6: {  	s30 =	simm.s32 $0x4800;
	s17 =	simm.s32 $0x2;
	s7 =	smul.u32 $0x13C00, s16  }
0x7: {  	s4 =	sand.u32 $0x1, s4;
	[smem:$0x7FF] =	sst s25;
	s8 =	smul.u32 $0x278, s16  }
0x8: {  	s6 =	sadd.s32 $0xBC00, s2;
	s10 =	smul.u32 $0x4F000, s16;
	p0 =	sne.s32 s16, $0x0  }
0x9: {  	s5 =	smul.u32 $0x13C000, s4;
	s9 =	sshll.u32 s4, $0x4;
	s4 =	ssub.s32 $0x2, s4  }
0xa: {  	_ =	strace $0x80000047;
	s11 =	sshrl.u32 s4, $0x1;
	s10 =	sshrl.u32 s10, $0x2  }
0xb: {  	s18 =	sadd.s32 $0x80, s8;
	s20 =	sadd.s32 $0x100, s8;
	s12 =	sadd.s32 $0x180, s8  }
0xc: {  	s15 =	sadd.s32 $0x200, s8;
	s8 =	sadd.s32 s8, s3;
	s5 =	sadd.s32 s7, s5  }
0xd: {  	s7 =	sadd.s32 $0x1C00, s2;
	s4 =	ssub.s32 s4, s11;
	s10 =	sadd.s32 s10, s1  }
0xe: {  	s19 =	sshll.u32 s18, $0x7;
	s13 =	sshll.u32 s20, $0x7;
	s14 =	sshll.u32 s12, $0x7  }
0xf: {  	s22 =	sshll.u32 s15, $0x7;
	[dreg:$0xb] =	wrdreg s8;
	s23 =	sadd.s32 s18, s3  }
0x10: {  	s24 =	sadd.s32 s20, s3;
	s26 =	sadd.s32 s12, s3;
	s29 =	sadd.s32 s15, s3  }
0x11: {  	s11 =	simm.s32 $0x7800;
	s12 =	simm.s32 $0xC0;
	[dreg:$0x6] =	wrdreg s10  }
0x12: {  	s15 =	simm.s32 $0x9800;
	s20 =	simm.s32 $0x4;
	[dreg:$0xc] =	wrdreg s23  }
0x13: {  	s8 =	simm.s32 $0x2700;
	s5 =	sshrl.u32 s5, $0x3;
	[dreg:$0xd] =	wrdreg s24  }
0x14: {  	s10 =	sadd.s32 s19, s1;
	s13 =	sadd.s32 s13, s1;
	[dreg:$0xe] =	wrdreg s26  }
0x15: {  	s21 =	sadd.s32 s14, s1;
	[dreg:$0xf] =	wrdreg s29;
	s31 =	smax.u32 s4, $0x1  }
0x16: {  	s23 =	simm.s32 $0x6;
	s24 =	simm.s32 $0x1E400;
	s26 =	simm.s32 $0x20  }
0x17: {  	s4 =	simm.s32 $0x80;
	s14 =	simm.s32 $0xE0;
	[dreg:$0x7] =	wrdreg s10  }
0x18: {  	s19 =	simm.s32 $0x3;
	s5 =	sadd.s32 s5, s2;
	[dreg:$0x8] =	wrdreg s13  }
0x19: {  	s2 =	sadd.s32 s9, s2;
	s9 =	sor.u32 s16, s9;
	[dreg:$0x9] =	wrdreg s21  }
0x1a: {  	s13 =	sadd.s32 s22, s1;
	[dreg:$0x12] =	wrdreg s31;
	s22 =	simm.s32 $0x2800  }
0x1b: {  	s16 =	simm.s32 $0x1;
	s21 =	simm.s32 $0x5;
	[dreg:$0xa] =	wrdreg s13  }
0x1c: {  	s18 =	smul.u32 $0x2800, s9;
	s5 =	sadd.s32 $0x16600, s5;
	s2 =	sadd.s32 $0x15C00, s2  }
0x1d: {  	s9 =	simm.s32 $0x6800;
	s13 =	simm.s32 $0x8800;
	[dreg:$0x10] =	wrdreg s5  }
0x1e: {  	v0 =	vimm.f32 $0.0e+00;
	v1 =	vimm.f32 $1.000000000e+00;
	[dreg:$0x11] =	wrdreg s2;
	s2 =	simm.s32 $0x5800;
	s5 =	simm.s32 $0x2780  }
.LBB2_1:
0x1f: {  	[dreg:$0x5] =	wrdreg s25;
	s25 =	simm.s32 $0x0;
	s29 =	simm.s32 $0x200  }
.LBB2_2:
0x20: {  	p1 =	sne.s32 s29, $0xFE00;
	[tilespmem:s25+$0x2870] =	vst v0  }
0x21: {  	[tilespmem:s25+$0x2800] =	vst v0  }
0x22: {  	[tilespmem:s25+$0x2810] =	vst v0  }
.Ltmp0:
0x23: {  	[tilespmem:s25+$0x2820] =	vst v0;
	(pc) =	sbr.rel @p1 .LBB2_2-.Ltmp0, $4  }
0x24: {  	[tilespmem:s25+$0x2830] =	vst v0  }
0x25: {  	[tilespmem:s25+$0x2840] =	vst v0  }
0x26: {  	[tilespmem:s25+$0x2850] =	vst v0  }
0x27: {  	[tilespmem:s25+$0x2860] =	vst v0;
	s25 =	sshra.s32 s29, $0x2;
	s29 =	sadd.s32 $0x200, s29  }
0x28: {  	[tilespmem:s25+$0x2870] =	vst v0  }
0x29: {  	[tilespmem:s25+$0x2800] =	vst v0  }
0x2a: {  	[tilespmem:s25+$0x2810] =	vst v0  }
0x2b: {  	[tilespmem:s25+$0x2820] =	vst v0  }
0x2c: {  	[tilespmem:s25+$0x2830] =	vst v0  }
0x2d: {  	[tilespmem:s25+$0x2840] =	vst v0  }
0x2e: {  	[tilespmem:s25+$0x2850] =	vst v0  }
0x2f: {  	[tilespmem:s25+$0x2860] =	vst v0;
	s10 =	rddreg [dreg:$0x6]  }
0x30: {  	[spmem:s10] =	stream.linear.scatter [tilespmem:s22], [sflag:$0x6], $0x4000, $0x38;
	[tilespmem:$0x1E6F8] =	vst v63  }
0x31: {  	_ =	swait.ge [sflag:s23], $0x4000  }
0x32: {  	[sflag:s23] =	ssyncset.done $0x0  }
0x33: {  	s31 =	rddreg [dreg:$0x7];
	[sflag:s23] =	ssyncadd.s32 $0xFFFFC000  }
0x34: {  	[spmem:s31] =	stream.linear.scatter [tilespmem:s22], [sflag:$0x6], $0x4000, $0x38;
	[tilespmem:$0x1E6F8] =	vst v63  }
0x35: {  	_ =	swait.ge [sflag:s23], $0x4000  }
0x36: {  	[sflag:s23] =	ssyncset.done $0x0  }
0x37: {  	s25 =	rddreg [dreg:$0x8];
	[sflag:s23] =	ssyncadd.s32 $0xFFFFC000  }
0x38: {  	[spmem:s25] =	stream.linear.scatter [tilespmem:s22], [sflag:$0x6], $0x4000, $0x38;
	[tilespmem:$0x1E6F8] =	vst v63  }
0x39: {  	_ =	swait.ge [sflag:s23], $0x4000  }
0x3a: {  	[sflag:s23] =	ssyncset.done $0x0  }
0x3b: {  	s31 =	rddreg [dreg:$0x9];
	[sflag:s23] =	ssyncadd.s32 $0xFFFFC000  }
0x3c: {  	[spmem:s31] =	stream.linear.scatter [tilespmem:s22], [sflag:$0x6], $0x4000, $0x38;
	[tilespmem:$0x1E6F8] =	vst v63  }
0x3d: {  	_ =	swait.ge [sflag:s23], $0x4000  }
0x3e: {  	[sflag:s23] =	ssyncset.done $0x0  }
0x3f: {  	s25 =	rddreg [dreg:$0xa];
	[sflag:s23] =	ssyncadd.s32 $0xFFFFC000  }
0x40: {  	[spmem:s25] =	stream.linear.scatter [tilespmem:s22], [sflag:$0x6], $0x3C00, $0x38;
	[tilespmem:$0x1E6F8] =	vst v63  }
0x41: {  	_ =	swait.ge [sflag:s23], $0x3C00  }
0x42: {  	[sflag:s23] =	ssyncset.done $0x0  }
0x43: {  	[sflag:s23] =	ssyncadd.s32 $0xFFFFC400  }
0x44: {  	[tilespmem:$0x1E400] =	vst v0  }
0x45: {  	[tilespmem:$0x1E410] =	vst v0  }
0x46: {  	[tilespmem:$0x1E420] =	vst v0  }
0x47: {  	[tilespmem:$0x1E430] =	vst v0  }
0x48: {  	[tilespmem:$0x1E440] =	vst v0  }
0x49: {  	[tilespmem:$0x1E450] =	vst v0  }
0x4a: {  	[tilespmem:$0x1E460] =	vst v0  }
0x4b: {  	s31 =	rddreg [dreg:$0xb];
	[tilespmem:$0x1E470] =	vst v0  }
0x4c: {  	[spmem:s31] =	stream.linear.scatter [tilespmem:s24], [sflag:$0x6], $0x80, $0x38;
	[tilespmem:$0x1E6F8] =	vst v63  }
0x4d: {  	_ =	swait.ge [sflag:s23], $0x80  }
0x4e: {  	[sflag:s23] =	ssyncset.done $0x0  }
0x4f: {  	s25 =	rddreg [dreg:$0xc];
	[sflag:s23] =	ssyncadd.s32 $0xFFFFFF80  }
0x50: {  	[spmem:s25] =	stream.linear.scatter [tilespmem:s24], [sflag:$0x6], $0x80, $0x38;
	[tilespmem:$0x1E6F8] =	vst v63  }
0x51: {  	_ =	swait.ge [sflag:s23], $0x80  }
0x52: {  	[sflag:s23] =	ssyncset.done $0x0  }
0x53: {  	s31 =	rddreg [dreg:$0xd];
	[sflag:s23] =	ssyncadd.s32 $0xFFFFFF80  }
0x54: {  	[spmem:s31] =	stream.linear.scatter [tilespmem:s24], [sflag:$0x6], $0x80, $0x38;
	[tilespmem:$0x1E6F8] =	vst v63  }
0x55: {  	_ =	swait.ge [sflag:s23], $0x80  }
0x56: {  	[sflag:s23] =	ssyncset.done $0x0  }
0x57: {  	s25 =	rddreg [dreg:$0xe];
	[sflag:s23] =	ssyncadd.s32 $0xFFFFFF80  }
0x58: {  	[spmem:s25] =	stream.linear.scatter [tilespmem:s24], [sflag:$0x6], $0x80, $0x38;
	[tilespmem:$0x1E6F8] =	vst v63  }
0x59: {  	_ =	swait.ge [sflag:s23], $0x80  }
0x5a: {  	[sflag:s23] =	ssyncset.done $0x0  }
0x5b: {  	s31 =	rddreg [dreg:$0xf];
	[sflag:s23] =	ssyncadd.s32 $0xFFFFFF80  }
0x5c: {  	[spmem:s31] =	stream.linear.scatter [tilespmem:s24], [sflag:$0x6], $0x78, $0x38;
	[tilespmem:$0x1E6F8] =	vst v63  }
0x5d: {  	_ =	swait.ge [sflag:s23], $0x78  }
0x5e: {  	[sflag:s23] =	ssyncset.done $0x0  }
0x5f: {  	[sflag:s23] =	ssyncadd.s32 $0xFFFFFF88  }
0x60: {  	[tilespmem:$0x1E400] =	vst v1  }
0x61: {  	[tilespmem:$0x1E410] =	vst v1  }
0x62: {  	[tilespmem:$0x1E420] =	vst v1  }
0x63: {  	[tilespmem:$0x1E430] =	vst v1  }
0x64: {  	[tilespmem:$0x1E440] =	vst v1  }
0x65: {  	[tilespmem:$0x1E450] =	vst v1  }
0x66: {  	[tilespmem:$0x1E460] =	vst v1  }
0x67: {  	p2 =	por $0x1, $0x1;
	[tilespmem:$0x1E470] =	vst v1  }
0x68: {  	s29 =	simm.s32 $0x0;
	s25 =	simm.s32 $0x0;
	[bflag:$0x0] =	sbarrier.arrive $0xFFFF  }
.LBB2_4:
0x69: {  	s29 =	sadd.s32 s18, s29  }
0x6a: {  	s29 =	sshrl.u32 s29, $0x3  }
0x6b: {  	s31 =	sadd.s32 s6, s29  }
0x6c: {  	[tilespmem:s25], [sflag:$0x6] =	stream.linear.gather [hbm4b:s31+s25], $0x1400, $0x38;
	[tilespmem:$0x1E6F8] =	vst v63  }
0x6d: {  	_ =	swait.ge [sflag:s23], $0x1400  }
0x6e: {  	[sflag:s23] =	ssyncset.done $0x0  }
0x6f: {  	s10 =	simm.s32 $0x1400;
	s29 =	sadd.s32 s7, s29;
	[sflag:s23] =	ssyncadd.s32 $0xFFFFEC00  }
0x70: {  	[tilespmem:s10], [sflag:$0x6] =	stream.linear.gather [hbm4b:s29+s25], $0x1400, $0x38;
	[tilespmem:$0x1E6F8] =	vst v63  }
0x71: {  	_ =	swait.ge [sflag:s23], $0x1400  }
0x72: {  	[sflag:s23] =	ssyncset.done $0x0  }
0x73: {  	[sflag:s23] =	ssyncadd.s32 $0xFFFFEC00  }
0x74: {  	[tilespmem:s22], [sflag:$0x1] =	stream.indirect.gather [hbm4b:s0+s26], $0x80, s25, s26, $0xb8;
	[tilespmem:$0x1E6F8] =	vst v63  }
0x75: {  	_ = 	snop  }
0x76: {  	[tilespmem:s28], [sflag:$0x1] =	stream.indirect.gather [hbm4b:s0+s26], $0x80, s26, s26, $0xb8;
	[tilespmem:$0x1E6F8] =	vst v63  }
0x77: {  	s31 =	simm.s32 $0x40  }
0x78: {  	[tilespmem:s30], [sflag:$0x1] =	stream.indirect.gather [hbm4b:s0+s26], $0x80, s31, s26, $0xb8;
	[tilespmem:$0x1E6F8] =	vst v63  }
0x79: {  	s31 =	simm.s32 $0x60  }
0x7a: {  	[tilespmem:s2], [sflag:$0x1] =	stream.indirect.gather [hbm4b:s0+s26], $0x80, s31, s26, $0xb8;
	[tilespmem:$0x1E6F8] =	vst v63  }
0x7b: {  	_ = 	snop  }
0x7c: {  	[tilespmem:s9], [sflag:$0x2] =	stream.indirect.gather [hbm4b:s0+s26], $0x80, s4, s26, $0xb8;
	[tilespmem:$0x1E6F8] =	vst v63  }
0x7d: {  	s31 =	simm.s32 $0xA0  }
0x7e: {  	[tilespmem:s11], [sflag:$0x2] =	stream.indirect.gather [hbm4b:s0+s26], $0x80, s31, s26, $0xb8;
	[tilespmem:$0x1E6F8] =	vst v63  }
0x7f: {  	_ = 	snop  }
0x80: {  	[tilespmem:s13], [sflag:$0x2] =	stream.indirect.gather [hbm4b:s0+s26], $0x80, s12, s26, $0xb8;
	[tilespmem:$0x1E6F8] =	vst v63  }
0x81: {  	_ = 	snop  }
0x82: {  	[tilespmem:s15], [sflag:$0x2] =	stream.indirect.gather [hbm4b:s0+s26], $0x80, s14, s26, $0xb8;
	[tilespmem:$0x1E6F8] =	vst v63  }
0x83: {  	_ =	swait.ge [sflag:s16], $0x1000  }
0x84: {  	[sflag:s16] =	ssyncset.done $0x0  }
0x85: {  	[sflag:s16] =	ssyncadd.s32 $0xFFFFF000  }
0x86: {  	_ =	swait.ge [sflag:s16], $0x1000  }
0x87: {  	[sflag:s16] =	ssyncset.done $0x0  }
0x88: {  	[sflag:s16] =	ssyncadd.s32 $0xFFFFF000  }
0x89: {  	_ =	swait.ge [sflag:s16], $0x1000  }
0x8a: {  	[sflag:s16] =	ssyncset.done $0x0  }
0x8b: {  	[sflag:s16] =	ssyncadd.s32 $0xFFFFF000  }
0x8c: {  	_ =	swait.ge [sflag:s16], $0x1000  }
0x8d: {  	[sflag:s16] =	ssyncset.done $0x0  }
0x8e: {  	s29 =	simm.s32 $0x1400;
	[sflag:s16] =	ssyncadd.s32 $0xFFFFF000  }
0x8f: {  	[spmem:s1] =	stream.indirect.scatter.add.f32 [tilespmem:s22], [sflag:$0x3], $0x80, s29, s4, $0xb8;
	[tilespmem:$0x1E6F8] =	vst v63  }
0x90: {  	_ = 	snop  }
0x91: {  	[spmem:s3] =	stream.indirect.scatter.add.f32 [tilespmem:s24], [sflag:$0x5], $0x1, s29, s4, $0xb8;
	[tilespmem:$0x1E6F8] =	vst v63  }
0x92: {  	_ =	swait.ge [sflag:s17], $0x1000  }
0x93: {  	[sflag:s17] =	ssyncset.done $0x0  }
0x94: {  	[sflag:s17] =	ssyncadd.s32 $0xFFFFF000  }
0x95: {  	_ =	swait.ge [sflag:s17], $0x1000  }
0x96: {  	[sflag:s17] =	ssyncset.done $0x0  }
0x97: {  	[sflag:s17] =	ssyncadd.s32 $0xFFFFF000  }
0x98: {  	_ =	swait.ge [sflag:s17], $0x1000  }
0x99: {  	[sflag:s17] =	ssyncset.done $0x0  }
0x9a: {  	[sflag:s17] =	ssyncadd.s32 $0xFFFFF000  }
0x9b: {  	_ =	swait.ge [sflag:s17], $0x1000  }
0x9c: {  	[sflag:s17] =	ssyncset.done $0x0  }
0x9d: {  	s29 =	simm.s32 $0x1480;
	[sflag:s17] =	ssyncadd.s32 $0xFFFFF000  }
0x9e: {  	[spmem:s1] =	stream.indirect.scatter.add.f32 [tilespmem:s9], [sflag:$0x4], $0x80, s29, s4, $0xb8;
	[tilespmem:$0x1E6F8] =	vst v63  }
0x9f: {  	_ = 	snop  }
0xa0: {  	[spmem:s3] =	stream.indirect.scatter.add.f32 [tilespmem:s24], [sflag:$0x5], $0x1, s29, s4, $0xb8;
	[tilespmem:$0x1E6F8] =	vst v63  }
0xa1: {  	_ =	swait.ge [sflag:s19], $0x4000  }
0xa2: {  	[sflag:s19] =	ssyncset.done $0x0  }
0xa3: {  	s29 =	simm.s32 $0x100;
	[sflag:s19] =	ssyncadd.s32 $0xFFFFC000  }
0xa4: {  	[tilespmem:s22], [sflag:$0x1] =	stream.indirect.gather [hbm4b:s0+s26], $0x80, s29, s26, $0xb8;
	[tilespmem:$0x1E6F8] =	vst v63  }
0xa5: {  	s29 =	simm.s32 $0x120  }
0xa6: {  	[tilespmem:s28], [sflag:$0x1] =	stream.indirect.gather [hbm4b:s0+s26], $0x80, s29, s26, $0xb8;
	[tilespmem:$0x1E6F8] =	vst v63  }
0xa7: {  	s29 =	simm.s32 $0x140  }
0xa8: {  	[tilespmem:s30], [sflag:$0x1] =	stream.indirect.gather [hbm4b:s0+s26], $0x80, s29, s26, $0xb8;
	[tilespmem:$0x1E6F8] =	vst v63  }
0xa9: {  	s29 =	simm.s32 $0x160  }
0xaa: {  	[tilespmem:s2], [sflag:$0x1] =	stream.indirect.gather [hbm4b:s0+s26], $0x80, s29, s26, $0xb8;
	[tilespmem:$0x1E6F8] =	vst v63  }
0xab: {  	_ =	swait.ge [sflag:s20], $0x4000  }
0xac: {  	[sflag:s20] =	ssyncset.done $0x0  }
0xad: {  	s29 =	simm.s32 $0x180;
	[sflag:s20] =	ssyncadd.s32 $0xFFFFC000  }
0xae: {  	[tilespmem:s9], [sflag:$0x2] =	stream.indirect.gather [hbm4b:s0+s26], $0x80, s29, s26, $0xb8;
	[tilespmem:$0x1E6F8] =	vst v63  }
0xaf: {  	s29 =	simm.s32 $0x1A0  }
0xb0: {  	[tilespmem:s11], [sflag:$0x2] =	stream.indirect.gather [hbm4b:s0+s26], $0x80, s29, s26, $0xb8;
	[tilespmem:$0x1E6F8] =	vst v63  }
0xb1: {  	s29 =	simm.s32 $0x1C0  }
0xb2: {  	[tilespmem:s13], [sflag:$0x2] =	stream.indirect.gather [hbm4b:s0+s26], $0x80, s29, s26, $0xb8;
	[tilespmem:$0x1E6F8] =	vst v63  }
0xb3: {  	s29 =	simm.s32 $0x1E0  }
0xb4: {  	[tilespmem:s15], [sflag:$0x2] =	stream.indirect.gather [hbm4b:s0+s26], $0x80, s29, s26, $0xb8;
	[tilespmem:$0x1E6F8] =	vst v63  }
0xb5: {  	_ =	swait.ge [sflag:s21], $0x80  }
0xb6: {  	[sflag:s21] =	ssyncset.done $0x0  }
0xb7: {  	[sflag:s21] =	ssyncadd.s32 $0xFFFFFF80  }
0xb8: {  	_ =	swait.ge [sflag:s21], $0x80  }
0xb9: {  	p1 =	por p2, p2;
	s29 =	simm.s32 $0x400;
	[sflag:s21] =	ssyncset.done $0x0  }
.LBB2_5:
0xba: {  	p2 =	sne.s32 s29, $0x4800  }
0xbb: {  	[sflag:s21] =	ssyncadd.s32 $0xFFFFFF80;
	s31 =	smov.u32 s29;
	s29 =	sadd.s32 $0x400, s29  }
0xbc: {  	_ =	swait.ge [sflag:s16], $0x1000  }
0xbd: {  	[sflag:s16] =	ssyncset.done $0x0  }
0xbe: {  	[sflag:s16] =	ssyncadd.s32 $0xFFFFF000  }
0xbf: {  	_ =	swait.ge [sflag:s16], $0x1000  }
0xc0: {  	[sflag:s16] =	ssyncset.done $0x0  }
0xc1: {  	[sflag:s16] =	ssyncadd.s32 $0xFFFFF000  }
0xc2: {  	_ =	swait.ge [sflag:s16], $0x1000  }
0xc3: {  	[sflag:s16] =	ssyncset.done $0x0  }
0xc4: {  	[sflag:s16] =	ssyncadd.s32 $0xFFFFF000  }
0xc5: {  	_ =	swait.ge [sflag:s16], $0x1000  }
0xc6: {  	s31 =	sshra.s32 s31, $0x2;
	[sflag:s16] =	ssyncset.done $0x0  }
0xc7: {  	s10 =	sadd.s32 $0x1400, s31;
	[sflag:s16] =	ssyncadd.s32 $0xFFFFF000  }
0xc8: {  	[spmem:s1] =	stream.indirect.scatter.add.f32 [tilespmem:s22], [sflag:$0x3], $0x80, s10, s4, $0xb8;
	[tilespmem:$0x1E6F8] =	vst v63  }
0xc9: {  	_ = 	snop  }
0xca: {  	[spmem:s3] =	stream.indirect.scatter.add.f32 [tilespmem:s24], [sflag:$0x5], $0x1, s10, s4, $0xb8;
	[tilespmem:$0x1E6F8] =	vst v63  }
0xcb: {  	_ =	swait.ge [sflag:s17], $0x1000  }
0xcc: {  	[sflag:s17] =	ssyncset.done $0x0  }
0xcd: {  	[sflag:s17] =	ssyncadd.s32 $0xFFFFF000  }
0xce: {  	_ =	swait.ge [sflag:s17], $0x1000  }
0xcf: {  	[sflag:s17] =	ssyncset.done $0x0  }
0xd0: {  	[sflag:s17] =	ssyncadd.s32 $0xFFFFF000  }
0xd1: {  	_ =	swait.ge [sflag:s17], $0x1000  }
0xd2: {  	[sflag:s17] =	ssyncset.done $0x0  }
0xd3: {  	[sflag:s17] =	ssyncadd.s32 $0xFFFFF000  }
0xd4: {  	_ =	swait.ge [sflag:s17], $0x1000  }
0xd5: {  	[sflag:s17] =	ssyncset.done $0x0  }
0xd6: {  	s10 =	sadd.s32 $0x1480, s31;
	[sflag:s17] =	ssyncadd.s32 $0xFFFFF000  }
0xd7: {  	[spmem:s1] =	stream.indirect.scatter.add.f32 [tilespmem:s9], [sflag:$0x4], $0x80, s10, s4, $0xb8;
	[tilespmem:$0x1E6F8] =	vst v63  }
0xd8: {  	_ = 	snop  }
0xd9: {  	[spmem:s3] =	stream.indirect.scatter.add.f32 [tilespmem:s24], [sflag:$0x5], $0x1, s10, s4, $0xb8;
	[tilespmem:$0x1E6F8] =	vst v63  }
0xda: {  	_ =	swait.ge [sflag:s19], $0x4000  }
0xdb: {  	[sflag:s19] =	ssyncset.done $0x0  }
0xdc: {  	s10 =	sadd.s32 $0x100, s31;
	[sflag:s19] =	ssyncadd.s32 $0xFFFFC000  }
0xdd: {  	[tilespmem:s22], [sflag:$0x1] =	stream.indirect.gather [hbm4b:s0+s26], $0x80, s10, s26, $0xb8;
	[tilespmem:$0x1E6F8] =	vst v63  }
0xde: {  	s10 =	sadd.s32 $0x120, s31  }
0xdf: {  	[tilespmem:s28], [sflag:$0x1] =	stream.indirect.gather [hbm4b:s0+s26], $0x80, s10, s26, $0xb8;
	[tilespmem:$0x1E6F8] =	vst v63  }
0xe0: {  	s10 =	sadd.s32 $0x140, s31  }
0xe1: {  	[tilespmem:s30], [sflag:$0x1] =	stream.indirect.gather [hbm4b:s0+s26], $0x80, s10, s26, $0xb8;
	[tilespmem:$0x1E6F8] =	vst v63  }
0xe2: {  	s10 =	sadd.s32 $0x160, s31  }
0xe3: {  	[tilespmem:s2], [sflag:$0x1] =	stream.indirect.gather [hbm4b:s0+s26], $0x80, s10, s26, $0xb8;
	[tilespmem:$0x1E6F8] =	vst v63  }
0xe4: {  	_ =	swait.ge [sflag:s20], $0x4000  }
0xe5: {  	[sflag:s20] =	ssyncset.done $0x0  }
0xe6: {  	s10 =	sadd.s32 $0x180, s31;
	[sflag:s20] =	ssyncadd.s32 $0xFFFFC000  }
0xe7: {  	[tilespmem:s9], [sflag:$0x2] =	stream.indirect.gather [hbm4b:s0+s26], $0x80, s10, s26, $0xb8;
	[tilespmem:$0x1E6F8] =	vst v63  }
0xe8: {  	s10 =	sadd.s32 $0x1A0, s31  }
0xe9: {  	[tilespmem:s11], [sflag:$0x2] =	stream.indirect.gather [hbm4b:s0+s26], $0x80, s10, s26, $0xb8;
	[tilespmem:$0x1E6F8] =	vst v63  }
0xea: {  	s10 =	sadd.s32 $0x1C0, s31  }
0xeb: {  	[tilespmem:s13], [sflag:$0x2] =	stream.indirect.gather [hbm4b:s0+s26], $0x80, s10, s26, $0xb8;
	[tilespmem:$0x1E6F8] =	vst v63  }
0xec: {  	s10 =	sadd.s32 $0x1E0, s31  }
0xed: {  	[tilespmem:s15], [sflag:$0x2] =	stream.indirect.gather [hbm4b:s0+s26], $0x80, s10, s26, $0xb8;
	[tilespmem:$0x1E6F8] =	vst v63  }
.Ltmp1:
0xee: {  	_ =	swait.ge [sflag:s21], $0x80;
	(pc) =	sbr.rel @p2 .LBB2_5-.Ltmp1, $4  }
0xef: {  	[sflag:s21] =	ssyncset.done $0x0  }
0xf0: {  	[sflag:s21] =	ssyncadd.s32 $0xFFFFFF80  }
0xf1: {  	_ =	swait.ge [sflag:s21], $0x80  }
0xf2: {  	[sflag:s21] =	ssyncset.done $0x0  }
0xf3: {  	[sflag:s21] =	ssyncadd.s32 $0xFFFFFF80  }
0xf4: {  	_ =	swait.ge [sflag:s16], $0x1000  }
0xf5: {  	[sflag:s16] =	ssyncset.done $0x0  }
0xf6: {  	[sflag:s16] =	ssyncadd.s32 $0xFFFFF000  }
0xf7: {  	_ =	swait.ge [sflag:s16], $0x1000  }
0xf8: {  	[sflag:s16] =	ssyncset.done $0x0  }
0xf9: {  	[sflag:s16] =	ssyncadd.s32 $0xFFFFF000  }
0xfa: {  	_ =	swait.ge [sflag:s16], $0x1000  }
0xfb: {  	[sflag:s16] =	ssyncset.done $0x0  }
0xfc: {  	[sflag:s16] =	ssyncadd.s32 $0xFFFFF000  }
0xfd: {  	_ =	swait.ge [sflag:s16], $0x1000  }
0xfe: {  	[sflag:s16] =	ssyncset.done $0x0  }
0xff: {  	[sflag:s16] =	ssyncadd.s32 $0xFFFFF000  }
0x100: {  	[spmem:s1] =	stream.indirect.scatter.add.f32 [tilespmem:s22], [sflag:$0x6], $0x80, s8, s4, $0xb8;
	[tilespmem:$0x1E6F8] =	vst v63  }
0x101: {  	_ =	swait.ge [sflag:s23], $0x4000  }
0x102: {  	[sflag:s23] =	ssyncset.done $0x0  }
0x103: {  	[sflag:s23] =	ssyncadd.s32 $0xFFFFC000  }
0x104: {  	_ =	swait.ge [sflag:s17], $0x1000  }
0x105: {  	[sflag:s17] =	ssyncset.done $0x0  }
0x106: {  	[sflag:s17] =	ssyncadd.s32 $0xFFFFF000  }
0x107: {  	_ =	swait.ge [sflag:s17], $0x1000  }
0x108: {  	[sflag:s17] =	ssyncset.done $0x0  }
0x109: {  	[sflag:s17] =	ssyncadd.s32 $0xFFFFF000  }
0x10a: {  	_ =	swait.ge [sflag:s17], $0x1000  }
0x10b: {  	[sflag:s17] =	ssyncset.done $0x0  }
0x10c: {  	[sflag:s17] =	ssyncadd.s32 $0xFFFFF000  }
0x10d: {  	_ =	swait.ge [sflag:s17], $0x1000  }
0x10e: {  	[sflag:s17] =	ssyncset.done $0x0  }
0x10f: {  	[sflag:s17] =	ssyncadd.s32 $0xFFFFF000  }
0x110: {  	[spmem:s1] =	stream.indirect.scatter.add.f32 [tilespmem:s9], [sflag:$0x6], $0x80, s5, s4, $0xb8;
	[tilespmem:$0x1E6F8] =	vst v63  }
0x111: {  	_ =	swait.ge [sflag:s23], $0x4000  }
0x112: {  	[sflag:s23] =	ssyncset.done $0x0  }
0x113: {  	[sflag:s23] =	ssyncadd.s32 $0xFFFFC000  }
0x114: {  	[spmem:s3] =	stream.indirect.scatter.add.f32 [tilespmem:s24], [sflag:$0x6], $0x1, s8, s4, $0xb8;
	[tilespmem:$0x1E6F8] =	vst v63  }
0x115: {  	_ =	swait.ge [sflag:s23], $0x80  }
0x116: {  	[sflag:s23] =	ssyncset.done $0x0  }
.Ltmp2:
0x117: {  	[sflag:s23] =	ssyncadd.s32 $0xFFFFFF80;
	(pc) =	sbr.rel @p1 .LBB2_4-.Ltmp2, $4  }
0x118: {  	[spmem:s3] =	stream.indirect.scatter.add.f32 [tilespmem:s24], [sflag:$0x6], $0x1, s5, s4, $0xb8;
	[tilespmem:$0x1E6F8] =	vst v63  }
0x119: {  	_ =	swait.ge [sflag:s23], $0x80  }
0x11a: {  	[sflag:s23] =	ssyncset.done $0x0  }
0x11b: {  	s29 =	simm.s32 $0x1400;
	p2 =	por $0x0, $0x0;
	[sflag:s23] =	ssyncadd.s32 $0xFFFFFF80  }
0x11c: {  	s10 =	stileid.u32;
	[bflag:$0x0] =	sbarrier.arrive $0xFFFF  }
0x11d: {  	s10 =	sshll.u32 s10, $0x6;
	s25 =	rddreg [dreg:$0x6]  }
0x11e: {  	s29 =	rddreg [dreg:$0x10];
	s10 =	sor.u32 $0x1C06, s10;
	s25 =	sshrl.u32 s25, $0x3  }
0x11f: {  	[hbm:s29], [sflag:s10] =	dma.local [spmem:s25], $0x2780  }
0x120: {  	s12 =	simm.s32 @!p0 $0x1;
	_ =	swait.ge [sflag:s23], $0x2780  }
0x121: {  	s14 =	simm.s32 @!p0 $0x20;
	s25 =	sshrl.u32 @!p0 s3, $0x3;
	[sflag:s23] =	ssyncset.done $0x0  }
0x122: {  	s29 =	simm.s32 @!p0 $0x10;
	s31 =	rddreg [dreg:$0x11];
	[sflag:s23] =	ssyncadd.s32 $0xFFFFD880  }
0x123: {  	[hbm:s31@s14], [sflag:s10] =	dma.strided @!p0 [spmem:s25@s29], $0x4F0, s12, $0x10   }
0x124: {  	s10 =	simm.s32 @!p0 $0x6  }
0x125: {  	_ =	swait.ge @!p0 [sflag:s10], $0x4F0  }
0x126: {  	s29 =	rddreg [dreg:$0x5]  }
0x127: {  	s31 =	rddreg [dreg:$0x12];
	s25 =	sadd.s32 $0x1, s29  }
0x128: {  	p1 =	sne.s32 s25, s31  }
.Ltmp3:
0x129: {  	_ = 	snop;
	(pc) =	sbr.rel @p1 .LBB2_1-.Ltmp3, $3  }
0x12a: {  	_ =	sdelay $0x1  }
0x12b: {  	[sflag:s10] =	ssyncset.done @!p0 $0x0  }
0x12c: {  	s14 =	simm.s32 $0xE0;
	s12 =	simm.s32 $0xC0;
	[sflag:s10] =	ssyncadd.s32 @!p0 $0xFFFFFB10  }
0x12d: {  	_ =	sfence.sel $0x180000  }
0x12e: {  	[bflag:$0x0] =	sbarrier.arrive $0xFFFF  }
0x12f: {  	_ =	strace $0x90000047  }
0x130: {  	[bflag:$0x2] =	sbarrier.arrive $0xFFFF  }
0x131: {  	s0 =	rddreg [dreg:$0x4]  }
0x132: {  	s0 =	sadd.s32 @!p0 $0x100000, s0  }
0x133: {  	[sflag:s0] =	ssyncadd.tile.s32 @!p0 $0x1;
	_ =	shalt  }
.Lfunc_end2:
_tile_overlayer_lowered:
.L_overlay_start_2:
0x134: {  	(tag) =	ssettag $0x2  }
0x135: {  	s0 =	rddreg [dreg:$0x0];
	s2 =	stileid.u32  }
0x136: {  	s1 =	rddreg [dreg:$0x1];
	p0 =	sne.s32 s2, $0x0  }
0x137: {  	s3 =	rddreg [dreg:$0x2];
	[bflag:$0x3] =	sbarrier.arrive $0xFFFF;
	s2 =	simm.s32 @!p0 $0x1C06  }
0x138: {  	[timem:s3], [sflag:s2] =	dma.local @!p0 [hbm:s0], s1  }
0x139: {  	s0 =	simm.s32 @!p0 $0x6  }
0x13a: {  	_ =	swait.ge @!p0 [sflag:s0], s1  }
0x13b: {  	s1 =	ssub.s32 @!p0 $0x0, s1;
	[sflag:s0] =	ssyncset.done @!p0 $0x0  }
0x13c: {  	[sflag:s0] =	ssyncadd.s32 @!p0 s1  }
0x13d: {  	[bflag:$0x3] =	sbarrier.arrive $0xFFFF  }
0x13e: {  	_ =	shalt  }

</sc_bundles>
